<compile_context>
chip_gen: v7x
topology: tpu7x:2x2x1
jax: 0.10.2.dev20260603
libtpu: 0.0.44.dev20260713+nightly
codegen_flags: <defaults>
</compile_context>

<pallas_src>
import jax
import jax.numpy as jnp
from jax import lax
from jax.experimental import pallas as pl
from jax.experimental.pallas import tpu as pltpu
from jax.experimental.pallas import tpu_sc as plsc

F32 = jnp.float32
N = 10000
E = 320000
G = 64
NC, NS = 2, 16
NW = NC * NS
EPT = E // NW
CH = 80
NCHUNK = EPT // CH
BE = 2560
BN = 2000

_PREC = lax.Precision.HIGHEST


def _leaky(v):
    return jnp.where(v >= 0, v, 0.01 * v)


def _dot(a, b):
    return jnp.dot(a, b, preferred_element_type=F32)


def _hdot(a, b):
    return jnp.dot(a, b, preferred_element_type=F32, precision=_PREC)



def _enc_node_body(xb, Wn, bn, ub, Wg, bg, h_out, g_out):
    h_out[...] = _leaky(_dot(xb[...], Wn[...]) + bn[...])
    g_out[...] = _leaky(_dot(ub[...], Wg[...]) + bg[...])


def _tables_body(hb, bb, gb, Ew1a, Ew1g, Eb1, Ew1b, Nw1aa, Nb1a, trow, tb):
    onehot = (bb[...] == lax.broadcasted_iota(jnp.int32, (BN, G), 1)).astype(F32)
    gterm = _dot(onehot, _hdot(gb[...], Ew1g[...]))
    ta = _dot(hb[...], Ew1a[...]) + gterm + Eb1[...]
    tcm = _dot(hb[...], Nw1aa[...]) + Nb1a[...]
    trow[...] = jnp.concatenate([ta, tcm], axis=1)
    tb[...] = _dot(hb[...], Ew1b[...])


def _enc_edge_fused(eat, We, be):
    pre = lax.dot_general(eat[...], We[...], (((0,), (0,)), ((), ())),
                          preferred_element_type=F32)
    return _leaky(pre + be[...])


def _edge1_body(drow, db, eat, We, be, Ew1c, Ew2, Eb2, Nw1ab, Nw1b, Nb1b,
                e_new, m_out):
    e0 = _enc_edge_fused(eat, We, be)
    pre = drow[:, :64] + db[...] + _dot(e0, Ew1c[...])
    hid = _leaky(pre)
    en = _dot(hid, Ew2[...]) + Eb2[...]
    e_new[...] = en
    m1 = _leaky(drow[:, 64:] + _dot(en, Nw1ab[...]))
    m_out[...] = _dot(m1, Nw1b[...]) + Nb1b[...]


def _edge2_body(drow, db, eb, Ew1c, Ew2, Eb2, Nw1ab, Nw1b, Nb1b, DwT, Db,
                m_out, eoT_out):
    pre = drow[:, :64] + db[...] + _dot(eb[...], Ew1c[...])
    hid = _leaky(pre)
    en = _dot(hid, Ew2[...]) + Eb2[...]
    m1 = _leaky(drow[:, 64:] + _dot(en, Nw1ab[...]))
    m_out[...] = _dot(m1, Nw1b[...]) + Nb1b[...]
    eoT_out[...] = lax.dot_general(DwT[...], en, (((1,), (1,)), ((), ())),
                                   preferred_element_type=F32) + Db[...]


def _node_body(hb, aggp, cntp, bc, br, gb,
               Nw2ah, Nw2aa, Nw2ag, Nb2a, Nw2b, Nb2b,
               Gw1g, Gw1n, Gb1, Gw2, Gb2, Vw1, Vb1, Vw2, Vb2,
               h_new, g_new, value):
    cnt = cntp[0, :, 0:1] + cntp[1, :, 0:1]
    agg = (aggp[0] + aggp[1]) / jnp.maximum(cnt, 1.0)
    onehot = (bc[...] == lax.broadcasted_iota(jnp.int32, (N, G), 1)).astype(F32)
    onehotT = (br[...] == lax.broadcasted_iota(jnp.int32, (G, N), 0)).astype(F32)
    gn = _dot(onehot, _hdot(gb[...], Nw2ag[...])) + Nb2a[...]
    hid = _leaky(_dot(hb[...], Nw2ah[...]) + _dot(agg, Nw2aa[...]) + gn)
    hn = _dot(hid, Nw2b[...]) + Nb2b[...]
    h_new[...] = hn
    nsum = _hdot(onehotT, hn)
    ncnt = _hdot(onehotT, jnp.ones((N, 1), F32))
    nmean = nsum / jnp.maximum(ncnt, 1.0)
    ghid = _leaky(_hdot(gb[...], Gw1g[...]) + _hdot(nmean, Gw1n[...]) + Gb1[...])
    gnew = _hdot(ghid, Gw2[...]) + Gb2[...]
    g_new[...] = gnew
    value[...] = _hdot(_leaky(_hdot(gnew, Vw1[...]) + Vb1[...]), Vw2[...]) + Vb2[...]


def _full(shape):
    return pl.BlockSpec(shape, lambda i: (0, 0))


def _enc_node(x, Wn, bn, u, Wg, bg):
    return pl.pallas_call(
        _enc_node_body,
        grid=(N // BN,),
        in_specs=[pl.BlockSpec((BN, 128), lambda i: (i, 0)),
                  _full((128, 64)), _full((1, 64)),
                  _full((G, 32)), _full((32, 32)), _full((1, 32))],
        out_specs=[pl.BlockSpec((BN, 64), lambda i: (i, 0)),
                   pl.BlockSpec((G, 32), lambda i: (0, 0))],
        out_shape=[jax.ShapeDtypeStruct((N, 64), F32),
                   jax.ShapeDtypeStruct((G, 32), F32)],
    )(x, Wn, bn, u, Wg, bg)


def _tables(h, batch_c, g, Ew1a, Ew1g, Eb1, Ew1b, Nw1aa, Nb1a):
    return pl.pallas_call(
        _tables_body,
        grid=(N // BN,),
        in_specs=[pl.BlockSpec((BN, 64), lambda i: (i, 0)),
                  pl.BlockSpec((BN, 1), lambda i: (i, 0)),
                  _full((G, 32)),
                  _full((64, 64)), _full((32, 64)), _full((1, 64)),
                  _full((64, 64)), _full((64, 64)), _full((1, 64))],
        out_specs=[pl.BlockSpec((BN, 128), lambda i: (i, 0)),
                   pl.BlockSpec((BN, 64), lambda i: (i, 0))],
        out_shape=[jax.ShapeDtypeStruct((N, 128), F32),
                   jax.ShapeDtypeStruct((N, 64), F32)],
    )(h, batch_c, g, Ew1a, Ew1g, Eb1, Ew1b, Nw1aa, Nb1a)


def _edge_stage1(drow, db, eat, We, be, Ew1c, Ew2, Eb2, Nw1ab, Nw1b, Nb1b):
    return pl.pallas_call(
        _edge1_body,
        grid=(E // BE,),
        in_specs=[pl.BlockSpec((BE, 128), lambda i: (i, 0)),
                  pl.BlockSpec((BE, 64), lambda i: (i, 0)),
                  pl.BlockSpec((16, BE), lambda i: (0, i)),
                  _full((16, 32)), _full((1, 32)),
                  _full((32, 64)), _full((64, 32)), _full((1, 32)),
                  _full((32, 64)), _full((64, 64)), _full((1, 64))],
        out_specs=[pl.BlockSpec((BE, 32), lambda i: (i, 0)),
                   pl.BlockSpec((BE, 64), lambda i: (i, 0))],
        out_shape=[jax.ShapeDtypeStruct((E, 32), F32),
                   jax.ShapeDtypeStruct((E, 64), F32)],
    )(drow, db, eat, We, be, Ew1c, Ew2, Eb2, Nw1ab, Nw1b, Nb1b)


def _edge_stage2(drow, db, e, Ew1c, Ew2, Eb2, Nw1ab, Nw1b, Nb1b, DwT, Db):
    return pl.pallas_call(
        _edge2_body,
        grid=(E // BE,),
        in_specs=[pl.BlockSpec((BE, 128), lambda i: (i, 0)),
                  pl.BlockSpec((BE, 64), lambda i: (i, 0)),
                  pl.BlockSpec((BE, 32), lambda i: (i, 0)),
                  _full((32, 64)), _full((64, 32)), _full((1, 32)),
                  _full((32, 64)), _full((64, 64)), _full((1, 64)),
                  _full((1, 32)), _full((1, 1))],
        out_specs=[pl.BlockSpec((BE, 64), lambda i: (i, 0)),
                   pl.BlockSpec((1, BE), lambda i: (0, i))],
        out_shape=[jax.ShapeDtypeStruct((E, 64), F32),
                   jax.ShapeDtypeStruct((1, E), F32)],
    )(drow, db, e, Ew1c, Ew2, Eb2, Nw1ab, Nw1b, Nb1b, DwT, Db)


def _node_stage(h, aggp, cntp, batch_c, batch_r, g, *weights):
    return pl.pallas_call(
        _node_body,
        out_shape=[jax.ShapeDtypeStruct((N, 64), F32),
                   jax.ShapeDtypeStruct((G, 32), F32),
                   jax.ShapeDtypeStruct((G, 1), F32)],
        compiler_params=pltpu.CompilerParams(vmem_limit_bytes=100 * 1024 * 1024),
    )(h, aggp, cntp, batch_c, batch_r, g, *weights)



_MESH = plsc.VectorSubcoreMesh(core_axis_name="c", subcore_axis_name="s",
                               num_cores=NC, num_subcores=NS)
_SC_PARAMS = pltpu.CompilerParams(use_tc_tiling_on_sc=False)


def _gather_kernel(trow, tb, rowm, colm, drow, db,
                   rowv, colv, grbuf, gcbuf, gsem, ssem):
    cid = lax.axis_index("c")
    sid = lax.axis_index("s")
    wid = sid * NC + cid
    ebase = wid * EPT
    pltpu.sync_copy(rowm.at[wid], rowv)
    pltpu.sync_copy(colm.at[wid], colv)
    pltpu.async_copy(trow.at[rowv.at[0]], grbuf.at[0], gsem)
    pltpu.async_copy(tb.at[colv.at[0]], gcbuf.at[0], gsem)

    def body(ci, carry):
        slot = lax.rem(ci, 2)
        other = 1 - slot

        @pl.when(ci >= 1)
        def _():
            pltpu.make_async_copy(grbuf.at[other], drow.at[pl.ds(0, CH)], ssem).wait()
            pltpu.make_async_copy(gcbuf.at[other], db.at[pl.ds(0, CH)], ssem).wait()

        @pl.when(ci + 1 < NCHUNK)
        def _():
            pltpu.async_copy(trow.at[rowv.at[ci + 1]], grbuf.at[other], gsem)
            pltpu.async_copy(tb.at[colv.at[ci + 1]], gcbuf.at[other], gsem)

        pltpu.make_async_copy(trow.at[rowv.at[ci]], grbuf.at[slot], gsem).wait()
        pltpu.make_async_copy(tb.at[colv.at[ci]], gcbuf.at[slot], gsem).wait()
        off = ebase + ci * CH
        pltpu.async_copy(grbuf.at[slot], drow.at[pl.ds(off, CH)], ssem)
        pltpu.async_copy(gcbuf.at[slot], db.at[pl.ds(off, CH)], ssem)
        return carry

    lax.fori_loop(0, NCHUNK, body, 0)
    pltpu.make_async_copy(grbuf.at[0], drow.at[pl.ds(0, CH)], ssem).wait()
    pltpu.make_async_copy(gcbuf.at[0], db.at[pl.ds(0, CH)], ssem).wait()


def _gather(trow, tb, rowm, colm):
    kern = pl.kernel(
        _gather_kernel,
        out_type=[jax.ShapeDtypeStruct((E, 128), F32),
                  jax.ShapeDtypeStruct((E, 64), F32)],
        mesh=_MESH,
        scratch_types=[pltpu.VMEM((NCHUNK, CH), jnp.int32),
                       pltpu.VMEM((NCHUNK, CH), jnp.int32),
                       pltpu.VMEM((2, CH, 128), F32),
                       pltpu.VMEM((2, CH, 64), F32),
                       pltpu.SemaphoreType.DMA,
                       pltpu.SemaphoreType.DMA],
        compiler_params=_SC_PARAMS,
    )
    return kern(trow, tb, rowm, colm)


def _scatter_kernel(m, colm, zeros, aggp, colv, mbuf, aggsh, sem):
    cid = lax.axis_index("c")
    sid = lax.axis_index("s")
    wid = sid * NC + cid

    @pl.when(sid < 10)
    def _():
        pltpu.sync_copy(zeros, aggsh.at[pl.ds(sid * 1000, 1000)])

    pltpu.sync_copy(colm.at[wid], colv)
    plsc.subcore_barrier()
    pltpu.async_copy(m.at[pl.ds(wid * EPT, CH)], mbuf.at[0], sem)

    def body(ci, carry):
        slot = lax.rem(ci, 2)

        @pl.when(ci + 1 < NCHUNK)
        def _():
            off = wid * EPT + (ci + 1) * CH
            pltpu.async_copy(m.at[pl.ds(off, CH)], mbuf.at[1 - slot], sem)

        pltpu.make_async_copy(m.at[pl.ds(0, CH)], mbuf.at[slot], sem).wait()
        pltpu.sync_copy(mbuf.at[slot], aggsh.at[colv.at[ci]], add=True)
        return carry

    lax.fori_loop(0, NCHUNK, body, 0)
    plsc.subcore_barrier()

    @pl.when(sid < 10)
    def _():
        pltpu.sync_copy(aggsh.at[pl.ds(sid * 1000, 1000)],
                        aggp.at[cid, pl.ds(sid * 1000, 1000)])


def _scatter(m, colm, zeros):
    kern = pl.kernel(
        _scatter_kernel,
        out_type=jax.ShapeDtypeStruct((NC, N, 64), F32),
        mesh=_MESH,
        scratch_types=[pltpu.VMEM((NCHUNK, CH), jnp.int32),
                       pltpu.VMEM((2, CH, 64), F32),
                       pltpu.VMEM_SHARED((N, 64), F32),
                       pltpu.SemaphoreType.DMA],
        compiler_params=_SC_PARAMS,
    )
    return kern(m, colm, zeros)


def _cnt_kernel(colm, zeros16, ones16, cntp, colv, obuf, cntsh):
    cid = lax.axis_index("c")
    sid = lax.axis_index("s")
    wid = sid * NC + cid

    @pl.when(sid < 10)
    def _():
        pltpu.sync_copy(zeros16, cntsh.at[pl.ds(sid * 1000, 1000)])

    pltpu.sync_copy(ones16, obuf)
    pltpu.sync_copy(colm.at[wid], colv)
    plsc.subcore_barrier()

    def body(ci, carry):
        pltpu.sync_copy(obuf, cntsh.at[colv.at[ci]], add=True)
        return carry

    lax.fori_loop(0, NCHUNK, body, 0)
    plsc.subcore_barrier()

    @pl.when(sid < 10)
    def _():
        pltpu.sync_copy(cntsh.at[pl.ds(sid * 1000, 1000)],
                        cntp.at[cid, pl.ds(sid * 1000, 1000)])


def _cnt(colm, zeros16, ones16):
    kern = pl.kernel(
        _cnt_kernel,
        out_type=jax.ShapeDtypeStruct((NC, N, 16), F32),
        mesh=_MESH,
        scratch_types=[pltpu.VMEM((NCHUNK, CH), jnp.int32),
                       pltpu.VMEM((CH, 16), F32),
                       pltpu.VMEM_SHARED((N, 16), F32)],
        compiler_params=_SC_PARAMS,
    )
    return kern(colm, zeros16, ones16)



def kernel(x, edge_index, edge_attr, u, batch, params):
    p = params
    row = edge_index[0]
    col = edge_index[1]
    rowm = row.reshape(NW, NCHUNK, CH)
    colm = col.reshape(NW, NCHUNK, CH)
    batch_c = batch.reshape(N, 1)
    batch_r = batch.reshape(1, N)
    zeros64 = jnp.zeros((1000, 64), F32)
    zeros16 = jnp.zeros((1000, 16), F32)
    ones16 = jnp.ones((CH, 16), F32)

    Ew1 = p['Ew1']
    Nw1a = p['Nw1a']
    Nw2a = p['Nw2a']
    Gw1 = p['Gw1']

    def r2(b):
        return b.reshape(1, -1)

    eat = edge_attr.T
    h, g = _enc_node(x, p['Wn'], r2(p['bn']), u, p['Wg'], r2(p['bg']))
    cntp = _cnt(colm, zeros16, ones16)

    node_w = (Nw2a[0:64], Nw2a[64:128], Nw2a[128:160], r2(p['Nb2a']),
              p['Nw2b'], r2(p['Nb2b']),
              Gw1[0:32], Gw1[32:96], r2(p['Gb1']), p['Gw2'], r2(p['Gb2']),
              p['Vw1'], r2(p['Vb1']), p['Vw2'], r2(p['Vb2']))

    def tables_gather(h, g):
        trow, tb = _tables(h, batch_c, g,
                           Ew1[0:64], Ew1[160:192], r2(p['Eb1']),
                           Ew1[64:128], Nw1a[0:64], r2(p['Nb1a']))
        return _gather(trow, tb, rowm, colm)

    edge_w = (Ew1[128:160], p['Ew2'], r2(p['Eb2']),
              Nw1a[64:96], p['Nw1b'], r2(p['Nb1b']))

    drow, db = tables_gather(h, g)
    e, m = _edge_stage1(drow, db, eat, p['We'], r2(p['be']), *edge_w)
    aggp = _scatter(m, colm, zeros64)
    h, g, _ = _node_stage(h, aggp, cntp, batch_c, batch_r, g, *node_w)

    drow, db = tables_gather(h, g)
    m, eoT = _edge_stage2(drow, db, e, *edge_w, p['Dw'].reshape(1, 32), r2(p['Db']))
    aggp = _scatter(m, colm, zeros64)
    h, g, value = _node_stage(h, aggp, cntp, batch_c, batch_r, g, *node_w)

    return eoT.reshape(E, 1), value

# --- scband reference (transcript-rebuilt; emitter-appended) ---
"""Pipeline reference for scband-policy-gnn-35897336660646 (READ-ONLY COPY).

The authoritative reference and input builder live on the scoring server;
editing this copy changes nothing except your own understanding.
"""

import jax, jax.numpy as jnp
import numpy as np

N_NODES = 10000
N_EDGES = 320000
N_GRAPHS = 64
D_NODE_IN = 128
D_EDGE_IN = 16
D_GLOB_IN = 32
D_NODE = 64
D_EDGE = 32
D_GLOB = 32
H = 64
EDGE_OUT = 1
V_EMB = 32
N_PASSES = 2


def _lin(key, fan_in, fan_out):
    k1, k2 = jax.random.split(key)
    lim = 1.0 / np.sqrt(fan_in)
    W = jax.random.uniform(k1, (fan_in, fan_out), minval=-lim, maxval=lim, dtype=jnp.float32)
    b = jax.random.uniform(k2, (fan_out,), minval=-lim, maxval=lim, dtype=jnp.float32)
    return W, b


def setup_inputs(seed: int = 0) -> dict:
    key = jax.random.key(seed)
    ks = jax.random.split(key, 32)
    x = jax.random.normal(ks[0], (N_NODES, D_NODE_IN), dtype=jnp.float32)
    edge_index = jax.random.randint(ks[1], (2, N_EDGES), 0, N_NODES, dtype=jnp.int32)
    edge_attr = jax.random.normal(ks[2], (N_EDGES, D_EDGE_IN), dtype=jnp.float32)
    u = jax.random.normal(ks[3], (N_GRAPHS, D_GLOB_IN), dtype=jnp.float32)
    batch = jnp.sort(jax.random.randint(ks[4], (N_NODES,), 0, N_GRAPHS, dtype=jnp.int32))
    p = {}
    p['We'], p['be'] = _lin(ks[5], D_EDGE_IN, D_EDGE)
    p['Wn'], p['bn'] = _lin(ks[6], D_NODE_IN, D_NODE)
    p['Wg'], p['bg'] = _lin(ks[7], D_GLOB_IN, D_GLOB)
    p['Ew1'], p['Eb1'] = _lin(ks[8], 2 * D_NODE + D_EDGE + D_GLOB, H)
    p['Ew2'], p['Eb2'] = _lin(ks[9], H, D_EDGE)
    p['Nw1a'], p['Nb1a'] = _lin(ks[10], D_NODE + D_EDGE, H)
    p['Nw1b'], p['Nb1b'] = _lin(ks[11], H, H)
    p['Nw2a'], p['Nb2a'] = _lin(ks[12], D_NODE + H + D_GLOB, H)
    p['Nw2b'], p['Nb2b'] = _lin(ks[13], H, D_NODE)
    p['Gw1'], p['Gb1'] = _lin(ks[14], D_GLOB + D_NODE, H)
    p['Gw2'], p['Gb2'] = _lin(ks[15], H, D_GLOB)
    p['Dw'], p['Db'] = _lin(ks[16], D_EDGE, EDGE_OUT)
    p['Vw1'], p['Vb1'] = _lin(ks[17], D_GLOB, V_EMB)
    p['Vw2'], p['Vb2'] = _lin(ks[18], V_EMB, 1)
    return {'x': x, 'edge_index': edge_index, 'edge_attr': edge_attr, 'u': u, 'batch': batch, 'params': p}


def _leaky(v):
    return jax.nn.leaky_relu(v, 0.01)


def _mlp(v, W1, b1, W2, b2):
    return _leaky(v @ W1 + b1) @ W2 + b2


def _gnn_forward(x, edge_attr, u, params, edge_index, batch):
    p = params
    e = _leaky(edge_attr @ p['We'] + p['be'])
    h = _leaky(x @ p['Wn'] + p['bn'])
    g = _leaky(u @ p['Wg'] + p['bg'])
    row = edge_index[0]
    col = edge_index[1]
    ones_e = jnp.ones((N_EDGES, 1), dtype=jnp.float32)
    ones_n = jnp.ones((N_NODES, 1), dtype=jnp.float32)
    for _ in range(N_PASSES):
        # EdgeModel: MLP over [src, dst, edge_attr, u[batch[row]]]
        e_in = jnp.concatenate([h[row], h[col], e, g[batch[row]]], axis=1)
        e = _mlp(e_in, p['Ew1'], p['Eb1'], p['Ew2'], p['Eb2'])
        # NodeModel: per-edge MLP, scatter-mean to dst nodes, then node MLP
        m = _mlp(jnp.concatenate([h[row], e], axis=1), p['Nw1a'], p['Nb1a'], p['Nw1b'], p['Nb1b'])
        agg = jax.ops.segment_sum(m, col, num_segments=N_NODES)
        cnt = jax.ops.segment_sum(ones_e, col, num_segments=N_NODES)
        agg = agg / jnp.maximum(cnt, 1.0)
        h = _mlp(jnp.concatenate([h, agg, g[batch]], axis=1), p['Nw2a'], p['Nb2a'], p['Nw2b'], p['Nb2b'])
        # GlobalModel: scatter-mean of nodes per graph + global MLP
        nsum = jax.ops.segment_sum(h, batch, num_segments=N_GRAPHS)
        ncnt = jax.ops.segment_sum(ones_n, batch, num_segments=N_GRAPHS)
        g = _mlp(jnp.concatenate([g, nsum / jnp.maximum(ncnt, 1.0)], axis=1), p['Gw1'], p['Gb1'], p['Gw2'], p['Gb2'])
    edge_out = e @ p['Dw'] + p['Db']
    value = _leaky(g @ p['Vw1'] + p['Vb1']) @ p['Vw2'] + p['Vb2']
    return edge_out, value


def reference(x, edge_index, edge_attr, u, batch, params):
    return _gnn_forward(x, edge_attr, u, params, edge_index, batch)

if __name__ == "__main__":
    import jax
    _d = setup_inputs()
    print(jax.jit(kernel)(*tuple(_d.values())))

</pallas_src>

<mosaic_0001>
#map = affine_map<(d0, d1) -> (0, 0)>
#map1 = affine_map<(d0, d1) -> (0, 0, 0)>
module attributes {stable_mosaic.version = 14 : i64} {
  func.func @_gather_kernel(%arg0: i32, %arg1: i32, %arg2: memref<10000x128xf32, #tpu.memory_space<hbm>>, %arg3: memref<10000x64xf32, #tpu.memory_space<hbm>>, %arg4: memref<32x125x80xi32, #tpu.memory_space<hbm>>, %arg5: memref<32x125x80xi32, #tpu.memory_space<hbm>>, %arg6: memref<320000x128xf32, #tpu.memory_space<hbm>>, %arg7: memref<320000x64xf32, #tpu.memory_space<hbm>>, %arg8: memref<125x80xi32, #tpu.memory_space<vmem>>, %arg9: memref<125x80xi32, #tpu.memory_space<vmem>>, %arg10: memref<2x80x128xf32, #tpu.memory_space<vmem>>, %arg11: memref<2x80x64xf32, #tpu.memory_space<vmem>>, %arg12: memref<!tpu.dma_semaphore, #tpu.memory_space<semaphore_mem>>, %arg13: memref<!tpu.dma_semaphore, #tpu.memory_space<semaphore_mem>>) attributes {dimension_semantics = [#tpu.dimension_semantics<core_parallel>, #tpu.dimension_semantics<subcore_parallel>], iteration_bounds = array<i64: 2, 16>, scalar_prefetch = 0 : i64, scratch_operands = 6 : i64, tpu.core_type = #tpu.core_type<sc_vector_subcore>, window_params = [{transform_indices = #map}, {transform_indices = #map}, {transform_indices = #map1}, {transform_indices = #map1}, {transform_indices = #map}, {transform_indices = #map}]} {
    %mul3A = arith.constant 2 : i32
    %mul3A_0 = arith.muli %arg1, %mul3A : i32
    %add3A = arith.addi %mul3A_0, %arg0 : i32
    %mul3A_1 = arith.constant 10000 : i32
    %mul3A_2 = arith.muli %add3A, %mul3A_1 : i32
    "tpu.region"() ({
      %run_scoped3A = tpu.sem_alloc : memref<!tpu.dma_semaphore, #tpu.memory_space<semaphore_mem>>
      %dma_start3A_60 = arith.constant 0 : i32
      %dma_start3A_61 = arith.constant 0 : i32
      %dma_start3A_62 = tpu.memref_slice %arg4[%add3A, %dma_start3A_60, %dma_start3A_61] : memref<32x125x80xi32, #tpu.memory_space<hbm>> -> memref<1x125x80xi32, #tpu.memory_space<hbm>>
      %dma_start3A_63 = tpu.memref_squeeze %dma_start3A_62 : memref<1x125x80xi32, #tpu.memory_space<hbm>> -> memref<125x80xi32, #tpu.memory_space<hbm>>
      %dma_start3A_64 = arith.constant 0 : i32
      %dma_start3A_65 = arith.constant 0 : i32
      %dma_start3A_66 = tpu.memref_slice %arg4[%add3A, %dma_start3A_64, %dma_start3A_65] : memref<32x125x80xi32, #tpu.memory_space<hbm>> -> memref<1x125x80xi32, #tpu.memory_space<hbm>>
      %dma_start3A_67 = tpu.memref_squeeze %dma_start3A_66 : memref<1x125x80xi32, #tpu.memory_space<hbm>> -> memref<125x80xi32, #tpu.memory_space<hbm>>
      tpu.enqueue_dma source(%dma_start3A_67 : memref<125x80xi32, #tpu.memory_space<hbm>>) target(%arg8 : memref<125x80xi32, #tpu.memory_space<vmem>>) target_semaphore(%run_scoped3A : memref<!tpu.dma_semaphore, #tpu.memory_space<semaphore_mem>>)
      %dma_wait3A_68 = arith.constant 0 : i32
      %dma_wait3A_69 = arith.constant 0 : i32
      %dma_wait3A_70 = tpu.memref_slice %arg4[%add3A, %dma_wait3A_68, %dma_wait3A_69] : memref<32x125x80xi32, #tpu.memory_space<hbm>> -> memref<1x125x80xi32, #tpu.memory_space<hbm>>
      %dma_wait3A_71 = tpu.memref_squeeze %dma_wait3A_70 : memref<1x125x80xi32, #tpu.memory_space<hbm>> -> memref<125x80xi32, #tpu.memory_space<hbm>>
      %dma_wait3A_72 = arith.constant 0 : i32
      %dma_wait3A_73 = arith.constant 0 : i32
      %dma_wait3A_74 = tpu.memref_slice %arg4[%add3A, %dma_wait3A_72, %dma_wait3A_73] : memref<32x125x80xi32, #tpu.memory_space<hbm>> -> memref<1x125x80xi32, #tpu.memory_space<hbm>>
      %dma_wait3A_75 = tpu.memref_squeeze %dma_wait3A_74 : memref<1x125x80xi32, #tpu.memory_space<hbm>> -> memref<125x80xi32, #tpu.memory_space<hbm>>
      tpu.wait_dma2 semaphore(%run_scoped3A : memref<!tpu.dma_semaphore, #tpu.memory_space<semaphore_mem>>) src(%dma_wait3A_75 : memref<125x80xi32, #tpu.memory_space<hbm>>) dst(%arg8 : memref<125x80xi32, #tpu.memory_space<vmem>>)
      tpu.yield
    }) : () -> ()
    "tpu.region"() ({
      %run_scoped3A = tpu.sem_alloc : memref<!tpu.dma_semaphore, #tpu.memory_space<semaphore_mem>>
      %dma_start3A_60 = arith.constant 0 : i32
      %dma_start3A_61 = arith.constant 0 : i32
      %dma_start3A_62 = tpu.memref_slice %arg5[%add3A, %dma_start3A_60, %dma_start3A_61] : memref<32x125x80xi32, #tpu.memory_space<hbm>> -> memref<1x125x80xi32, #tpu.memory_space<hbm>>
      %dma_start3A_63 = tpu.memref_squeeze %dma_start3A_62 : memref<1x125x80xi32, #tpu.memory_space<hbm>> -> memref<125x80xi32, #tpu.memory_space<hbm>>
      %dma_start3A_64 = arith.constant 0 : i32
      %dma_start3A_65 = arith.constant 0 : i32
      %dma_start3A_66 = tpu.memref_slice %arg5[%add3A, %dma_start3A_64, %dma_start3A_65] : memref<32x125x80xi32, #tpu.memory_space<hbm>> -> memref<1x125x80xi32, #tpu.memory_space<hbm>>
      %dma_start3A_67 = tpu.memref_squeeze %dma_start3A_66 : memref<1x125x80xi32, #tpu.memory_space<hbm>> -> memref<125x80xi32, #tpu.memory_space<hbm>>
      tpu.enqueue_dma source(%dma_start3A_67 : memref<125x80xi32, #tpu.memory_space<hbm>>) target(%arg9 : memref<125x80xi32, #tpu.memory_space<vmem>>) target_semaphore(%run_scoped3A : memref<!tpu.dma_semaphore, #tpu.memory_space<semaphore_mem>>)
      %dma_wait3A_68 = arith.constant 0 : i32
      %dma_wait3A_69 = arith.constant 0 : i32
      %dma_wait3A_70 = tpu.memref_slice %arg5[%add3A, %dma_wait3A_68, %dma_wait3A_69] : memref<32x125x80xi32, #tpu.memory_space<hbm>> -> memref<1x125x80xi32, #tpu.memory_space<hbm>>
      %dma_wait3A_71 = tpu.memref_squeeze %dma_wait3A_70 : memref<1x125x80xi32, #tpu.memory_space<hbm>> -> memref<125x80xi32, #tpu.memory_space<hbm>>
      %dma_wait3A_72 = arith.constant 0 : i32
      %dma_wait3A_73 = arith.constant 0 : i32
      %dma_wait3A_74 = tpu.memref_slice %arg5[%add3A, %dma_wait3A_72, %dma_wait3A_73] : memref<32x125x80xi32, #tpu.memory_space<hbm>> -> memref<1x125x80xi32, #tpu.memory_space<hbm>>
      %dma_wait3A_75 = tpu.memref_squeeze %dma_wait3A_74 : memref<1x125x80xi32, #tpu.memory_space<hbm>> -> memref<125x80xi32, #tpu.memory_space<hbm>>
      tpu.wait_dma2 semaphore(%run_scoped3A : memref<!tpu.dma_semaphore, #tpu.memory_space<semaphore_mem>>) src(%dma_wait3A_75 : memref<125x80xi32, #tpu.memory_space<hbm>>) dst(%arg9 : memref<125x80xi32, #tpu.memory_space<vmem>>)
      tpu.yield
    }) : () -> ()
    %dma_start3A = arith.constant 0 : i32
    %dma_start3A_3 = arith.constant 0 : i32
    %dma_start3A_4 = arith.constant 0 : i32
    %dma_start3A_5 = arith.constant 0 : i32
    %dma_start3A_6 = tpu.memref_slice %arg10[%dma_start3A_3, %dma_start3A_4, %dma_start3A_5] : memref<2x80x128xf32, #tpu.memory_space<vmem>> -> memref<1x80x128xf32, #tpu.memory_space<vmem>>
    %dma_start3A_7 = tpu.memref_squeeze %dma_start3A_6 : memref<1x80x128xf32, #tpu.memory_space<vmem>> -> memref<80x128xf32, #tpu.memory_space<vmem>>
    %dma_start3A_8 = arith.constant 0 : i32
    %dma_start3A_9 = tpu.memref_slice %arg8[%dma_start3A, %dma_start3A_8] : memref<125x80xi32, #tpu.memory_space<vmem>> -> memref<1x80xi32, #tpu.memory_space<vmem>>
    %dma_start3A_10 = tpu.memref_squeeze %dma_start3A_9 : memref<1x80xi32, #tpu.memory_space<vmem>> -> memref<80xi32, #tpu.memory_space<vmem>>
    %dma_start3A_11 = arith.constant 0 : i32
    %dma_start3A_12 = arith.constant 0 : i32
    %dma_start3A_13 = tpu.memref_slice %arg2[%dma_start3A_11, %dma_start3A_12] : memref<10000x128xf32, #tpu.memory_space<hbm>> -> memref<10000x128xf32, #tpu.memory_space<hbm>>
    tpu.enqueue_indirect_dma source(%dma_start3A_13 : memref<10000x128xf32, #tpu.memory_space<hbm>>) target(%dma_start3A_7 : memref<80x128xf32, #tpu.memory_space<vmem>>) offsets(%dma_start3A_10 : memref<80xi32, #tpu.memory_space<vmem>>) semaphore(%arg12 : memref<!tpu.dma_semaphore, #tpu.memory_space<semaphore_mem>>)
    %dma_start3A_14 = arith.constant 0 : i32
    %dma_start3A_15 = arith.constant 0 : i32
    %dma_start3A_16 = arith.constant 0 : i32
    %dma_start3A_17 = arith.constant 0 : i32
    %dma_start3A_18 = tpu.memref_slice %arg11[%dma_start3A_15, %dma_start3A_16, %dma_start3A_17] : memref<2x80x64xf32, #tpu.memory_space<vmem>> -> memref<1x80x64xf32, #tpu.memory_space<vmem>>
    %dma_start3A_19 = tpu.memref_squeeze %dma_start3A_18 : memref<1x80x64xf32, #tpu.memory_space<vmem>> -> memref<80x64xf32, #tpu.memory_space<vmem>>
    %dma_start3A_20 = arith.constant 0 : i32
    %dma_start3A_21 = tpu.memref_slice %arg9[%dma_start3A_14, %dma_start3A_20] : memref<125x80xi32, #tpu.memory_space<vmem>> -> memref<1x80xi32, #tpu.memory_space<vmem>>
    %dma_start3A_22 = tpu.memref_squeeze %dma_start3A_21 : memref<1x80xi32, #tpu.memory_space<vmem>> -> memref<80xi32, #tpu.memory_space<vmem>>
    %dma_start3A_23 = arith.constant 0 : i32
    %dma_start3A_24 = arith.constant 0 : i32
    %dma_start3A_25 = tpu.memref_slice %arg3[%dma_start3A_23, %dma_start3A_24] : memref<10000x64xf32, #tpu.memory_space<hbm>> -> memref<10000x64xf32, #tpu.memory_space<hbm>>
    tpu.enqueue_indirect_dma source(%dma_start3A_25 : memref<10000x64xf32, #tpu.memory_space<hbm>>) target(%dma_start3A_19 : memref<80x64xf32, #tpu.memory_space<vmem>>) offsets(%dma_start3A_22 : memref<80xi32, #tpu.memory_space<vmem>>) semaphore(%arg12 : memref<!tpu.dma_semaphore, #tpu.memory_space<semaphore_mem>>)
    %scan3A = arith.constant 0 : i32
    %scan3A_26 = arith.constant 0 : i32
    %scan3A_27 = arith.constant 125 : i32
    %scan3A_28 = arith.addi %scan3A_26, %scan3A_27 : i32
    %scan3A_29 = arith.constant 1 : i32
    scf.for %scan3A_60 = %scan3A_26 to %scan3A_28 step %scan3A_29  : i32 {
      %rem3A = arith.constant 2 : i32
      %rem3A_61 = arith.remsi %scan3A_60, %rem3A : i32
      %sub3A = arith.constant 1 : i32
      %sub3A_62 = arith.subi %sub3A, %rem3A_61 : i32
      %ge3A = arith.constant 1 : i32
      %ge3A_63 = arith.cmpi sge, %scan3A_60, %ge3A : i32
      %convert_element_type3A = arith.extui %ge3A_63 : i1 to i32
      %cond3A = arith.constant 0 : i32
      %cond3A_64 = arith.cmpi ne, %convert_element_type3A, %cond3A : i32
      scf.if %cond3A_64 {
        %dma_wait3A_118 = arith.constant 0 : i32
        %dma_wait3A_119 = arith.constant 0 : i32
        %dma_wait3A_120 = tpu.memref_slice %arg10[%sub3A_62, %dma_wait3A_118, %dma_wait3A_119] : memref<2x80x128xf32, #tpu.memory_space<vmem>> -> memref<1x80x128xf32, #tpu.memory_space<vmem>>
        %dma_wait3A_121 = tpu.memref_squeeze %dma_wait3A_120 : memref<1x80x128xf32, #tpu.memory_space<vmem>> -> memref<80x128xf32, #tpu.memory_space<vmem>>
        %dma_wait3A_122 = arith.constant 0 : i32
        %dma_wait3A_123 = arith.constant 0 : i32
        %dma_wait3A_124 = tpu.memref_slice %arg6[%dma_wait3A_122, %dma_wait3A_123] : memref<320000x128xf32, #tpu.memory_space<hbm>> -> memref<80x128xf32, #tpu.memory_space<hbm>>
        %dma_wait3A_125 = arith.constant 0 : i32
        %dma_wait3A_126 = arith.constant 0 : i32
        %dma_wait3A_127 = tpu.memref_slice %arg6[%dma_wait3A_125, %dma_wait3A_126] : memref<320000x128xf32, #tpu.memory_space<hbm>> -> memref<80x128xf32, #tpu.memory_space<hbm>>
        %dma_wait3A_128 = arith.constant 0 : i32
        %dma_wait3A_129 = arith.constant 0 : i32
        %dma_wait3A_130 = tpu.memref_slice %arg10[%sub3A_62, %dma_wait3A_128, %dma_wait3A_129] : memref<2x80x128xf32, #tpu.memory_space<vmem>> -> memref<1x80x128xf32, #tpu.memory_space<vmem>>
        %dma_wait3A_131 = tpu.memref_squeeze %dma_wait3A_130 : memref<1x80x128xf32, #tpu.memory_space<vmem>> -> memref<80x128xf32, #tpu.memory_space<vmem>>
        tpu.wait_dma2 semaphore(%arg13 : memref<!tpu.dma_semaphore, #tpu.memory_space<semaphore_mem>>) src(%dma_wait3A_131 : memref<80x128xf32, #tpu.memory_space<vmem>>) dst(%dma_wait3A_127 : memref<80x128xf32, #tpu.memory_space<hbm>>)
        %dma_wait3A_132 = arith.constant 0 : i32
        %dma_wait3A_133 = arith.constant 0 : i32
        %dma_wait3A_134 = tpu.memref_slice %arg11[%sub3A_62, %dma_wait3A_132, %dma_wait3A_133] : memref<2x80x64xf32, #tpu.memory_space<vmem>> -> memref<1x80x64xf32, #tpu.memory_space<vmem>>
        %dma_wait3A_135 = tpu.memref_squeeze %dma_wait3A_134 : memref<1x80x64xf32, #tpu.memory_space<vmem>> -> memref<80x64xf32, #tpu.memory_space<vmem>>
        %dma_wait3A_136 = arith.constant 0 : i32
        %dma_wait3A_137 = arith.constant 0 : i32
        %dma_wait3A_138 = tpu.memref_slice %arg7[%dma_wait3A_136, %dma_wait3A_137] : memref<320000x64xf32, #tpu.memory_space<hbm>> -> memref<80x64xf32, #tpu.memory_space<hbm>>
        %dma_wait3A_139 = arith.constant 0 : i32
        %dma_wait3A_140 = arith.constant 0 : i32
        %dma_wait3A_141 = tpu.memref_slice %arg7[%dma_wait3A_139, %dma_wait3A_140] : memref<320000x64xf32, #tpu.memory_space<hbm>> -> memref<80x64xf32, #tpu.memory_space<hbm>>
        %dma_wait3A_142 = arith.constant 0 : i32
        %dma_wait3A_143 = arith.constant 0 : i32
        %dma_wait3A_144 = tpu.memref_slice %arg11[%sub3A_62, %dma_wait3A_142, %dma_wait3A_143] : memref<2x80x64xf32, #tpu.memory_space<vmem>> -> memref<1x80x64xf32, #tpu.memory_space<vmem>>
        %dma_wait3A_145 = tpu.memref_squeeze %dma_wait3A_144 : memref<1x80x64xf32, #tpu.memory_space<vmem>> -> memref<80x64xf32, #tpu.memory_space<vmem>>
        tpu.wait_dma2 semaphore(%arg13 : memref<!tpu.dma_semaphore, #tpu.memory_space<semaphore_mem>>) src(%dma_wait3A_145 : memref<80x64xf32, #tpu.memory_space<vmem>>) dst(%dma_wait3A_141 : memref<80x64xf32, #tpu.memory_space<hbm>>)
      } else {
      }
      %add3A_65 = arith.constant 1 : i32
      %add3A_66 = arith.addi %scan3A_60, %add3A_65 : i32
      %lt3A = arith.constant 125 : i32
      %lt3A_67 = arith.cmpi slt, %add3A_66, %lt3A : i32
      %convert_element_type3A_68 = arith.extui %lt3A_67 : i1 to i32
      %cond3A_69 = arith.constant 0 : i32
      %cond3A_70 = arith.cmpi ne, %convert_element_type3A_68, %cond3A_69 : i32
      scf.if %cond3A_70 {
        %add3A_118 = arith.constant 1 : i32
        %add3A_119 = arith.addi %scan3A_60, %add3A_118 : i32
        %dma_start3A_120 = arith.constant 0 : i32
        %dma_start3A_121 = arith.constant 0 : i32
        %dma_start3A_122 = tpu.memref_slice %arg10[%sub3A_62, %dma_start3A_120, %dma_start3A_121] : memref<2x80x128xf32, #tpu.memory_space<vmem>> -> memref<1x80x128xf32, #tpu.memory_space<vmem>>
        %dma_start3A_123 = tpu.memref_squeeze %dma_start3A_122 : memref<1x80x128xf32, #tpu.memory_space<vmem>> -> memref<80x128xf32, #tpu.memory_space<vmem>>
        %dma_start3A_124 = arith.constant 0 : i32
        %dma_start3A_125 = tpu.memref_slice %arg8[%add3A_119, %dma_start3A_124] : memref<125x80xi32, #tpu.memory_space<vmem>> -> memref<1x80xi32, #tpu.memory_space<vmem>>
        %dma_start3A_126 = tpu.memref_squeeze %dma_start3A_125 : memref<1x80xi32, #tpu.memory_space<vmem>> -> memref<80xi32, #tpu.memory_space<vmem>>
        %dma_start3A_127 = arith.constant 0 : i32
        %dma_start3A_128 = arith.constant 0 : i32
        %dma_start3A_129 = tpu.memref_slice %arg2[%dma_start3A_127, %dma_start3A_128] : memref<10000x128xf32, #tpu.memory_space<hbm>> -> memref<10000x128xf32, #tpu.memory_space<hbm>>
        tpu.enqueue_indirect_dma source(%dma_start3A_129 : memref<10000x128xf32, #tpu.memory_space<hbm>>) target(%dma_start3A_123 : memref<80x128xf32, #tpu.memory_space<vmem>>) offsets(%dma_start3A_126 : memref<80xi32, #tpu.memory_space<vmem>>) semaphore(%arg12 : memref<!tpu.dma_semaphore, #tpu.memory_space<semaphore_mem>>)
        %add3A_130 = arith.constant 1 : i32
        %add3A_131 = arith.addi %scan3A_60, %add3A_130 : i32
        %dma_start3A_132 = arith.constant 0 : i32
        %dma_start3A_133 = arith.constant 0 : i32
        %dma_start3A_134 = tpu.memref_slice %arg11[%sub3A_62, %dma_start3A_132, %dma_start3A_133] : memref<2x80x64xf32, #tpu.memory_space<vmem>> -> memref<1x80x64xf32, #tpu.memory_space<vmem>>
        %dma_start3A_135 = tpu.memref_squeeze %dma_start3A_134 : memref<1x80x64xf32, #tpu.memory_space<vmem>> -> memref<80x64xf32, #tpu.memory_space<vmem>>
        %dma_start3A_136 = arith.constant 0 : i32
        %dma_start3A_137 = tpu.memref_slice %arg9[%add3A_131, %dma_start3A_136] : memref<125x80xi32, #tpu.memory_space<vmem>> -> memref<1x80xi32, #tpu.memory_space<vmem>>
        %dma_start3A_138 = tpu.memref_squeeze %dma_start3A_137 : memref<1x80xi32, #tpu.memory_space<vmem>> -> memref<80xi32, #tpu.memory_space<vmem>>
        %dma_start3A_139 = arith.constant 0 : i32
        %dma_start3A_140 = arith.constant 0 : i32
        %dma_start3A_141 = tpu.memref_slice %arg3[%dma_start3A_139, %dma_start3A_140] : memref<10000x64xf32, #tpu.memory_space<hbm>> -> memref<10000x64xf32, #tpu.memory_space<hbm>>
        tpu.enqueue_indirect_dma source(%dma_start3A_141 : memref<10000x64xf32, #tpu.memory_space<hbm>>) target(%dma_start3A_135 : memref<80x64xf32, #tpu.memory_space<vmem>>) offsets(%dma_start3A_138 : memref<80xi32, #tpu.memory_space<vmem>>) semaphore(%arg12 : memref<!tpu.dma_semaphore, #tpu.memory_space<semaphore_mem>>)
      } else {
      }
      %dma_wait3A_71 = arith.constant 0 : i32
      %dma_wait3A_72 = arith.constant 0 : i32
      %dma_wait3A_73 = tpu.memref_slice %arg10[%rem3A_61, %dma_wait3A_71, %dma_wait3A_72] : memref<2x80x128xf32, #tpu.memory_space<vmem>> -> memref<1x80x128xf32, #tpu.memory_space<vmem>>
      %dma_wait3A_74 = tpu.memref_squeeze %dma_wait3A_73 : memref<1x80x128xf32, #tpu.memory_space<vmem>> -> memref<80x128xf32, #tpu.memory_space<vmem>>
      %dma_wait3A_75 = arith.constant 0 : i32
      %dma_wait3A_76 = tpu.memref_slice %arg8[%scan3A_60, %dma_wait3A_75] : memref<125x80xi32, #tpu.memory_space<vmem>> -> memref<1x80xi32, #tpu.memory_space<vmem>>
      %dma_wait3A_77 = tpu.memref_squeeze %dma_wait3A_76 : memref<1x80xi32, #tpu.memory_space<vmem>> -> memref<80xi32, #tpu.memory_space<vmem>>
      %dma_wait3A_78 = arith.constant 0 : i32
      %dma_wait3A_79 = arith.constant 0 : i32
      %dma_wait3A_80 = tpu.memref_slice %arg2[%dma_wait3A_78, %dma_wait3A_79] : memref<10000x128xf32, #tpu.memory_space<hbm>> -> memref<10000x128xf32, #tpu.memory_space<hbm>>
      tpu.wait_indirect_dma semaphore(%arg12 : memref<!tpu.dma_semaphore, #tpu.memory_space<semaphore_mem>>) src(%dma_wait3A_80 : memref<10000x128xf32, #tpu.memory_space<hbm>>) dst(%dma_wait3A_74 : memref<80x128xf32, #tpu.memory_space<vmem>>)
      %dma_wait3A_81 = arith.constant 0 : i32
      %dma_wait3A_82 = arith.constant 0 : i32
      %dma_wait3A_83 = tpu.memref_slice %arg11[%rem3A_61, %dma_wait3A_81, %dma_wait3A_82] : memref<2x80x64xf32, #tpu.memory_space<vmem>> -> memref<1x80x64xf32, #tpu.memory_space<vmem>>
      %dma_wait3A_84 = tpu.memref_squeeze %dma_wait3A_83 : memref<1x80x64xf32, #tpu.memory_space<vmem>> -> memref<80x64xf32, #tpu.memory_space<vmem>>
      %dma_wait3A_85 = arith.constant 0 : i32
      %dma_wait3A_86 = tpu.memref_slice %arg9[%scan3A_60, %dma_wait3A_85] : memref<125x80xi32, #tpu.memory_space<vmem>> -> memref<1x80xi32, #tpu.memory_space<vmem>>
      %dma_wait3A_87 = tpu.memref_squeeze %dma_wait3A_86 : memref<1x80xi32, #tpu.memory_space<vmem>> -> memref<80xi32, #tpu.memory_space<vmem>>
      %dma_wait3A_88 = arith.constant 0 : i32
      %dma_wait3A_89 = arith.constant 0 : i32
      %dma_wait3A_90 = tpu.memref_slice %arg3[%dma_wait3A_88, %dma_wait3A_89] : memref<10000x64xf32, #tpu.memory_space<hbm>> -> memref<10000x64xf32, #tpu.memory_space<hbm>>
      tpu.wait_indirect_dma semaphore(%arg12 : memref<!tpu.dma_semaphore, #tpu.memory_space<semaphore_mem>>) src(%dma_wait3A_90 : memref<10000x64xf32, #tpu.memory_space<hbm>>) dst(%dma_wait3A_84 : memref<80x64xf32, #tpu.memory_space<vmem>>)
      %mul3A_91 = arith.constant 80 : i32
      %mul3A_92 = arith.muli %scan3A_60, %mul3A_91 : i32
      %add3A_93 = arith.addi %mul3A_2, %mul3A_92 : i32
      %dma_start3A_94 = arith.constant 0 : i32
      %dma_start3A_95 = arith.constant 0 : i32
      %dma_start3A_96 = tpu.memref_slice %arg10[%rem3A_61, %dma_start3A_94, %dma_start3A_95] : memref<2x80x128xf32, #tpu.memory_space<vmem>> -> memref<1x80x128xf32, #tpu.memory_space<vmem>>
      %dma_start3A_97 = tpu.memref_squeeze %dma_start3A_96 : memref<1x80x128xf32, #tpu.memory_space<vmem>> -> memref<80x128xf32, #tpu.memory_space<vmem>>
      %dma_start3A_98 = arith.constant 0 : i32
      %dma_start3A_99 = tpu.memref_slice %arg6[%add3A_93, %dma_start3A_98] : memref<320000x128xf32, #tpu.memory_space<hbm>> -> memref<80x128xf32, #tpu.memory_space<hbm>>
      %dma_start3A_100 = arith.constant 0 : i32
      %dma_start3A_101 = tpu.memref_slice %arg6[%add3A_93, %dma_start3A_100] : memref<320000x128xf32, #tpu.memory_space<hbm>> -> memref<80x128xf32, #tpu.memory_space<hbm>>
      %dma_start3A_102 = arith.constant 0 : i32
      %dma_start3A_103 = arith.constant 0 : i32
      %dma_start3A_104 = tpu.memref_slice %arg10[%rem3A_61, %dma_start3A_102, %dma_start3A_103] : memref<2x80x128xf32, #tpu.memory_space<vmem>> -> memref<1x80x128xf32, #tpu.memory_space<vmem>>
      %dma_start3A_105 = tpu.memref_squeeze %dma_start3A_104 : memref<1x80x128xf32, #tpu.memory_space<vmem>> -> memref<80x128xf32, #tpu.memory_space<vmem>>
      tpu.enqueue_dma source(%dma_start3A_105 : memref<80x128xf32, #tpu.memory_space<vmem>>) target(%dma_start3A_101 : memref<80x128xf32, #tpu.memory_space<hbm>>) target_semaphore(%arg13 : memref<!tpu.dma_semaphore, #tpu.memory_space<semaphore_mem>>)
      %dma_start3A_106 = arith.constant 0 : i32
      %dma_start3A_107 = arith.constant 0 : i32
      %dma_start3A_108 = tpu.memref_slice %arg11[%rem3A_61, %dma_start3A_106, %dma_start3A_107] : memref<2x80x64xf32, #tpu.memory_space<vmem>> -> memref<1x80x64xf32, #tpu.memory_space<vmem>>
      %dma_start3A_109 = tpu.memref_squeeze %dma_start3A_108 : memref<1x80x64xf32, #tpu.memory_space<vmem>> -> memref<80x64xf32, #tpu.memory_space<vmem>>
      %dma_start3A_110 = arith.constant 0 : i32
      %dma_start3A_111 = tpu.memref_slice %arg7[%add3A_93, %dma_start3A_110] : memref<320000x64xf32, #tpu.memory_space<hbm>> -> memref<80x64xf32, #tpu.memory_space<hbm>>
      %dma_start3A_112 = arith.constant 0 : i32
      %dma_start3A_113 = tpu.memref_slice %arg7[%add3A_93, %dma_start3A_112] : memref<320000x64xf32, #tpu.memory_space<hbm>> -> memref<80x64xf32, #tpu.memory_space<hbm>>
      %dma_start3A_114 = arith.constant 0 : i32
      %dma_start3A_115 = arith.constant 0 : i32
      %dma_start3A_116 = tpu.memref_slice %arg11[%rem3A_61, %dma_start3A_114, %dma_start3A_115] : memref<2x80x64xf32, #tpu.memory_space<vmem>> -> memref<1x80x64xf32, #tpu.memory_space<vmem>>
      %dma_start3A_117 = tpu.memref_squeeze %dma_start3A_116 : memref<1x80x64xf32, #tpu.memory_space<vmem>> -> memref<80x64xf32, #tpu.memory_space<vmem>>
      tpu.enqueue_dma source(%dma_start3A_117 : memref<80x64xf32, #tpu.memory_space<vmem>>) target(%dma_start3A_113 : memref<80x64xf32, #tpu.memory_space<hbm>>) target_semaphore(%arg13 : memref<!tpu.dma_semaphore, #tpu.memory_space<semaphore_mem>>)
    }
    %scan3A_30 = arith.constant 125 : i32
    %dma_wait3A = arith.constant 0 : i32
    %dma_wait3A_31 = arith.constant 0 : i32
    %dma_wait3A_32 = arith.constant 0 : i32
    %dma_wait3A_33 = tpu.memref_slice %arg10[%dma_wait3A, %dma_wait3A_31, %dma_wait3A_32] : memref<2x80x128xf32, #tpu.memory_space<vmem>> -> memref<1x80x128xf32, #tpu.memory_space<vmem>>
    %dma_wait3A_34 = tpu.memref_squeeze %dma_wait3A_33 : memref<1x80x128xf32, #tpu.memory_space<vmem>> -> memref<80x128xf32, #tpu.memory_space<vmem>>
    %dma_wait3A_35 = arith.constant 0 : i32
    %dma_wait3A_36 = arith.constant 0 : i32
    %dma_wait3A_37 = tpu.memref_slice %arg6[%dma_wait3A_35, %dma_wait3A_36] : memref<320000x128xf32, #tpu.memory_space<hbm>> -> memref<80x128xf32, #tpu.memory_space<hbm>>
    %dma_wait3A_38 = arith.constant 0 : i32
    %dma_wait3A_39 = arith.constant 0 : i32
    %dma_wait3A_40 = tpu.memref_slice %arg6[%dma_wait3A_38, %dma_wait3A_39] : memref<320000x128xf32, #tpu.memory_space<hbm>> -> memref<80x128xf32, #tpu.memory_space<hbm>>
    %dma_wait3A_41 = arith.constant 0 : i32
    %dma_wait3A_42 = arith.constant 0 : i32
    %dma_wait3A_43 = tpu.memref_slice %arg10[%dma_wait3A, %dma_wait3A_41, %dma_wait3A_42] : memref<2x80x128xf32, #tpu.memory_space<vmem>> -> memref<1x80x128xf32, #tpu.memory_space<vmem>>
    %dma_wait3A_44 = tpu.memref_squeeze %dma_wait3A_43 : memref<1x80x128xf32, #tpu.memory_space<vmem>> -> memref<80x128xf32, #tpu.memory_space<vmem>>
    tpu.wait_dma2 semaphore(%arg13 : memref<!tpu.dma_semaphore, #tpu.memory_space<semaphore_mem>>) src(%dma_wait3A_44 : memref<80x128xf32, #tpu.memory_space<vmem>>) dst(%dma_wait3A_40 : memref<80x128xf32, #tpu.memory_space<hbm>>)
    %dma_wait3A_45 = arith.constant 0 : i32
    %dma_wait3A_46 = arith.constant 0 : i32
    %dma_wait3A_47 = arith.constant 0 : i32
    %dma_wait3A_48 = tpu.memref_slice %arg11[%dma_wait3A_45, %dma_wait3A_46, %dma_wait3A_47] : memref<2x80x64xf32, #tpu.memory_space<vmem>> -> memref<1x80x64xf32, #tpu.memory_space<vmem>>
    %dma_wait3A_49 = tpu.memref_squeeze %dma_wait3A_48 : memref<1x80x64xf32, #tpu.memory_space<vmem>> -> memref<80x64xf32, #tpu.memory_space<vmem>>
    %dma_wait3A_50 = arith.constant 0 : i32
    %dma_wait3A_51 = arith.constant 0 : i32
    %dma_wait3A_52 = tpu.memref_slice %arg7[%dma_wait3A_50, %dma_wait3A_51] : memref<320000x64xf32, #tpu.memory_space<hbm>> -> memref<80x64xf32, #tpu.memory_space<hbm>>
    %dma_wait3A_53 = arith.constant 0 : i32
    %dma_wait3A_54 = arith.constant 0 : i32
    %dma_wait3A_55 = tpu.memref_slice %arg7[%dma_wait3A_53, %dma_wait3A_54] : memref<320000x64xf32, #tpu.memory_space<hbm>> -> memref<80x64xf32, #tpu.memory_space<hbm>>
    %dma_wait3A_56 = arith.constant 0 : i32
    %dma_wait3A_57 = arith.constant 0 : i32
    %dma_wait3A_58 = tpu.memref_slice %arg11[%dma_wait3A_45, %dma_wait3A_56, %dma_wait3A_57] : memref<2x80x64xf32, #tpu.memory_space<vmem>> -> memref<1x80x64xf32, #tpu.memory_space<vmem>>
    %dma_wait3A_59 = tpu.memref_squeeze %dma_wait3A_58 : memref<1x80x64xf32, #tpu.memory_space<vmem>> -> memref<80x64xf32, #tpu.memory_space<vmem>>
    tpu.wait_dma2 semaphore(%arg13 : memref<!tpu.dma_semaphore, #tpu.memory_space<semaphore_mem>>) src(%dma_wait3A_59 : memref<80x64xf32, #tpu.memory_space<vmem>>) dst(%dma_wait3A_55 : memref<80x64xf32, #tpu.memory_space<hbm>>)
    return
  }
}

#map = affine_map<(d0, d1) -> (0, 0)>
#map1 = affine_map<(d0, d1) -> (0, 0, 0)>
module attributes {stable_mosaic.version = 14 : i64} {
  func.func @_gather_kernel(%arg0: i32, %arg1: i32, %arg2: memref<10000x128xf32, #tpu.memory_space<hbm>>, %arg3: memref<10000x64xf32, #tpu.memory_space<hbm>>, %arg4: memref<32x125x80xi32, #tpu.memory_space<hbm>>, %arg5: memref<32x125x80xi32, #tpu.memory_space<hbm>>, %arg6: memref<320000x128xf32, #tpu.memory_space<hbm>>, %arg7: memref<320000x64xf32, #tpu.memory_space<hbm>>, %arg8: memref<125x80xi32, #tpu.memory_space<vmem>>, %arg9: memref<125x80xi32, #tpu.memory_space<vmem>>, %arg10: memref<2x80x128xf32, #tpu.memory_space<vmem>>, %arg11: memref<2x80x64xf32, #tpu.memory_space<vmem>>, %arg12: memref<!tpu.dma_semaphore, #tpu.memory_space<semaphore_mem>>, %arg13: memref<!tpu.dma_semaphore, #tpu.memory_space<semaphore_mem>>) attributes {dimension_semantics = [#tpu.dimension_semantics<core_parallel>, #tpu.dimension_semantics<subcore_parallel>], iteration_bounds = array<i64: 2, 16>, scalar_prefetch = 0 : i64, scratch_operands = 6 : i64, tpu.core_type = #tpu.core_type<sc_vector_subcore>, window_params = [{transform_indices = #map}, {transform_indices = #map}, {transform_indices = #map1}, {transform_indices = #map1}, {transform_indices = #map}, {transform_indices = #map}]} {
    %mul3A = arith.constant 2 : i32
    %mul3A_0 = arith.muli %arg1, %mul3A : i32
    %add3A = arith.addi %mul3A_0, %arg0 : i32
    %mul3A_1 = arith.constant 10000 : i32
    %mul3A_2 = arith.muli %add3A, %mul3A_1 : i32
    "tpu.region"() ({
      %run_scoped3A = tpu.sem_alloc : memref<!tpu.dma_semaphore, #tpu.memory_space<semaphore_mem>>
      %dma_start3A_60 = arith.constant 0 : i32
      %dma_start3A_61 = arith.constant 0 : i32
      %dma_start3A_62 = tpu.memref_slice %arg4[%add3A, %dma_start3A_60, %dma_start3A_61] : memref<32x125x80xi32, #tpu.memory_space<hbm>> -> memref<1x125x80xi32, #tpu.memory_space<hbm>>
      %dma_start3A_63 = tpu.memref_squeeze %dma_start3A_62 : memref<1x125x80xi32, #tpu.memory_space<hbm>> -> memref<125x80xi32, #tpu.memory_space<hbm>>
      %dma_start3A_64 = arith.constant 0 : i32
      %dma_start3A_65 = arith.constant 0 : i32
      %dma_start3A_66 = tpu.memref_slice %arg4[%add3A, %dma_start3A_64, %dma_start3A_65] : memref<32x125x80xi32, #tpu.memory_space<hbm>> -> memref<1x125x80xi32, #tpu.memory_space<hbm>>
      %dma_start3A_67 = tpu.memref_squeeze %dma_start3A_66 : memref<1x125x80xi32, #tpu.memory_space<hbm>> -> memref<125x80xi32, #tpu.memory_space<hbm>>
      tpu.enqueue_dma source(%dma_start3A_67 : memref<125x80xi32, #tpu.memory_space<hbm>>) target(%arg8 : memref<125x80xi32, #tpu.memory_space<vmem>>) target_semaphore(%run_scoped3A : memref<!tpu.dma_semaphore, #tpu.memory_space<semaphore_mem>>)
      %dma_wait3A_68 = arith.constant 0 : i32
      %dma_wait3A_69 = arith.constant 0 : i32
      %dma_wait3A_70 = tpu.memref_slice %arg4[%add3A, %dma_wait3A_68, %dma_wait3A_69] : memref<32x125x80xi32, #tpu.memory_space<hbm>> -> memref<1x125x80xi32, #tpu.memory_space<hbm>>
      %dma_wait3A_71 = tpu.memref_squeeze %dma_wait3A_70 : memref<1x125x80xi32, #tpu.memory_space<hbm>> -> memref<125x80xi32, #tpu.memory_space<hbm>>
      %dma_wait3A_72 = arith.constant 0 : i32
      %dma_wait3A_73 = arith.constant 0 : i32
      %dma_wait3A_74 = tpu.memref_slice %arg4[%add3A, %dma_wait3A_72, %dma_wait3A_73] : memref<32x125x80xi32, #tpu.memory_space<hbm>> -> memref<1x125x80xi32, #tpu.memory_space<hbm>>
      %dma_wait3A_75 = tpu.memref_squeeze %dma_wait3A_74 : memref<1x125x80xi32, #tpu.memory_space<hbm>> -> memref<125x80xi32, #tpu.memory_space<hbm>>
      tpu.wait_dma2 semaphore(%run_scoped3A : memref<!tpu.dma_semaphore, #tpu.memory_space<semaphore_mem>>) src(%dma_wait3A_75 : memref<125x80xi32, #tpu.memory_space<hbm>>) dst(%arg8 : memref<125x80xi32, #tpu.memory_space<vmem>>)
      tpu.yield
    }) : () -> ()
    "tpu.region"() ({
      %run_scoped3A = tpu.sem_alloc : memref<!tpu.dma_semaphore, #tpu.memory_space<semaphore_mem>>
      %dma_start3A_60 = arith.constant 0 : i32
      %dma_start3A_61 = arith.constant 0 : i32
      %dma_start3A_62 = tpu.memref_slice %arg5[%add3A, %dma_start3A_60, %dma_start3A_61] : memref<32x125x80xi32, #tpu.memory_space<hbm>> -> memref<1x125x80xi32, #tpu.memory_space<hbm>>
      %dma_start3A_63 = tpu.memref_squeeze %dma_start3A_62 : memref<1x125x80xi32, #tpu.memory_space<hbm>> -> memref<125x80xi32, #tpu.memory_space<hbm>>
      %dma_start3A_64 = arith.constant 0 : i32
      %dma_start3A_65 = arith.constant 0 : i32
      %dma_start3A_66 = tpu.memref_slice %arg5[%add3A, %dma_start3A_64, %dma_start3A_65] : memref<32x125x80xi32, #tpu.memory_space<hbm>> -> memref<1x125x80xi32, #tpu.memory_space<hbm>>
      %dma_start3A_67 = tpu.memref_squeeze %dma_start3A_66 : memref<1x125x80xi32, #tpu.memory_space<hbm>> -> memref<125x80xi32, #tpu.memory_space<hbm>>
      tpu.enqueue_dma source(%dma_start3A_67 : memref<125x80xi32, #tpu.memory_space<hbm>>) target(%arg9 : memref<125x80xi32, #tpu.memory_space<vmem>>) target_semaphore(%run_scoped3A : memref<!tpu.dma_semaphore, #tpu.memory_space<semaphore_mem>>)
      %dma_wait3A_68 = arith.constant 0 : i32
      %dma_wait3A_69 = arith.constant 0 : i32
      %dma_wait3A_70 = tpu.memref_slice %arg5[%add3A, %dma_wait3A_68, %dma_wait3A_69] : memref<32x125x80xi32, #tpu.memory_space<hbm>> -> memref<1x125x80xi32, #tpu.memory_space<hbm>>
      %dma_wait3A_71 = tpu.memref_squeeze %dma_wait3A_70 : memref<1x125x80xi32, #tpu.memory_space<hbm>> -> memref<125x80xi32, #tpu.memory_space<hbm>>
      %dma_wait3A_72 = arith.constant 0 : i32
      %dma_wait3A_73 = arith.constant 0 : i32
      %dma_wait3A_74 = tpu.memref_slice %arg5[%add3A, %dma_wait3A_72, %dma_wait3A_73] : memref<32x125x80xi32, #tpu.memory_space<hbm>> -> memref<1x125x80xi32, #tpu.memory_space<hbm>>
      %dma_wait3A_75 = tpu.memref_squeeze %dma_wait3A_74 : memref<1x125x80xi32, #tpu.memory_space<hbm>> -> memref<125x80xi32, #tpu.memory_space<hbm>>
      tpu.wait_dma2 semaphore(%run_scoped3A : memref<!tpu.dma_semaphore, #tpu.memory_space<semaphore_mem>>) src(%dma_wait3A_75 : memref<125x80xi32, #tpu.memory_space<hbm>>) dst(%arg9 : memref<125x80xi32, #tpu.memory_space<vmem>>)
      tpu.yield
    }) : () -> ()
    %dma_start3A = arith.constant 0 : i32
    %dma_start3A_3 = arith.constant 0 : i32
    %dma_start3A_4 = arith.constant 0 : i32
    %dma_start3A_5 = arith.constant 0 : i32
    %dma_start3A_6 = tpu.memref_slice %arg10[%dma_start3A_3, %dma_start3A_4, %dma_start3A_5] : memref<2x80x128xf32, #tpu.memory_space<vmem>> -> memref<1x80x128xf32, #tpu.memory_space<vmem>>
    %dma_start3A_7 = tpu.memref_squeeze %dma_start3A_6 : memref<1x80x128xf32, #tpu.memory_space<vmem>> -> memref<80x128xf32, #tpu.memory_space<vmem>>
    %dma_start3A_8 = arith.constant 0 : i32
    %dma_start3A_9 = tpu.memref_slice %arg8[%dma_start3A, %dma_start3A_8] : memref<125x80xi32, #tpu.memory_space<vmem>> -> memref<1x80xi32, #tpu.memory_space<vmem>>
    %dma_start3A_10 = tpu.memref_squeeze %dma_start3A_9 : memref<1x80xi32, #tpu.memory_space<vmem>> -> memref<80xi32, #tpu.memory_space<vmem>>
    %dma_start3A_11 = arith.constant 0 : i32
    %dma_start3A_12 = arith.constant 0 : i32
    %dma_start3A_13 = tpu.memref_slice %arg2[%dma_start3A_11, %dma_start3A_12] : memref<10000x128xf32, #tpu.memory_space<hbm>> -> memref<10000x128xf32, #tpu.memory_space<hbm>>
    tpu.enqueue_indirect_dma source(%dma_start3A_13 : memref<10000x128xf32, #tpu.memory_space<hbm>>) target(%dma_start3A_7 : memref<80x128xf32, #tpu.memory_space<vmem>>) offsets(%dma_start3A_10 : memref<80xi32, #tpu.memory_space<vmem>>) semaphore(%arg12 : memref<!tpu.dma_semaphore, #tpu.memory_space<semaphore_mem>>)
    %dma_start3A_14 = arith.constant 0 : i32
    %dma_start3A_15 = arith.constant 0 : i32
    %dma_start3A_16 = arith.constant 0 : i32
    %dma_start3A_17 = arith.constant 0 : i32
    %dma_start3A_18 = tpu.memref_slice %arg11[%dma_start3A_15, %dma_start3A_16, %dma_start3A_17] : memref<2x80x64xf32, #tpu.memory_space<vmem>> -> memref<1x80x64xf32, #tpu.memory_space<vmem>>
    %dma_start3A_19 = tpu.memref_squeeze %dma_start3A_18 : memref<1x80x64xf32, #tpu.memory_space<vmem>> -> memref<80x64xf32, #tpu.memory_space<vmem>>
    %dma_start3A_20 = arith.constant 0 : i32
    %dma_start3A_21 = tpu.memref_slice %arg9[%dma_start3A_14, %dma_start3A_20] : memref<125x80xi32, #tpu.memory_space<vmem>> -> memref<1x80xi32, #tpu.memory_space<vmem>>
    %dma_start3A_22 = tpu.memref_squeeze %dma_start3A_21 : memref<1x80xi32, #tpu.memory_space<vmem>> -> memref<80xi32, #tpu.memory_space<vmem>>
    %dma_start3A_23 = arith.constant 0 : i32
    %dma_start3A_24 = arith.constant 0 : i32
    %dma_start3A_25 = tpu.memref_slice %arg3[%dma_start3A_23, %dma_start3A_24] : memref<10000x64xf32, #tpu.memory_space<hbm>> -> memref<10000x64xf32, #tpu.memory_space<hbm>>
    tpu.enqueue_indirect_dma source(%dma_start3A_25 : memref<10000x64xf32, #tpu.memory_space<hbm>>) target(%dma_start3A_19 : memref<80x64xf32, #tpu.memory_space<vmem>>) offsets(%dma_start3A_22 : memref<80xi32, #tpu.memory_space<vmem>>) semaphore(%arg12 : memref<!tpu.dma_semaphore, #tpu.memory_space<semaphore_mem>>)
    %scan3A = arith.constant 0 : i32
    %scan3A_26 = arith.constant 0 : i32
    %scan3A_27 = arith.constant 125 : i32
    %scan3A_28 = arith.addi %scan3A_26, %scan3A_27 : i32
    %scan3A_29 = arith.constant 1 : i32
    scf.for %scan3A_60 = %scan3A_26 to %scan3A_28 step %scan3A_29  : i32 {
      %rem3A = arith.constant 2 : i32
      %rem3A_61 = arith.remsi %scan3A_60, %rem3A : i32
      %sub3A = arith.constant 1 : i32
      %sub3A_62 = arith.subi %sub3A, %rem3A_61 : i32
      %ge3A = arith.constant 1 : i32
      %ge3A_63 = arith.cmpi sge, %scan3A_60, %ge3A : i32
      %convert_element_type3A = arith.extui %ge3A_63 : i1 to i32
      %cond3A = arith.constant 0 : i32
      %cond3A_64 = arith.cmpi ne, %convert_element_type3A, %cond3A : i32
      scf.if %cond3A_64 {
        %dma_wait3A_118 = arith.constant 0 : i32
        %dma_wait3A_119 = arith.constant 0 : i32
        %dma_wait3A_120 = tpu.memref_slice %arg10[%sub3A_62, %dma_wait3A_118, %dma_wait3A_119] : memref<2x80x128xf32, #tpu.memory_space<vmem>> -> memref<1x80x128xf32, #tpu.memory_space<vmem>>
        %dma_wait3A_121 = tpu.memref_squeeze %dma_wait3A_120 : memref<1x80x128xf32, #tpu.memory_space<vmem>> -> memref<80x128xf32, #tpu.memory_space<vmem>>
        %dma_wait3A_122 = arith.constant 0 : i32
        %dma_wait3A_123 = arith.constant 0 : i32
        %dma_wait3A_124 = tpu.memref_slice %arg6[%dma_wait3A_122, %dma_wait3A_123] : memref<320000x128xf32, #tpu.memory_space<hbm>> -> memref<80x128xf32, #tpu.memory_space<hbm>>
        %dma_wait3A_125 = arith.constant 0 : i32
        %dma_wait3A_126 = arith.constant 0 : i32
        %dma_wait3A_127 = tpu.memref_slice %arg6[%dma_wait3A_125, %dma_wait3A_126] : memref<320000x128xf32, #tpu.memory_space<hbm>> -> memref<80x128xf32, #tpu.memory_space<hbm>>
        %dma_wait3A_128 = arith.constant 0 : i32
        %dma_wait3A_129 = arith.constant 0 : i32
        %dma_wait3A_130 = tpu.memref_slice %arg10[%sub3A_62, %dma_wait3A_128, %dma_wait3A_129] : memref<2x80x128xf32, #tpu.memory_space<vmem>> -> memref<1x80x128xf32, #tpu.memory_space<vmem>>
        %dma_wait3A_131 = tpu.memref_squeeze %dma_wait3A_130 : memref<1x80x128xf32, #tpu.memory_space<vmem>> -> memref<80x128xf32, #tpu.memory_space<vmem>>
        tpu.wait_dma2 semaphore(%arg13 : memref<!tpu.dma_semaphore, #tpu.memory_space<semaphore_mem>>) src(%dma_wait3A_131 : memref<80x128xf32, #tpu.memory_space<vmem>>) dst(%dma_wait3A_127 : memref<80x128xf32, #tpu.memory_space<hbm>>)
        %dma_wait3A_132 = arith.constant 0 : i32
        %dma_wait3A_133 = arith.constant 0 : i32
        %dma_wait3A_134 = tpu.memref_slice %arg11[%sub3A_62, %dma_wait3A_132, %dma_wait3A_133] : memref<2x80x64xf32, #tpu.memory_space<vmem>> -> memref<1x80x64xf32, #tpu.memory_space<vmem>>
        %dma_wait3A_135 = tpu.memref_squeeze %dma_wait3A_134 : memref<1x80x64xf32, #tpu.memory_space<vmem>> -> memref<80x64xf32, #tpu.memory_space<vmem>>
        %dma_wait3A_136 = arith.constant 0 : i32
        %dma_wait3A_137 = arith.constant 0 : i32
        %dma_wait3A_138 = tpu.memref_slice %arg7[%dma_wait3A_136, %dma_wait3A_137] : memref<320000x64xf32, #tpu.memory_space<hbm>> -> memref<80x64xf32, #tpu.memory_space<hbm>>
        %dma_wait3A_139 = arith.constant 0 : i32
        %dma_wait3A_140 = arith.constant 0 : i32
        %dma_wait3A_141 = tpu.memref_slice %arg7[%dma_wait3A_139, %dma_wait3A_140] : memref<320000x64xf32, #tpu.memory_space<hbm>> -> memref<80x64xf32, #tpu.memory_space<hbm>>
        %dma_wait3A_142 = arith.constant 0 : i32
        %dma_wait3A_143 = arith.constant 0 : i32
        %dma_wait3A_144 = tpu.memref_slice %arg11[%sub3A_62, %dma_wait3A_142, %dma_wait3A_143] : memref<2x80x64xf32, #tpu.memory_space<vmem>> -> memref<1x80x64xf32, #tpu.memory_space<vmem>>
        %dma_wait3A_145 = tpu.memref_squeeze %dma_wait3A_144 : memref<1x80x64xf32, #tpu.memory_space<vmem>> -> memref<80x64xf32, #tpu.memory_space<vmem>>
        tpu.wait_dma2 semaphore(%arg13 : memref<!tpu.dma_semaphore, #tpu.memory_space<semaphore_mem>>) src(%dma_wait3A_145 : memref<80x64xf32, #tpu.memory_space<vmem>>) dst(%dma_wait3A_141 : memref<80x64xf32, #tpu.memory_space<hbm>>)
      } else {
      }
      %add3A_65 = arith.constant 1 : i32
      %add3A_66 = arith.addi %scan3A_60, %add3A_65 : i32
      %lt3A = arith.constant 125 : i32
      %lt3A_67 = arith.cmpi slt, %add3A_66, %lt3A : i32
      %convert_element_type3A_68 = arith.extui %lt3A_67 : i1 to i32
      %cond3A_69 = arith.constant 0 : i32
      %cond3A_70 = arith.cmpi ne, %convert_element_type3A_68, %cond3A_69 : i32
      scf.if %cond3A_70 {
        %add3A_118 = arith.constant 1 : i32
        %add3A_119 = arith.addi %scan3A_60, %add3A_118 : i32
        %dma_start3A_120 = arith.constant 0 : i32
        %dma_start3A_121 = arith.constant 0 : i32
        %dma_start3A_122 = tpu.memref_slice %arg10[%sub3A_62, %dma_start3A_120, %dma_start3A_121] : memref<2x80x128xf32, #tpu.memory_space<vmem>> -> memref<1x80x128xf32, #tpu.memory_space<vmem>>
        %dma_start3A_123 = tpu.memref_squeeze %dma_start3A_122 : memref<1x80x128xf32, #tpu.memory_space<vmem>> -> memref<80x128xf32, #tpu.memory_space<vmem>>
        %dma_start3A_124 = arith.constant 0 : i32
        %dma_start3A_125 = tpu.memref_slice %arg8[%add3A_119, %dma_start3A_124] : memref<125x80xi32, #tpu.memory_space<vmem>> -> memref<1x80xi32, #tpu.memory_space<vmem>>
        %dma_start3A_126 = tpu.memref_squeeze %dma_start3A_125 : memref<1x80xi32, #tpu.memory_space<vmem>> -> memref<80xi32, #tpu.memory_space<vmem>>
        %dma_start3A_127 = arith.constant 0 : i32
        %dma_start3A_128 = arith.constant 0 : i32
        %dma_start3A_129 = tpu.memref_slice %arg2[%dma_start3A_127, %dma_start3A_128] : memref<10000x128xf32, #tpu.memory_space<hbm>> -> memref<10000x128xf32, #tpu.memory_space<hbm>>
        tpu.enqueue_indirect_dma source(%dma_start3A_129 : memref<10000x128xf32, #tpu.memory_space<hbm>>) target(%dma_start3A_123 : memref<80x128xf32, #tpu.memory_space<vmem>>) offsets(%dma_start3A_126 : memref<80xi32, #tpu.memory_space<vmem>>) semaphore(%arg12 : memref<!tpu.dma_semaphore, #tpu.memory_space<semaphore_mem>>)
        %add3A_130 = arith.constant 1 : i32
        %add3A_131 = arith.addi %scan3A_60, %add3A_130 : i32
        %dma_start3A_132 = arith.constant 0 : i32
        %dma_start3A_133 = arith.constant 0 : i32
        %dma_start3A_134 = tpu.memref_slice %arg11[%sub3A_62, %dma_start3A_132, %dma_start3A_133] : memref<2x80x64xf32, #tpu.memory_space<vmem>> -> memref<1x80x64xf32, #tpu.memory_space<vmem>>
        %dma_start3A_135 = tpu.memref_squeeze %dma_start3A_134 : memref<1x80x64xf32, #tpu.memory_space<vmem>> -> memref<80x64xf32, #tpu.memory_space<vmem>>
        %dma_start3A_136 = arith.constant 0 : i32
        %dma_start3A_137 = tpu.memref_slice %arg9[%add3A_131, %dma_start3A_136] : memref<125x80xi32, #tpu.memory_space<vmem>> -> memref<1x80xi32, #tpu.memory_space<vmem>>
        %dma_start3A_138 = tpu.memref_squeeze %dma_start3A_137 : memref<1x80xi32, #tpu.memory_space<vmem>> -> memref<80xi32, #tpu.memory_space<vmem>>
        %dma_start3A_139 = arith.constant 0 : i32
        %dma_start3A_140 = arith.constant 0 : i32
        %dma_start3A_141 = tpu.memref_slice %arg3[%dma_start3A_139, %dma_start3A_140] : memref<10000x64xf32, #tpu.memory_space<hbm>> -> memref<10000x64xf32, #tpu.memory_space<hbm>>
        tpu.enqueue_indirect_dma source(%dma_start3A_141 : memref<10000x64xf32, #tpu.memory_space<hbm>>) target(%dma_start3A_135 : memref<80x64xf32, #tpu.memory_space<vmem>>) offsets(%dma_start3A_138 : memref<80xi32, #tpu.memory_space<vmem>>) semaphore(%arg12 : memref<!tpu.dma_semaphore, #tpu.memory_space<semaphore_mem>>)
      } else {
      }
      %dma_wait3A_71 = arith.constant 0 : i32
      %dma_wait3A_72 = arith.constant 0 : i32
      %dma_wait3A_73 = tpu.memref_slice %arg10[%rem3A_61, %dma_wait3A_71, %dma_wait3A_72] : memref<2x80x128xf32, #tpu.memory_space<vmem>> -> memref<1x80x128xf32, #tpu.memory_space<vmem>>
      %dma_wait3A_74 = tpu.memref_squeeze %dma_wait3A_73 : memref<1x80x128xf32, #tpu.memory_space<vmem>> -> memref<80x128xf32, #tpu.memory_space<vmem>>
      %dma_wait3A_75 = arith.constant 0 : i32
      %dma_wait3A_76 = tpu.memref_slice %arg8[%scan3A_60, %dma_wait3A_75] : memref<125x80xi32, #tpu.memory_space<vmem>> -> memref<1x80xi32, #tpu.memory_space<vmem>>
      %dma_wait3A_77 = tpu.memref_squeeze %dma_wait3A_76 : memref<1x80xi32, #tpu.memory_space<vmem>> -> memref<80xi32, #tpu.memory_space<vmem>>
      %dma_wait3A_78 = arith.constant 0 : i32
      %dma_wait3A_79 = arith.constant 0 : i32
      %dma_wait3A_80 = tpu.memref_slice %arg2[%dma_wait3A_78, %dma_wait3A_79] : memref<10000x128xf32, #tpu.memory_space<hbm>> -> memref<10000x128xf32, #tpu.memory_space<hbm>>
      tpu.wait_indirect_dma semaphore(%arg12 : memref<!tpu.dma_semaphore, #tpu.memory_space<semaphore_mem>>) src(%dma_wait3A_80 : memref<10000x128xf32, #tpu.memory_space<hbm>>) dst(%dma_wait3A_74 : memref<80x128xf32, #tpu.memory_space<vmem>>)
      %dma_wait3A_81 = arith.constant 0 : i32
      %dma_wait3A_82 = arith.constant 0 : i32
      %dma_wait3A_83 = tpu.memref_slice %arg11[%rem3A_61, %dma_wait3A_81, %dma_wait3A_82] : memref<2x80x64xf32, #tpu.memory_space<vmem>> -> memref<1x80x64xf32, #tpu.memory_space<vmem>>
      %dma_wait3A_84 = tpu.memref_squeeze %dma_wait3A_83 : memref<1x80x64xf32, #tpu.memory_space<vmem>> -> memref<80x64xf32, #tpu.memory_space<vmem>>
      %dma_wait3A_85 = arith.constant 0 : i32
      %dma_wait3A_86 = tpu.memref_slice %arg9[%scan3A_60, %dma_wait3A_85] : memref<125x80xi32, #tpu.memory_space<vmem>> -> memref<1x80xi32, #tpu.memory_space<vmem>>
      %dma_wait3A_87 = tpu.memref_squeeze %dma_wait3A_86 : memref<1x80xi32, #tpu.memory_space<vmem>> -> memref<80xi32, #tpu.memory_space<vmem>>
      %dma_wait3A_88 = arith.constant 0 : i32
      %dma_wait3A_89 = arith.constant 0 : i32
      %dma_wait3A_90 = tpu.memref_slice %arg3[%dma_wait3A_88, %dma_wait3A_89] : memref<10000x64xf32, #tpu.memory_space<hbm>> -> memref<10000x64xf32, #tpu.memory_space<hbm>>
      tpu.wait_indirect_dma semaphore(%arg12 : memref<!tpu.dma_semaphore, #tpu.memory_space<semaphore_mem>>) src(%dma_wait3A_90 : memref<10000x64xf32, #tpu.memory_space<hbm>>) dst(%dma_wait3A_84 : memref<80x64xf32, #tpu.memory_space<vmem>>)
      %mul3A_91 = arith.constant 80 : i32
      %mul3A_92 = arith.muli %scan3A_60, %mul3A_91 : i32
      %add3A_93 = arith.addi %mul3A_2, %mul3A_92 : i32
      %dma_start3A_94 = arith.constant 0 : i32
      %dma_start3A_95 = arith.constant 0 : i32
      %dma_start3A_96 = tpu.memref_slice %arg10[%rem3A_61, %dma_start3A_94, %dma_start3A_95] : memref<2x80x128xf32, #tpu.memory_space<vmem>> -> memref<1x80x128xf32, #tpu.memory_space<vmem>>
      %dma_start3A_97 = tpu.memref_squeeze %dma_start3A_96 : memref<1x80x128xf32, #tpu.memory_space<vmem>> -> memref<80x128xf32, #tpu.memory_space<vmem>>
      %dma_start3A_98 = arith.constant 0 : i32
      %dma_start3A_99 = tpu.memref_slice %arg6[%add3A_93, %dma_start3A_98] : memref<320000x128xf32, #tpu.memory_space<hbm>> -> memref<80x128xf32, #tpu.memory_space<hbm>>
      %dma_start3A_100 = arith.constant 0 : i32
      %dma_start3A_101 = tpu.memref_slice %arg6[%add3A_93, %dma_start3A_100] : memref<320000x128xf32, #tpu.memory_space<hbm>> -> memref<80x128xf32, #tpu.memory_space<hbm>>
      %dma_start3A_102 = arith.constant 0 : i32
      %dma_start3A_103 = arith.constant 0 : i32
      %dma_start3A_104 = tpu.memref_slice %arg10[%rem3A_61, %dma_start3A_102, %dma_start3A_103] : memref<2x80x128xf32, #tpu.memory_space<vmem>> -> memref<1x80x128xf32, #tpu.memory_space<vmem>>
      %dma_start3A_105 = tpu.memref_squeeze %dma_start3A_104 : memref<1x80x128xf32, #tpu.memory_space<vmem>> -> memref<80x128xf32, #tpu.memory_space<vmem>>
      tpu.enqueue_dma source(%dma_start3A_105 : memref<80x128xf32, #tpu.memory_space<vmem>>) target(%dma_start3A_101 : memref<80x128xf32, #tpu.memory_space<hbm>>) target_semaphore(%arg13 : memref<!tpu.dma_semaphore, #tpu.memory_space<semaphore_mem>>)
      %dma_start3A_106 = arith.constant 0 : i32
      %dma_start3A_107 = arith.constant 0 : i32
      %dma_start3A_108 = tpu.memref_slice %arg11[%rem3A_61, %dma_start3A_106, %dma_start3A_107] : memref<2x80x64xf32, #tpu.memory_space<vmem>> -> memref<1x80x64xf32, #tpu.memory_space<vmem>>
      %dma_start3A_109 = tpu.memref_squeeze %dma_start3A_108 : memref<1x80x64xf32, #tpu.memory_space<vmem>> -> memref<80x64xf32, #tpu.memory_space<vmem>>
      %dma_start3A_110 = arith.constant 0 : i32
      %dma_start3A_111 = tpu.memref_slice %arg7[%add3A_93, %dma_start3A_110] : memref<320000x64xf32, #tpu.memory_space<hbm>> -> memref<80x64xf32, #tpu.memory_space<hbm>>
      %dma_start3A_112 = arith.constant 0 : i32
      %dma_start3A_113 = tpu.memref_slice %arg7[%add3A_93, %dma_start3A_112] : memref<320000x64xf32, #tpu.memory_space<hbm>> -> memref<80x64xf32, #tpu.memory_space<hbm>>
      %dma_start3A_114 = arith.constant 0 : i32
      %dma_start3A_115 = arith.constant 0 : i32
      %dma_start3A_116 = tpu.memref_slice %arg11[%rem3A_61, %dma_start3A_114, %dma_start3A_115] : memref<2x80x64xf32, #tpu.memory_space<vmem>> -> memref<1x80x64xf32, #tpu.memory_space<vmem>>
      %dma_start3A_117 = tpu.memref_squeeze %dma_start3A_116 : memref<1x80x64xf32, #tpu.memory_space<vmem>> -> memref<80x64xf32, #tpu.memory_space<vmem>>
      tpu.enqueue_dma source(%dma_start3A_117 : memref<80x64xf32, #tpu.memory_space<vmem>>) target(%dma_start3A_113 : memref<80x64xf32, #tpu.memory_space<hbm>>) target_semaphore(%arg13 : memref<!tpu.dma_semaphore, #tpu.memory_space<semaphore_mem>>)
    }
    %scan3A_30 = arith.constant 125 : i32
    %dma_wait3A = arith.constant 0 : i32
    %dma_wait3A_31 = arith.constant 0 : i32
    %dma_wait3A_32 = arith.constant 0 : i32
    %dma_wait3A_33 = tpu.memref_slice %arg10[%dma_wait3A, %dma_wait3A_31, %dma_wait3A_32] : memref<2x80x128xf32, #tpu.memory_space<vmem>> -> memref<1x80x128xf32, #tpu.memory_space<vmem>>
    %dma_wait3A_34 = tpu.memref_squeeze %dma_wait3A_33 : memref<1x80x128xf32, #tpu.memory_space<vmem>> -> memref<80x128xf32, #tpu.memory_space<vmem>>
    %dma_wait3A_35 = arith.constant 0 : i32
    %dma_wait3A_36 = arith.constant 0 : i32
    %dma_wait3A_37 = tpu.memref_slice %arg6[%dma_wait3A_35, %dma_wait3A_36] : memref<320000x128xf32, #tpu.memory_space<hbm>> -> memref<80x128xf32, #tpu.memory_space<hbm>>
    %dma_wait3A_38 = arith.constant 0 : i32
    %dma_wait3A_39 = arith.constant 0 : i32
    %dma_wait3A_40 = tpu.memref_slice %arg6[%dma_wait3A_38, %dma_wait3A_39] : memref<320000x128xf32, #tpu.memory_space<hbm>> -> memref<80x128xf32, #tpu.memory_space<hbm>>
    %dma_wait3A_41 = arith.constant 0 : i32
    %dma_wait3A_42 = arith.constant 0 : i32
    %dma_wait3A_43 = tpu.memref_slice %arg10[%dma_wait3A, %dma_wait3A_41, %dma_wait3A_42] : memref<2x80x128xf32, #tpu.memory_space<vmem>> -> memref<1x80x128xf32, #tpu.memory_space<vmem>>
    %dma_wait3A_44 = tpu.memref_squeeze %dma_wait3A_43 : memref<1x80x128xf32, #tpu.memory_space<vmem>> -> memref<80x128xf32, #tpu.memory_space<vmem>>
    tpu.wait_dma2 semaphore(%arg13 : memref<!tpu.dma_semaphore, #tpu.memory_space<semaphore_mem>>) src(%dma_wait3A_44 : memref<80x128xf32, #tpu.memory_space<vmem>>) dst(%dma_wait3A_40 : memref<80x128xf32, #tpu.memory_space<hbm>>)
    %dma_wait3A_45 = arith.constant 0 : i32
    %dma_wait3A_46 = arith.constant 0 : i32
    %dma_wait3A_47 = arith.constant 0 : i32
    %dma_wait3A_48 = tpu.memref_slice %arg11[%dma_wait3A_45, %dma_wait3A_46, %dma_wait3A_47] : memref<2x80x64xf32, #tpu.memory_space<vmem>> -> memref<1x80x64xf32, #tpu.memory_space<vmem>>
    %dma_wait3A_49 = tpu.memref_squeeze %dma_wait3A_48 : memref<1x80x64xf32, #tpu.memory_space<vmem>> -> memref<80x64xf32, #tpu.memory_space<vmem>>
    %dma_wait3A_50 = arith.constant 0 : i32
    %dma_wait3A_51 = arith.constant 0 : i32
    %dma_wait3A_52 = tpu.memref_slice %arg7[%dma_wait3A_50, %dma_wait3A_51] : memref<320000x64xf32, #tpu.memory_space<hbm>> -> memref<80x64xf32, #tpu.memory_space<hbm>>
    %dma_wait3A_53 = arith.constant 0 : i32
    %dma_wait3A_54 = arith.constant 0 : i32
    %dma_wait3A_55 = tpu.memref_slice %arg7[%dma_wait3A_53, %dma_wait3A_54] : memref<320000x64xf32, #tpu.memory_space<hbm>> -> memref<80x64xf32, #tpu.memory_space<hbm>>
    %dma_wait3A_56 = arith.constant 0 : i32
    %dma_wait3A_57 = arith.constant 0 : i32
    %dma_wait3A_58 = tpu.memref_slice %arg11[%dma_wait3A_45, %dma_wait3A_56, %dma_wait3A_57] : memref<2x80x64xf32, #tpu.memory_space<vmem>> -> memref<1x80x64xf32, #tpu.memory_space<vmem>>
    %dma_wait3A_59 = tpu.memref_squeeze %dma_wait3A_58 : memref<1x80x64xf32, #tpu.memory_space<vmem>> -> memref<80x64xf32, #tpu.memory_space<vmem>>
    tpu.wait_dma2 semaphore(%arg13 : memref<!tpu.dma_semaphore, #tpu.memory_space<semaphore_mem>>) src(%dma_wait3A_59 : memref<80x64xf32, #tpu.memory_space<vmem>>) dst(%dma_wait3A_55 : memref<80x64xf32, #tpu.memory_space<hbm>>)
    return
  }
}

#map = affine_map<(d0, d1) -> (0, 0)>
#map1 = affine_map<(d0, d1) -> (0, 0, 0)>
module attributes {stable_mosaic.version = 14 : i64} {
  func.func @_scatter_kernel(%arg0: i32, %arg1: i32, %arg2: memref<320000x64xf32, #tpu.memory_space<hbm>>, %arg3: memref<32x125x80xi32, #tpu.memory_space<hbm>>, %arg4: memref<1000x64xf32, #tpu.memory_space<hbm>>, %arg5: memref<2x10000x64xf32, #tpu.memory_space<hbm>>, %arg6: memref<125x80xi32, #tpu.memory_space<vmem>>, %arg7: memref<2x80x64xf32, #tpu.memory_space<vmem>>, %arg8: memref<10000x64xf32, #tpu.memory_space<vmem_shared>>, %arg9: memref<!tpu.dma_semaphore, #tpu.memory_space<semaphore_mem>>) attributes {dimension_semantics = [#tpu.dimension_semantics<core_parallel>, #tpu.dimension_semantics<subcore_parallel>], iteration_bounds = array<i64: 2, 16>, scalar_prefetch = 0 : i64, scratch_operands = 4 : i64, tpu.core_type = #tpu.core_type<sc_vector_subcore>, window_params = [{transform_indices = #map}, {transform_indices = #map1}, {transform_indices = #map}, {transform_indices = #map1}]} {
    %mul3A = arith.constant 2 : i32
    %mul3A_0 = arith.muli %arg1, %mul3A : i32
    %add3A = arith.addi %mul3A_0, %arg0 : i32
    %lt3A = arith.constant 10 : i32
    %lt3A_1 = arith.cmpi slt, %arg1, %lt3A : i32
    %convert_element_type3A = arith.extui %lt3A_1 : i1 to i32
    %cond3A = arith.constant 0 : i32
    %cond3A_2 = arith.cmpi ne, %convert_element_type3A, %cond3A : i32
    scf.if %cond3A_2 {
      %mul3A_28 = arith.constant 1000 : i32
      %mul3A_29 = arith.muli %arg1, %mul3A_28 : i32
      "tpu.region"() ({
        %run_scoped3A = tpu.sem_alloc : memref<!tpu.dma_semaphore, #tpu.memory_space<semaphore_mem>>
        %dma_start3A_30 = arith.constant 0 : i32
        %dma_start3A_31 = tpu.memref_slice %arg8[%mul3A_29, %dma_start3A_30] : memref<10000x64xf32, #tpu.memory_space<vmem_shared>> -> memref<1000x64xf32, #tpu.memory_space<vmem_shared>>
        tpu.enqueue_dma source(%arg4 : memref<1000x64xf32, #tpu.memory_space<hbm>>) target(%dma_start3A_31 : memref<1000x64xf32, #tpu.memory_space<vmem_shared>>) target_semaphore(%run_scoped3A : memref<!tpu.dma_semaphore, #tpu.memory_space<semaphore_mem>>)
        %dma_wait3A = arith.constant 0 : i32
        %dma_wait3A_32 = tpu.memref_slice %arg8[%mul3A_29, %dma_wait3A] : memref<10000x64xf32, #tpu.memory_space<vmem_shared>> -> memref<1000x64xf32, #tpu.memory_space<vmem_shared>>
        tpu.wait_dma2 semaphore(%run_scoped3A : memref<!tpu.dma_semaphore, #tpu.memory_space<semaphore_mem>>) src(%arg4 : memref<1000x64xf32, #tpu.memory_space<hbm>>) dst(%dma_wait3A_32 : memref<1000x64xf32, #tpu.memory_space<vmem_shared>>)
        tpu.yield
      }) : () -> ()
    } else {
    }
    "tpu.region"() ({
      %run_scoped3A = tpu.sem_alloc : memref<!tpu.dma_semaphore, #tpu.memory_space<semaphore_mem>>
      %dma_start3A_28 = arith.constant 0 : i32
      %dma_start3A_29 = arith.constant 0 : i32
      %dma_start3A_30 = tpu.memref_slice %arg3[%add3A, %dma_start3A_28, %dma_start3A_29] : memref<32x125x80xi32, #tpu.memory_space<hbm>> -> memref<1x125x80xi32, #tpu.memory_space<hbm>>
      %dma_start3A_31 = tpu.memref_squeeze %dma_start3A_30 : memref<1x125x80xi32, #tpu.memory_space<hbm>> -> memref<125x80xi32, #tpu.memory_space<hbm>>
      %dma_start3A_32 = arith.constant 0 : i32
      %dma_start3A_33 = arith.constant 0 : i32
      %dma_start3A_34 = tpu.memref_slice %arg3[%add3A, %dma_start3A_32, %dma_start3A_33] : memref<32x125x80xi32, #tpu.memory_space<hbm>> -> memref<1x125x80xi32, #tpu.memory_space<hbm>>
      %dma_start3A_35 = tpu.memref_squeeze %dma_start3A_34 : memref<1x125x80xi32, #tpu.memory_space<hbm>> -> memref<125x80xi32, #tpu.memory_space<hbm>>
      tpu.enqueue_dma source(%dma_start3A_35 : memref<125x80xi32, #tpu.memory_space<hbm>>) target(%arg6 : memref<125x80xi32, #tpu.memory_space<vmem>>) target_semaphore(%run_scoped3A : memref<!tpu.dma_semaphore, #tpu.memory_space<semaphore_mem>>)
      %dma_wait3A = arith.constant 0 : i32
      %dma_wait3A_36 = arith.constant 0 : i32
      %dma_wait3A_37 = tpu.memref_slice %arg3[%add3A, %dma_wait3A, %dma_wait3A_36] : memref<32x125x80xi32, #tpu.memory_space<hbm>> -> memref<1x125x80xi32, #tpu.memory_space<hbm>>
      %dma_wait3A_38 = tpu.memref_squeeze %dma_wait3A_37 : memref<1x125x80xi32, #tpu.memory_space<hbm>> -> memref<125x80xi32, #tpu.memory_space<hbm>>
      %dma_wait3A_39 = arith.constant 0 : i32
      %dma_wait3A_40 = arith.constant 0 : i32
      %dma_wait3A_41 = tpu.memref_slice %arg3[%add3A, %dma_wait3A_39, %dma_wait3A_40] : memref<32x125x80xi32, #tpu.memory_space<hbm>> -> memref<1x125x80xi32, #tpu.memory_space<hbm>>
      %dma_wait3A_42 = tpu.memref_squeeze %dma_wait3A_41 : memref<1x125x80xi32, #tpu.memory_space<hbm>> -> memref<125x80xi32, #tpu.memory_space<hbm>>
      tpu.wait_dma2 semaphore(%run_scoped3A : memref<!tpu.dma_semaphore, #tpu.memory_space<semaphore_mem>>) src(%dma_wait3A_42 : memref<125x80xi32, #tpu.memory_space<hbm>>) dst(%arg6 : memref<125x80xi32, #tpu.memory_space<vmem>>)
      tpu.yield
    }) : () -> ()
    %barrier3A = arith.constant 0 : index
    tpu.barrier barrier_id(%barrier3A)
    %mul3A_3 = arith.constant 10000 : i32
    %mul3A_4 = arith.muli %add3A, %mul3A_3 : i32
    %dma_start3A = arith.constant 0 : i32
    %dma_start3A_5 = arith.constant 0 : i32
    %dma_start3A_6 = arith.constant 0 : i32
    %dma_start3A_7 = tpu.memref_slice %arg7[%dma_start3A, %dma_start3A_5, %dma_start3A_6] : memref<2x80x64xf32, #tpu.memory_space<vmem>> -> memref<1x80x64xf32, #tpu.memory_space<vmem>>
    %dma_start3A_8 = tpu.memref_squeeze %dma_start3A_7 : memref<1x80x64xf32, #tpu.memory_space<vmem>> -> memref<80x64xf32, #tpu.memory_space<vmem>>
    %dma_start3A_9 = arith.constant 0 : i32
    %dma_start3A_10 = tpu.memref_slice %arg2[%mul3A_4, %dma_start3A_9] : memref<320000x64xf32, #tpu.memory_space<hbm>> -> memref<80x64xf32, #tpu.memory_space<hbm>>
    %dma_start3A_11 = arith.constant 0 : i32
    %dma_start3A_12 = arith.constant 0 : i32
    %dma_start3A_13 = tpu.memref_slice %arg7[%dma_start3A, %dma_start3A_11, %dma_start3A_12] : memref<2x80x64xf32, #tpu.memory_space<vmem>> -> memref<1x80x64xf32, #tpu.memory_space<vmem>>
    %dma_start3A_14 = tpu.memref_squeeze %dma_start3A_13 : memref<1x80x64xf32, #tpu.memory_space<vmem>> -> memref<80x64xf32, #tpu.memory_space<vmem>>
    %dma_start3A_15 = arith.constant 0 : i32
    %dma_start3A_16 = tpu.memref_slice %arg2[%mul3A_4, %dma_start3A_15] : memref<320000x64xf32, #tpu.memory_space<hbm>> -> memref<80x64xf32, #tpu.memory_space<hbm>>
    tpu.enqueue_dma source(%dma_start3A_16 : memref<80x64xf32, #tpu.memory_space<hbm>>) target(%dma_start3A_14 : memref<80x64xf32, #tpu.memory_space<vmem>>) target_semaphore(%arg9 : memref<!tpu.dma_semaphore, #tpu.memory_space<semaphore_mem>>)
    %scan3A = arith.constant 0 : i32
    %scan3A_17 = arith.constant 0 : i32
    %scan3A_18 = arith.constant 125 : i32
    %scan3A_19 = arith.addi %scan3A_17, %scan3A_18 : i32
    %scan3A_20 = arith.constant 1 : i32
    scf.for %scan3A_28 = %scan3A_17 to %scan3A_19 step %scan3A_20  : i32 {
      %rem3A = arith.constant 2 : i32
      %rem3A_29 = arith.remsi %scan3A_28, %rem3A : i32
      %add3A_30 = arith.constant 1 : i32
      %add3A_31 = arith.addi %scan3A_28, %add3A_30 : i32
      %lt3A_32 = arith.constant 125 : i32
      %lt3A_33 = arith.cmpi slt, %add3A_31, %lt3A_32 : i32
      %convert_element_type3A_34 = arith.extui %lt3A_33 : i1 to i32
      %cond3A_35 = arith.constant 0 : i32
      %cond3A_36 = arith.cmpi ne, %convert_element_type3A_34, %cond3A_35 : i32
      scf.if %cond3A_36 {
        %mul3A_50 = arith.constant 10000 : i32
        %mul3A_51 = arith.muli %add3A, %mul3A_50 : i32
        %add3A_52 = arith.constant 1 : i32
        %add3A_53 = arith.addi %scan3A_28, %add3A_52 : i32
        %mul3A_54 = arith.constant 80 : i32
        %mul3A_55 = arith.muli %add3A_53, %mul3A_54 : i32
        %add3A_56 = arith.addi %mul3A_51, %mul3A_55 : i32
        %sub3A = arith.constant 1 : i32
        %sub3A_57 = arith.subi %sub3A, %rem3A_29 : i32
        %dma_start3A_58 = arith.constant 0 : i32
        %dma_start3A_59 = arith.constant 0 : i32
        %dma_start3A_60 = tpu.memref_slice %arg7[%sub3A_57, %dma_start3A_58, %dma_start3A_59] : memref<2x80x64xf32, #tpu.memory_space<vmem>> -> memref<1x80x64xf32, #tpu.memory_space<vmem>>
        %dma_start3A_61 = tpu.memref_squeeze %dma_start3A_60 : memref<1x80x64xf32, #tpu.memory_space<vmem>> -> memref<80x64xf32, #tpu.memory_space<vmem>>
        %dma_start3A_62 = arith.constant 0 : i32
        %dma_start3A_63 = tpu.memref_slice %arg2[%add3A_56, %dma_start3A_62] : memref<320000x64xf32, #tpu.memory_space<hbm>> -> memref<80x64xf32, #tpu.memory_space<hbm>>
        %dma_start3A_64 = arith.constant 0 : i32
        %dma_start3A_65 = arith.constant 0 : i32
        %dma_start3A_66 = tpu.memref_slice %arg7[%sub3A_57, %dma_start3A_64, %dma_start3A_65] : memref<2x80x64xf32, #tpu.memory_space<vmem>> -> memref<1x80x64xf32, #tpu.memory_space<vmem>>
        %dma_start3A_67 = tpu.memref_squeeze %dma_start3A_66 : memref<1x80x64xf32, #tpu.memory_space<vmem>> -> memref<80x64xf32, #tpu.memory_space<vmem>>
        %dma_start3A_68 = arith.constant 0 : i32
        %dma_start3A_69 = tpu.memref_slice %arg2[%add3A_56, %dma_start3A_68] : memref<320000x64xf32, #tpu.memory_space<hbm>> -> memref<80x64xf32, #tpu.memory_space<hbm>>
        tpu.enqueue_dma source(%dma_start3A_69 : memref<80x64xf32, #tpu.memory_space<hbm>>) target(%dma_start3A_67 : memref<80x64xf32, #tpu.memory_space<vmem>>) target_semaphore(%arg9 : memref<!tpu.dma_semaphore, #tpu.memory_space<semaphore_mem>>)
      } else {
      }
      %dma_wait3A = arith.constant 0 : i32
      %dma_wait3A_37 = arith.constant 0 : i32
      %dma_wait3A_38 = tpu.memref_slice %arg7[%rem3A_29, %dma_wait3A, %dma_wait3A_37] : memref<2x80x64xf32, #tpu.memory_space<vmem>> -> memref<1x80x64xf32, #tpu.memory_space<vmem>>
      %dma_wait3A_39 = tpu.memref_squeeze %dma_wait3A_38 : memref<1x80x64xf32, #tpu.memory_space<vmem>> -> memref<80x64xf32, #tpu.memory_space<vmem>>
      %dma_wait3A_40 = arith.constant 0 : i32
      %dma_wait3A_41 = arith.constant 0 : i32
      %dma_wait3A_42 = tpu.memref_slice %arg2[%dma_wait3A_40, %dma_wait3A_41] : memref<320000x64xf32, #tpu.memory_space<hbm>> -> memref<80x64xf32, #tpu.memory_space<hbm>>
      %dma_wait3A_43 = arith.constant 0 : i32
      %dma_wait3A_44 = arith.constant 0 : i32
      %dma_wait3A_45 = tpu.memref_slice %arg7[%rem3A_29, %dma_wait3A_43, %dma_wait3A_44] : memref<2x80x64xf32, #tpu.memory_space<vmem>> -> memref<1x80x64xf32, #tpu.memory_space<vmem>>
      %dma_wait3A_46 = tpu.memref_squeeze %dma_wait3A_45 : memref<1x80x64xf32, #tpu.memory_space<vmem>> -> memref<80x64xf32, #tpu.memory_space<vmem>>
      %dma_wait3A_47 = arith.constant 0 : i32
      %dma_wait3A_48 = arith.constant 0 : i32
      %dma_wait3A_49 = tpu.memref_slice %arg2[%dma_wait3A_47, %dma_wait3A_48] : memref<320000x64xf32, #tpu.memory_space<hbm>> -> memref<80x64xf32, #tpu.memory_space<hbm>>
      tpu.wait_dma2 semaphore(%arg9 : memref<!tpu.dma_semaphore, #tpu.memory_space<semaphore_mem>>) src(%dma_wait3A_49 : memref<80x64xf32, #tpu.memory_space<hbm>>) dst(%dma_wait3A_46 : memref<80x64xf32, #tpu.memory_space<vmem>>)
      "tpu.region"() ({
        %run_scoped3A = tpu.sem_alloc : memref<!tpu.dma_semaphore, #tpu.memory_space<semaphore_mem>>
        %dma_start3A_50 = arith.constant 0 : i32
        %dma_start3A_51 = arith.constant 0 : i32
        %dma_start3A_52 = tpu.memref_slice %arg7[%rem3A_29, %dma_start3A_50, %dma_start3A_51] : memref<2x80x64xf32, #tpu.memory_space<vmem>> -> memref<1x80x64xf32, #tpu.memory_space<vmem>>
        %dma_start3A_53 = tpu.memref_squeeze %dma_start3A_52 : memref<1x80x64xf32, #tpu.memory_space<vmem>> -> memref<80x64xf32, #tpu.memory_space<vmem>>
        %dma_start3A_54 = arith.constant 0 : i32
        %dma_start3A_55 = tpu.memref_slice %arg6[%scan3A_28, %dma_start3A_54] : memref<125x80xi32, #tpu.memory_space<vmem>> -> memref<1x80xi32, #tpu.memory_space<vmem>>
        %dma_start3A_56 = tpu.memref_squeeze %dma_start3A_55 : memref<1x80xi32, #tpu.memory_space<vmem>> -> memref<80xi32, #tpu.memory_space<vmem>>
        %dma_start3A_57 = arith.constant 0 : i32
        %dma_start3A_58 = arith.constant 0 : i32
        %dma_start3A_59 = tpu.memref_slice %arg8[%dma_start3A_57, %dma_start3A_58] : memref<10000x64xf32, #tpu.memory_space<vmem_shared>> -> memref<10000x64xf32, #tpu.memory_space<vmem_shared>>
        tpu.enqueue_indirect_dma source(%dma_start3A_53 : memref<80x64xf32, #tpu.memory_space<vmem>>) target(%dma_start3A_59 : memref<10000x64xf32, #tpu.memory_space<vmem_shared>>) offsets(%dma_start3A_56 : memref<80xi32, #tpu.memory_space<vmem>>) semaphore(%run_scoped3A : memref<!tpu.dma_semaphore, #tpu.memory_space<semaphore_mem>>) {add = true}
        %dma_wait3A_60 = arith.constant 0 : i32
        %dma_wait3A_61 = arith.constant 0 : i32
        %dma_wait3A_62 = tpu.memref_slice %arg7[%rem3A_29, %dma_wait3A_60, %dma_wait3A_61] : memref<2x80x64xf32, #tpu.memory_space<vmem>> -> memref<1x80x64xf32, #tpu.memory_space<vmem>>
        %dma_wait3A_63 = tpu.memref_squeeze %dma_wait3A_62 : memref<1x80x64xf32, #tpu.memory_space<vmem>> -> memref<80x64xf32, #tpu.memory_space<vmem>>
        %dma_wait3A_64 = arith.constant 0 : i32
        %dma_wait3A_65 = tpu.memref_slice %arg6[%scan3A_28, %dma_wait3A_64] : memref<125x80xi32, #tpu.memory_space<vmem>> -> memref<1x80xi32, #tpu.memory_space<vmem>>
        %dma_wait3A_66 = tpu.memref_squeeze %dma_wait3A_65 : memref<1x80xi32, #tpu.memory_space<vmem>> -> memref<80xi32, #tpu.memory_space<vmem>>
        %dma_wait3A_67 = arith.constant 0 : i32
        %dma_wait3A_68 = arith.constant 0 : i32
        %dma_wait3A_69 = tpu.memref_slice %arg8[%dma_wait3A_67, %dma_wait3A_68] : memref<10000x64xf32, #tpu.memory_space<vmem_shared>> -> memref<10000x64xf32, #tpu.memory_space<vmem_shared>>
        tpu.wait_indirect_dma semaphore(%run_scoped3A : memref<!tpu.dma_semaphore, #tpu.memory_space<semaphore_mem>>) src(%dma_wait3A_63 : memref<80x64xf32, #tpu.memory_space<vmem>>) dst(%dma_wait3A_69 : memref<10000x64xf32, #tpu.memory_space<vmem_shared>>)
        tpu.yield
      }) : () -> ()
    }
    %scan3A_21 = arith.constant 125 : i32
    %barrier3A_22 = arith.constant 0 : index
    tpu.barrier barrier_id(%barrier3A_22)
    %lt3A_23 = arith.constant 10 : i32
    %lt3A_24 = arith.cmpi slt, %arg1, %lt3A_23 : i32
    %convert_element_type3A_25 = arith.extui %lt3A_24 : i1 to i32
    %cond3A_26 = arith.constant 0 : i32
    %cond3A_27 = arith.cmpi ne, %convert_element_type3A_25, %cond3A_26 : i32
    scf.if %cond3A_27 {
      %mul3A_28 = arith.constant 1000 : i32
      %mul3A_29 = arith.muli %arg1, %mul3A_28 : i32
      %mul3A_30 = arith.constant 1000 : i32
      %mul3A_31 = arith.muli %arg1, %mul3A_30 : i32
      "tpu.region"() ({
        %run_scoped3A = tpu.sem_alloc : memref<!tpu.dma_semaphore, #tpu.memory_space<semaphore_mem>>
        %dma_start3A_32 = arith.constant 0 : i32
        %dma_start3A_33 = tpu.memref_slice %arg5[%arg0, %mul3A_31, %dma_start3A_32] : memref<2x10000x64xf32, #tpu.memory_space<hbm>> -> memref<1x1000x64xf32, #tpu.memory_space<hbm>>
        %dma_start3A_34 = tpu.memref_squeeze %dma_start3A_33 : memref<1x1000x64xf32, #tpu.memory_space<hbm>> -> memref<1000x64xf32, #tpu.memory_space<hbm>>
        %dma_start3A_35 = arith.constant 0 : i32
        %dma_start3A_36 = tpu.memref_slice %arg8[%mul3A_29, %dma_start3A_35] : memref<10000x64xf32, #tpu.memory_space<vmem_shared>> -> memref<1000x64xf32, #tpu.memory_space<vmem_shared>>
        tpu.enqueue_dma source(%dma_start3A_36 : memref<1000x64xf32, #tpu.memory_space<vmem_shared>>) target(%dma_start3A_34 : memref<1000x64xf32, #tpu.memory_space<hbm>>) target_semaphore(%run_scoped3A : memref<!tpu.dma_semaphore, #tpu.memory_space<semaphore_mem>>)
        %dma_wait3A = arith.constant 0 : i32
        %dma_wait3A_37 = tpu.memref_slice %arg5[%arg0, %mul3A_31, %dma_wait3A] : memref<2x10000x64xf32, #tpu.memory_space<hbm>> -> memref<1x1000x64xf32, #tpu.memory_space<hbm>>
        %dma_wait3A_38 = tpu.memref_squeeze %dma_wait3A_37 : memref<1x1000x64xf32, #tpu.memory_space<hbm>> -> memref<1000x64xf32, #tpu.memory_space<hbm>>
        %dma_wait3A_39 = arith.constant 0 : i32
        %dma_wait3A_40 = tpu.memref_slice %arg8[%mul3A_29, %dma_wait3A_39] : memref<10000x64xf32, #tpu.memory_space<vmem_shared>> -> memref<1000x64xf32, #tpu.memory_space<vmem_shared>>
        tpu.wait_dma2 semaphore(%run_scoped3A : memref<!tpu.dma_semaphore, #tpu.memory_space<semaphore_mem>>) src(%dma_wait3A_40 : memref<1000x64xf32, #tpu.memory_space<vmem_shared>>) dst(%dma_wait3A_38 : memref<1000x64xf32, #tpu.memory_space<hbm>>)
        tpu.yield
      }) : () -> ()
    } else {
    }
    return
  }
}

#map = affine_map<(d0, d1) -> (0, 0, 0)>
#map1 = affine_map<(d0, d1) -> (0, 0)>
module attributes {stable_mosaic.version = 14 : i64} {
  func.func @_cnt_kernel(%arg0: i32, %arg1: i32, %arg2: memref<32x125x80xi32, #tpu.memory_space<hbm>>, %arg3: memref<1000x16xf32, #tpu.memory_space<hbm>>, %arg4: memref<80x16xf32, #tpu.memory_space<hbm>>, %arg5: memref<2x10000x16xf32, #tpu.memory_space<hbm>>, %arg6: memref<125x80xi32, #tpu.memory_space<vmem>>, %arg7: memref<80x16xf32, #tpu.memory_space<vmem>>, %arg8: memref<10000x16xf32, #tpu.memory_space<vmem_shared>>) attributes {dimension_semantics = [#tpu.dimension_semantics<core_parallel>, #tpu.dimension_semantics<subcore_parallel>], iteration_bounds = array<i64: 2, 16>, scalar_prefetch = 0 : i64, scratch_operands = 3 : i64, tpu.core_type = #tpu.core_type<sc_vector_subcore>, window_params = [{transform_indices = #map}, {transform_indices = #map1}, {transform_indices = #map1}, {transform_indices = #map}]} {
    %mul3A = arith.constant 2 : i32
    %mul3A_0 = arith.muli %arg1, %mul3A : i32
    %add3A = arith.addi %mul3A_0, %arg0 : i32
    %lt3A = arith.constant 10 : i32
    %lt3A_1 = arith.cmpi slt, %arg1, %lt3A : i32
    %convert_element_type3A = arith.extui %lt3A_1 : i1 to i32
    %cond3A = arith.constant 0 : i32
    %cond3A_2 = arith.cmpi ne, %convert_element_type3A, %cond3A : i32
    scf.if %cond3A_2 {
      %mul3A_14 = arith.constant 1000 : i32
      %mul3A_15 = arith.muli %arg1, %mul3A_14 : i32
      "tpu.region"() ({
        %run_scoped3A = tpu.sem_alloc : memref<!tpu.dma_semaphore, #tpu.memory_space<semaphore_mem>>
        %dma_start3A = arith.constant 0 : i32
        %dma_start3A_16 = tpu.memref_slice %arg8[%mul3A_15, %dma_start3A] : memref<10000x16xf32, #tpu.memory_space<vmem_shared>> -> memref<1000x16xf32, #tpu.memory_space<vmem_shared>>
        tpu.enqueue_dma source(%arg3 : memref<1000x16xf32, #tpu.memory_space<hbm>>) target(%dma_start3A_16 : memref<1000x16xf32, #tpu.memory_space<vmem_shared>>) target_semaphore(%run_scoped3A : memref<!tpu.dma_semaphore, #tpu.memory_space<semaphore_mem>>)
        %dma_wait3A = arith.constant 0 : i32
        %dma_wait3A_17 = tpu.memref_slice %arg8[%mul3A_15, %dma_wait3A] : memref<10000x16xf32, #tpu.memory_space<vmem_shared>> -> memref<1000x16xf32, #tpu.memory_space<vmem_shared>>
        tpu.wait_dma2 semaphore(%run_scoped3A : memref<!tpu.dma_semaphore, #tpu.memory_space<semaphore_mem>>) src(%arg3 : memref<1000x16xf32, #tpu.memory_space<hbm>>) dst(%dma_wait3A_17 : memref<1000x16xf32, #tpu.memory_space<vmem_shared>>)
        tpu.yield
      }) : () -> ()
    } else {
    }
    "tpu.region"() ({
      %run_scoped3A = tpu.sem_alloc : memref<!tpu.dma_semaphore, #tpu.memory_space<semaphore_mem>>
      tpu.enqueue_dma source(%arg4 : memref<80x16xf32, #tpu.memory_space<hbm>>) target(%arg7 : memref<80x16xf32, #tpu.memory_space<vmem>>) target_semaphore(%run_scoped3A : memref<!tpu.dma_semaphore, #tpu.memory_space<semaphore_mem>>)
      tpu.wait_dma2 semaphore(%run_scoped3A : memref<!tpu.dma_semaphore, #tpu.memory_space<semaphore_mem>>) src(%arg4 : memref<80x16xf32, #tpu.memory_space<hbm>>) dst(%arg7 : memref<80x16xf32, #tpu.memory_space<vmem>>)
      tpu.yield
    }) : () -> ()
    "tpu.region"() ({
      %run_scoped3A = tpu.sem_alloc : memref<!tpu.dma_semaphore, #tpu.memory_space<semaphore_mem>>
      %dma_start3A = arith.constant 0 : i32
      %dma_start3A_14 = arith.constant 0 : i32
      %dma_start3A_15 = tpu.memref_slice %arg2[%add3A, %dma_start3A, %dma_start3A_14] : memref<32x125x80xi32, #tpu.memory_space<hbm>> -> memref<1x125x80xi32, #tpu.memory_space<hbm>>
      %dma_start3A_16 = tpu.memref_squeeze %dma_start3A_15 : memref<1x125x80xi32, #tpu.memory_space<hbm>> -> memref<125x80xi32, #tpu.memory_space<hbm>>
      %dma_start3A_17 = arith.constant 0 : i32
      %dma_start3A_18 = arith.constant 0 : i32
      %dma_start3A_19 = tpu.memref_slice %arg2[%add3A, %dma_start3A_17, %dma_start3A_18] : memref<32x125x80xi32, #tpu.memory_space<hbm>> -> memref<1x125x80xi32, #tpu.memory_space<hbm>>
      %dma_start3A_20 = tpu.memref_squeeze %dma_start3A_19 : memref<1x125x80xi32, #tpu.memory_space<hbm>> -> memref<125x80xi32, #tpu.memory_space<hbm>>
      tpu.enqueue_dma source(%dma_start3A_20 : memref<125x80xi32, #tpu.memory_space<hbm>>) target(%arg6 : memref<125x80xi32, #tpu.memory_space<vmem>>) target_semaphore(%run_scoped3A : memref<!tpu.dma_semaphore, #tpu.memory_space<semaphore_mem>>)
      %dma_wait3A = arith.constant 0 : i32
      %dma_wait3A_21 = arith.constant 0 : i32
      %dma_wait3A_22 = tpu.memref_slice %arg2[%add3A, %dma_wait3A, %dma_wait3A_21] : memref<32x125x80xi32, #tpu.memory_space<hbm>> -> memref<1x125x80xi32, #tpu.memory_space<hbm>>
      %dma_wait3A_23 = tpu.memref_squeeze %dma_wait3A_22 : memref<1x125x80xi32, #tpu.memory_space<hbm>> -> memref<125x80xi32, #tpu.memory_space<hbm>>
      %dma_wait3A_24 = arith.constant 0 : i32
      %dma_wait3A_25 = arith.constant 0 : i32
      %dma_wait3A_26 = tpu.memref_slice %arg2[%add3A, %dma_wait3A_24, %dma_wait3A_25] : memref<32x125x80xi32, #tpu.memory_space<hbm>> -> memref<1x125x80xi32, #tpu.memory_space<hbm>>
      %dma_wait3A_27 = tpu.memref_squeeze %dma_wait3A_26 : memref<1x125x80xi32, #tpu.memory_space<hbm>> -> memref<125x80xi32, #tpu.memory_space<hbm>>
      tpu.wait_dma2 semaphore(%run_scoped3A : memref<!tpu.dma_semaphore, #tpu.memory_space<semaphore_mem>>) src(%dma_wait3A_27 : memref<125x80xi32, #tpu.memory_space<hbm>>) dst(%arg6 : memref<125x80xi32, #tpu.memory_space<vmem>>)
      tpu.yield
    }) : () -> ()
    %barrier3A = arith.constant 0 : index
    tpu.barrier barrier_id(%barrier3A)
    %scan3A = arith.constant 0 : i32
    %scan3A_3 = arith.constant 0 : i32
    %scan3A_4 = arith.constant 125 : i32
    %scan3A_5 = arith.addi %scan3A_3, %scan3A_4 : i32
    %scan3A_6 = arith.constant 1 : i32
    scf.for %scan3A_14 = %scan3A_3 to %scan3A_5 step %scan3A_6  : i32 {
      "tpu.region"() ({
        %run_scoped3A = tpu.sem_alloc : memref<!tpu.dma_semaphore, #tpu.memory_space<semaphore_mem>>
        %dma_start3A = arith.constant 0 : i32
        %dma_start3A_15 = tpu.memref_slice %arg6[%scan3A_14, %dma_start3A] : memref<125x80xi32, #tpu.memory_space<vmem>> -> memref<1x80xi32, #tpu.memory_space<vmem>>
        %dma_start3A_16 = tpu.memref_squeeze %dma_start3A_15 : memref<1x80xi32, #tpu.memory_space<vmem>> -> memref<80xi32, #tpu.memory_space<vmem>>
        %dma_start3A_17 = arith.constant 0 : i32
        %dma_start3A_18 = arith.constant 0 : i32
        %dma_start3A_19 = tpu.memref_slice %arg8[%dma_start3A_17, %dma_start3A_18] : memref<10000x16xf32, #tpu.memory_space<vmem_shared>> -> memref<10000x16xf32, #tpu.memory_space<vmem_shared>>
        tpu.enqueue_indirect_dma source(%arg7 : memref<80x16xf32, #tpu.memory_space<vmem>>) target(%dma_start3A_19 : memref<10000x16xf32, #tpu.memory_space<vmem_shared>>) offsets(%dma_start3A_16 : memref<80xi32, #tpu.memory_space<vmem>>) semaphore(%run_scoped3A : memref<!tpu.dma_semaphore, #tpu.memory_space<semaphore_mem>>) {add = true}
        %dma_wait3A = arith.constant 0 : i32
        %dma_wait3A_20 = tpu.memref_slice %arg6[%scan3A_14, %dma_wait3A] : memref<125x80xi32, #tpu.memory_space<vmem>> -> memref<1x80xi32, #tpu.memory_space<vmem>>
        %dma_wait3A_21 = tpu.memref_squeeze %dma_wait3A_20 : memref<1x80xi32, #tpu.memory_space<vmem>> -> memref<80xi32, #tpu.memory_space<vmem>>
        %dma_wait3A_22 = arith.constant 0 : i32
        %dma_wait3A_23 = arith.constant 0 : i32
        %dma_wait3A_24 = tpu.memref_slice %arg8[%dma_wait3A_22, %dma_wait3A_23] : memref<10000x16xf32, #tpu.memory_space<vmem_shared>> -> memref<10000x16xf32, #tpu.memory_space<vmem_shared>>
        tpu.wait_indirect_dma semaphore(%run_scoped3A : memref<!tpu.dma_semaphore, #tpu.memory_space<semaphore_mem>>) src(%arg7 : memref<80x16xf32, #tpu.memory_space<vmem>>) dst(%dma_wait3A_24 : memref<10000x16xf32, #tpu.memory_space<vmem_shared>>)
        tpu.yield
      }) : () -> ()
    }
    %scan3A_7 = arith.constant 125 : i32
    %barrier3A_8 = arith.constant 0 : index
    tpu.barrier barrier_id(%barrier3A_8)
    %lt3A_9 = arith.constant 10 : i32
    %lt3A_10 = arith.cmpi slt, %arg1, %lt3A_9 : i32
    %convert_element_type3A_11 = arith.extui %lt3A_10 : i1 to i32
    %cond3A_12 = arith.constant 0 : i32
    %cond3A_13 = arith.cmpi ne, %convert_element_type3A_11, %cond3A_12 : i32
    scf.if %cond3A_13 {
      %mul3A_14 = arith.constant 1000 : i32
      %mul3A_15 = arith.muli %arg1, %mul3A_14 : i32
      %mul3A_16 = arith.constant 1000 : i32
      %mul3A_17 = arith.muli %arg1, %mul3A_16 : i32
      "tpu.region"() ({
        %run_scoped3A = tpu.sem_alloc : memref<!tpu.dma_semaphore, #tpu.memory_space<semaphore_mem>>
        %dma_start3A = arith.constant 0 : i32
        %dma_start3A_18 = tpu.memref_slice %arg5[%arg0, %mul3A_17, %dma_start3A] : memref<2x10000x16xf32, #tpu.memory_space<hbm>> -> memref<1x1000x16xf32, #tpu.memory_space<hbm>>
        %dma_start3A_19 = tpu.memref_squeeze %dma_start3A_18 : memref<1x1000x16xf32, #tpu.memory_space<hbm>> -> memref<1000x16xf32, #tpu.memory_space<hbm>>
        %dma_start3A_20 = arith.constant 0 : i32
        %dma_start3A_21 = tpu.memref_slice %arg8[%mul3A_15, %dma_start3A_20] : memref<10000x16xf32, #tpu.memory_space<vmem_shared>> -> memref<1000x16xf32, #tpu.memory_space<vmem_shared>>
        tpu.enqueue_dma source(%dma_start3A_21 : memref<1000x16xf32, #tpu.memory_space<vmem_shared>>) target(%dma_start3A_19 : memref<1000x16xf32, #tpu.memory_space<hbm>>) target_semaphore(%run_scoped3A : memref<!tpu.dma_semaphore, #tpu.memory_space<semaphore_mem>>)
        %dma_wait3A = arith.constant 0 : i32
        %dma_wait3A_22 = tpu.memref_slice %arg5[%arg0, %mul3A_17, %dma_wait3A] : memref<2x10000x16xf32, #tpu.memory_space<hbm>> -> memref<1x1000x16xf32, #tpu.memory_space<hbm>>
        %dma_wait3A_23 = tpu.memref_squeeze %dma_wait3A_22 : memref<1x1000x16xf32, #tpu.memory_space<hbm>> -> memref<1000x16xf32, #tpu.memory_space<hbm>>
        %dma_wait3A_24 = arith.constant 0 : i32
        %dma_wait3A_25 = tpu.memref_slice %arg8[%mul3A_15, %dma_wait3A_24] : memref<10000x16xf32, #tpu.memory_space<vmem_shared>> -> memref<1000x16xf32, #tpu.memory_space<vmem_shared>>
        tpu.wait_dma2 semaphore(%run_scoped3A : memref<!tpu.dma_semaphore, #tpu.memory_space<semaphore_mem>>) src(%dma_wait3A_25 : memref<1000x16xf32, #tpu.memory_space<vmem_shared>>) dst(%dma_wait3A_23 : memref<1000x16xf32, #tpu.memory_space<hbm>>)
        tpu.yield
      }) : () -> ()
    } else {
    }
    return
  }
}

#map = affine_map<(d0, d1) -> (0, 0)>
#map1 = affine_map<(d0, d1) -> (0, 0, 0)>
module attributes {stable_mosaic.version = 14 : i64} {
  func.func @_scatter_kernel(%arg0: i32, %arg1: i32, %arg2: memref<320000x64xf32, #tpu.memory_space<hbm>>, %arg3: memref<32x125x80xi32, #tpu.memory_space<hbm>>, %arg4: memref<1000x64xf32, #tpu.memory_space<hbm>>, %arg5: memref<2x10000x64xf32, #tpu.memory_space<hbm>>, %arg6: memref<125x80xi32, #tpu.memory_space<vmem>>, %arg7: memref<2x80x64xf32, #tpu.memory_space<vmem>>, %arg8: memref<10000x64xf32, #tpu.memory_space<vmem_shared>>, %arg9: memref<!tpu.dma_semaphore, #tpu.memory_space<semaphore_mem>>) attributes {dimension_semantics = [#tpu.dimension_semantics<core_parallel>, #tpu.dimension_semantics<subcore_parallel>], iteration_bounds = array<i64: 2, 16>, scalar_prefetch = 0 : i64, scratch_operands = 4 : i64, tpu.core_type = #tpu.core_type<sc_vector_subcore>, window_params = [{transform_indices = #map}, {transform_indices = #map1}, {transform_indices = #map}, {transform_indices = #map1}]} {
    %mul3A = arith.constant 2 : i32
    %mul3A_0 = arith.muli %arg1, %mul3A : i32
    %add3A = arith.addi %mul3A_0, %arg0 : i32
    %lt3A = arith.constant 10 : i32
    %lt3A_1 = arith.cmpi slt, %arg1, %lt3A : i32
    %convert_element_type3A = arith.extui %lt3A_1 : i1 to i32
    %cond3A = arith.constant 0 : i32
    %cond3A_2 = arith.cmpi ne, %convert_element_type3A, %cond3A : i32
    scf.if %cond3A_2 {
      %mul3A_28 = arith.constant 1000 : i32
      %mul3A_29 = arith.muli %arg1, %mul3A_28 : i32
      "tpu.region"() ({
        %run_scoped3A = tpu.sem_alloc : memref<!tpu.dma_semaphore, #tpu.memory_space<semaphore_mem>>
        %dma_start3A_30 = arith.constant 0 : i32
        %dma_start3A_31 = tpu.memref_slice %arg8[%mul3A_29, %dma_start3A_30] : memref<10000x64xf32, #tpu.memory_space<vmem_shared>> -> memref<1000x64xf32, #tpu.memory_space<vmem_shared>>
        tpu.enqueue_dma source(%arg4 : memref<1000x64xf32, #tpu.memory_space<hbm>>) target(%dma_start3A_31 : memref<1000x64xf32, #tpu.memory_space<vmem_shared>>) target_semaphore(%run_scoped3A : memref<!tpu.dma_semaphore, #tpu.memory_space<semaphore_mem>>)
        %dma_wait3A = arith.constant 0 : i32
        %dma_wait3A_32 = tpu.memref_slice %arg8[%mul3A_29, %dma_wait3A] : memref<10000x64xf32, #tpu.memory_space<vmem_shared>> -> memref<1000x64xf32, #tpu.memory_space<vmem_shared>>
        tpu.wait_dma2 semaphore(%run_scoped3A : memref<!tpu.dma_semaphore, #tpu.memory_space<semaphore_mem>>) src(%arg4 : memref<1000x64xf32, #tpu.memory_space<hbm>>) dst(%dma_wait3A_32 : memref<1000x64xf32, #tpu.memory_space<vmem_shared>>)
        tpu.yield
      }) : () -> ()
    } else {
    }
    "tpu.region"() ({
      %run_scoped3A = tpu.sem_alloc : memref<!tpu.dma_semaphore, #tpu.memory_space<semaphore_mem>>
      %dma_start3A_28 = arith.constant 0 : i32
      %dma_start3A_29 = arith.constant 0 : i32
      %dma_start3A_30 = tpu.memref_slice %arg3[%add3A, %dma_start3A_28, %dma_start3A_29] : memref<32x125x80xi32, #tpu.memory_space<hbm>> -> memref<1x125x80xi32, #tpu.memory_space<hbm>>
      %dma_start3A_31 = tpu.memref_squeeze %dma_start3A_30 : memref<1x125x80xi32, #tpu.memory_space<hbm>> -> memref<125x80xi32, #tpu.memory_space<hbm>>
      %dma_start3A_32 = arith.constant 0 : i32
      %dma_start3A_33 = arith.constant 0 : i32
      %dma_start3A_34 = tpu.memref_slice %arg3[%add3A, %dma_start3A_32, %dma_start3A_33] : memref<32x125x80xi32, #tpu.memory_space<hbm>> -> memref<1x125x80xi32, #tpu.memory_space<hbm>>
      %dma_start3A_35 = tpu.memref_squeeze %dma_start3A_34 : memref<1x125x80xi32, #tpu.memory_space<hbm>> -> memref<125x80xi32, #tpu.memory_space<hbm>>
      tpu.enqueue_dma source(%dma_start3A_35 : memref<125x80xi32, #tpu.memory_space<hbm>>) target(%arg6 : memref<125x80xi32, #tpu.memory_space<vmem>>) target_semaphore(%run_scoped3A : memref<!tpu.dma_semaphore, #tpu.memory_space<semaphore_mem>>)
      %dma_wait3A = arith.constant 0 : i32
      %dma_wait3A_36 = arith.constant 0 : i32
      %dma_wait3A_37 = tpu.memref_slice %arg3[%add3A, %dma_wait3A, %dma_wait3A_36] : memref<32x125x80xi32, #tpu.memory_space<hbm>> -> memref<1x125x80xi32, #tpu.memory_space<hbm>>
      %dma_wait3A_38 = tpu.memref_squeeze %dma_wait3A_37 : memref<1x125x80xi32, #tpu.memory_space<hbm>> -> memref<125x80xi32, #tpu.memory_space<hbm>>
      %dma_wait3A_39 = arith.constant 0 : i32
      %dma_wait3A_40 = arith.constant 0 : i32
      %dma_wait3A_41 = tpu.memref_slice %arg3[%add3A, %dma_wait3A_39, %dma_wait3A_40] : memref<32x125x80xi32, #tpu.memory_space<hbm>> -> memref<1x125x80xi32, #tpu.memory_space<hbm>>
      %dma_wait3A_42 = tpu.memref_squeeze %dma_wait3A_41 : memref<1x125x80xi32, #tpu.memory_space<hbm>> -> memref<125x80xi32, #tpu.memory_space<hbm>>
      tpu.wait_dma2 semaphore(%run_scoped3A : memref<!tpu.dma_semaphore, #tpu.memory_space<semaphore_mem>>) src(%dma_wait3A_42 : memref<125x80xi32, #tpu.memory_space<hbm>>) dst(%arg6 : memref<125x80xi32, #tpu.memory_space<vmem>>)
      tpu.yield
    }) : () -> ()
    %barrier3A = arith.constant 0 : index
    tpu.barrier barrier_id(%barrier3A)
    %mul3A_3 = arith.constant 10000 : i32
    %mul3A_4 = arith.muli %add3A, %mul3A_3 : i32
    %dma_start3A = arith.constant 0 : i32
    %dma_start3A_5 = arith.constant 0 : i32
    %dma_start3A_6 = arith.constant 0 : i32
    %dma_start3A_7 = tpu.memref_slice %arg7[%dma_start3A, %dma_start3A_5, %dma_start3A_6] : memref<2x80x64xf32, #tpu.memory_space<vmem>> -> memref<1x80x64xf32, #tpu.memory_space<vmem>>
    %dma_start3A_8 = tpu.memref_squeeze %dma_start3A_7 : memref<1x80x64xf32, #tpu.memory_space<vmem>> -> memref<80x64xf32, #tpu.memory_space<vmem>>
    %dma_start3A_9 = arith.constant 0 : i32
    %dma_start3A_10 = tpu.memref_slice %arg2[%mul3A_4, %dma_start3A_9] : memref<320000x64xf32, #tpu.memory_space<hbm>> -> memref<80x64xf32, #tpu.memory_space<hbm>>
    %dma_start3A_11 = arith.constant 0 : i32
    %dma_start3A_12 = arith.constant 0 : i32
    %dma_start3A_13 = tpu.memref_slice %arg7[%dma_start3A, %dma_start3A_11, %dma_start3A_12] : memref<2x80x64xf32, #tpu.memory_space<vmem>> -> memref<1x80x64xf32, #tpu.memory_space<vmem>>
    %dma_start3A_14 = tpu.memref_squeeze %dma_start3A_13 : memref<1x80x64xf32, #tpu.memory_space<vmem>> -> memref<80x64xf32, #tpu.memory_space<vmem>>
    %dma_start3A_15 = arith.constant 0 : i32
    %dma_start3A_16 = tpu.memref_slice %arg2[%mul3A_4, %dma_start3A_15] : memref<320000x64xf32, #tpu.memory_space<hbm>> -> memref<80x64xf32, #tpu.memory_space<hbm>>
    tpu.enqueue_dma source(%dma_start3A_16 : memref<80x64xf32, #tpu.memory_space<hbm>>) target(%dma_start3A_14 : memref<80x64xf32, #tpu.memory_space<vmem>>) target_semaphore(%arg9 : memref<!tpu.dma_semaphore, #tpu.memory_space<semaphore_mem>>)
    %scan3A = arith.constant 0 : i32
    %scan3A_17 = arith.constant 0 : i32
    %scan3A_18 = arith.constant 125 : i32
    %scan3A_19 = arith.addi %scan3A_17, %scan3A_18 : i32
    %scan3A_20 = arith.constant 1 : i32
    scf.for %scan3A_28 = %scan3A_17 to %scan3A_19 step %scan3A_20  : i32 {
      %rem3A = arith.constant 2 : i32
      %rem3A_29 = arith.remsi %scan3A_28, %rem3A : i32
      %add3A_30 = arith.constant 1 : i32
      %add3A_31 = arith.addi %scan3A_28, %add3A_30 : i32
      %lt3A_32 = arith.constant 125 : i32
      %lt3A_33 = arith.cmpi slt, %add3A_31, %lt3A_32 : i32
      %convert_element_type3A_34 = arith.extui %lt3A_33 : i1 to i32
      %cond3A_35 = arith.constant 0 : i32
      %cond3A_36 = arith.cmpi ne, %convert_element_type3A_34, %cond3A_35 : i32
      scf.if %cond3A_36 {
        %mul3A_50 = arith.constant 10000 : i32
        %mul3A_51 = arith.muli %add3A, %mul3A_50 : i32
        %add3A_52 = arith.constant 1 : i32
        %add3A_53 = arith.addi %scan3A_28, %add3A_52 : i32
        %mul3A_54 = arith.constant 80 : i32
        %mul3A_55 = arith.muli %add3A_53, %mul3A_54 : i32
        %add3A_56 = arith.addi %mul3A_51, %mul3A_55 : i32
        %sub3A = arith.constant 1 : i32
        %sub3A_57 = arith.subi %sub3A, %rem3A_29 : i32
        %dma_start3A_58 = arith.constant 0 : i32
        %dma_start3A_59 = arith.constant 0 : i32
        %dma_start3A_60 = tpu.memref_slice %arg7[%sub3A_57, %dma_start3A_58, %dma_start3A_59] : memref<2x80x64xf32, #tpu.memory_space<vmem>> -> memref<1x80x64xf32, #tpu.memory_space<vmem>>
        %dma_start3A_61 = tpu.memref_squeeze %dma_start3A_60 : memref<1x80x64xf32, #tpu.memory_space<vmem>> -> memref<80x64xf32, #tpu.memory_space<vmem>>
        %dma_start3A_62 = arith.constant 0 : i32
        %dma_start3A_63 = tpu.memref_slice %arg2[%add3A_56, %dma_start3A_62] : memref<320000x64xf32, #tpu.memory_space<hbm>> -> memref<80x64xf32, #tpu.memory_space<hbm>>
        %dma_start3A_64 = arith.constant 0 : i32
        %dma_start3A_65 = arith.constant 0 : i32
        %dma_start3A_66 = tpu.memref_slice %arg7[%sub3A_57, %dma_start3A_64, %dma_start3A_65] : memref<2x80x64xf32, #tpu.memory_space<vmem>> -> memref<1x80x64xf32, #tpu.memory_space<vmem>>
        %dma_start3A_67 = tpu.memref_squeeze %dma_start3A_66 : memref<1x80x64xf32, #tpu.memory_space<vmem>> -> memref<80x64xf32, #tpu.memory_space<vmem>>
        %dma_start3A_68 = arith.constant 0 : i32
        %dma_start3A_69 = tpu.memref_slice %arg2[%add3A_56, %dma_start3A_68] : memref<320000x64xf32, #tpu.memory_space<hbm>> -> memref<80x64xf32, #tpu.memory_space<hbm>>
        tpu.enqueue_dma source(%dma_start3A_69 : memref<80x64xf32, #tpu.memory_space<hbm>>) target(%dma_start3A_67 : memref<80x64xf32, #tpu.memory_space<vmem>>) target_semaphore(%arg9 : memref<!tpu.dma_semaphore, #tpu.memory_space<semaphore_mem>>)
      } else {
      }
      %dma_wait3A = arith.constant 0 : i32
      %dma_wait3A_37 = arith.constant 0 : i32
      %dma_wait3A_38 = tpu.memref_slice %arg7[%rem3A_29, %dma_wait3A, %dma_wait3A_37] : memref<2x80x64xf32, #tpu.memory_space<vmem>> -> memref<1x80x64xf32, #tpu.memory_space<vmem>>
      %dma_wait3A_39 = tpu.memref_squeeze %dma_wait3A_38 : memref<1x80x64xf32, #tpu.memory_space<vmem>> -> memref<80x64xf32, #tpu.memory_space<vmem>>
      %dma_wait3A_40 = arith.constant 0 : i32
      %dma_wait3A_41 = arith.constant 0 : i32
      %dma_wait3A_42 = tpu.memref_slice %arg2[%dma_wait3A_40, %dma_wait3A_41] : memref<320000x64xf32, #tpu.memory_space<hbm>> -> memref<80x64xf32, #tpu.memory_space<hbm>>
      %dma_wait3A_43 = arith.constant 0 : i32
      %dma_wait3A_44 = arith.constant 0 : i32
      %dma_wait3A_45 = tpu.memref_slice %arg7[%rem3A_29, %dma_wait3A_43, %dma_wait3A_44] : memref<2x80x64xf32, #tpu.memory_space<vmem>> -> memref<1x80x64xf32, #tpu.memory_space<vmem>>
      %dma_wait3A_46 = tpu.memref_squeeze %dma_wait3A_45 : memref<1x80x64xf32, #tpu.memory_space<vmem>> -> memref<80x64xf32, #tpu.memory_space<vmem>>
      %dma_wait3A_47 = arith.constant 0 : i32
      %dma_wait3A_48 = arith.constant 0 : i32
      %dma_wait3A_49 = tpu.memref_slice %arg2[%dma_wait3A_47, %dma_wait3A_48] : memref<320000x64xf32, #tpu.memory_space<hbm>> -> memref<80x64xf32, #tpu.memory_space<hbm>>
      tpu.wait_dma2 semaphore(%arg9 : memref<!tpu.dma_semaphore, #tpu.memory_space<semaphore_mem>>) src(%dma_wait3A_49 : memref<80x64xf32, #tpu.memory_space<hbm>>) dst(%dma_wait3A_46 : memref<80x64xf32, #tpu.memory_space<vmem>>)
      "tpu.region"() ({
        %run_scoped3A = tpu.sem_alloc : memref<!tpu.dma_semaphore, #tpu.memory_space<semaphore_mem>>
        %dma_start3A_50 = arith.constant 0 : i32
        %dma_start3A_51 = arith.constant 0 : i32
        %dma_start3A_52 = tpu.memref_slice %arg7[%rem3A_29, %dma_start3A_50, %dma_start3A_51] : memref<2x80x64xf32, #tpu.memory_space<vmem>> -> memref<1x80x64xf32, #tpu.memory_space<vmem>>
        %dma_start3A_53 = tpu.memref_squeeze %dma_start3A_52 : memref<1x80x64xf32, #tpu.memory_space<vmem>> -> memref<80x64xf32, #tpu.memory_space<vmem>>
        %dma_start3A_54 = arith.constant 0 : i32
        %dma_start3A_55 = tpu.memref_slice %arg6[%scan3A_28, %dma_start3A_54] : memref<125x80xi32, #tpu.memory_space<vmem>> -> memref<1x80xi32, #tpu.memory_space<vmem>>
        %dma_start3A_56 = tpu.memref_squeeze %dma_start3A_55 : memref<1x80xi32, #tpu.memory_space<vmem>> -> memref<80xi32, #tpu.memory_space<vmem>>
        %dma_start3A_57 = arith.constant 0 : i32
        %dma_start3A_58 = arith.constant 0 : i32
        %dma_start3A_59 = tpu.memref_slice %arg8[%dma_start3A_57, %dma_start3A_58] : memref<10000x64xf32, #tpu.memory_space<vmem_shared>> -> memref<10000x64xf32, #tpu.memory_space<vmem_shared>>
        tpu.enqueue_indirect_dma source(%dma_start3A_53 : memref<80x64xf32, #tpu.memory_space<vmem>>) target(%dma_start3A_59 : memref<10000x64xf32, #tpu.memory_space<vmem_shared>>) offsets(%dma_start3A_56 : memref<80xi32, #tpu.memory_space<vmem>>) semaphore(%run_scoped3A : memref<!tpu.dma_semaphore, #tpu.memory_space<semaphore_mem>>) {add = true}
        %dma_wait3A_60 = arith.constant 0 : i32
        %dma_wait3A_61 = arith.constant 0 : i32
        %dma_wait3A_62 = tpu.memref_slice %arg7[%rem3A_29, %dma_wait3A_60, %dma_wait3A_61] : memref<2x80x64xf32, #tpu.memory_space<vmem>> -> memref<1x80x64xf32, #tpu.memory_space<vmem>>
        %dma_wait3A_63 = tpu.memref_squeeze %dma_wait3A_62 : memref<1x80x64xf32, #tpu.memory_space<vmem>> -> memref<80x64xf32, #tpu.memory_space<vmem>>
        %dma_wait3A_64 = arith.constant 0 : i32
        %dma_wait3A_65 = tpu.memref_slice %arg6[%scan3A_28, %dma_wait3A_64] : memref<125x80xi32, #tpu.memory_space<vmem>> -> memref<1x80xi32, #tpu.memory_space<vmem>>
        %dma_wait3A_66 = tpu.memref_squeeze %dma_wait3A_65 : memref<1x80xi32, #tpu.memory_space<vmem>> -> memref<80xi32, #tpu.memory_space<vmem>>
        %dma_wait3A_67 = arith.constant 0 : i32
        %dma_wait3A_68 = arith.constant 0 : i32
        %dma_wait3A_69 = tpu.memref_slice %arg8[%dma_wait3A_67, %dma_wait3A_68] : memref<10000x64xf32, #tpu.memory_space<vmem_shared>> -> memref<10000x64xf32, #tpu.memory_space<vmem_shared>>
        tpu.wait_indirect_dma semaphore(%run_scoped3A : memref<!tpu.dma_semaphore, #tpu.memory_space<semaphore_mem>>) src(%dma_wait3A_63 : memref<80x64xf32, #tpu.memory_space<vmem>>) dst(%dma_wait3A_69 : memref<10000x64xf32, #tpu.memory_space<vmem_shared>>)
        tpu.yield
      }) : () -> ()
    }
    %scan3A_21 = arith.constant 125 : i32
    %barrier3A_22 = arith.constant 0 : index
    tpu.barrier barrier_id(%barrier3A_22)
    %lt3A_23 = arith.constant 10 : i32
    %lt3A_24 = arith.cmpi slt, %arg1, %lt3A_23 : i32
    %convert_element_type3A_25 = arith.extui %lt3A_24 : i1 to i32
    %cond3A_26 = arith.constant 0 : i32
    %cond3A_27 = arith.cmpi ne, %convert_element_type3A_25, %cond3A_26 : i32
    scf.if %cond3A_27 {
      %mul3A_28 = arith.constant 1000 : i32
      %mul3A_29 = arith.muli %arg1, %mul3A_28 : i32
      %mul3A_30 = arith.constant 1000 : i32
      %mul3A_31 = arith.muli %arg1, %mul3A_30 : i32
      "tpu.region"() ({
        %run_scoped3A = tpu.sem_alloc : memref<!tpu.dma_semaphore, #tpu.memory_space<semaphore_mem>>
        %dma_start3A_32 = arith.constant 0 : i32
        %dma_start3A_33 = tpu.memref_slice %arg5[%arg0, %mul3A_31, %dma_start3A_32] : memref<2x10000x64xf32, #tpu.memory_space<hbm>> -> memref<1x1000x64xf32, #tpu.memory_space<hbm>>
        %dma_start3A_34 = tpu.memref_squeeze %dma_start3A_33 : memref<1x1000x64xf32, #tpu.memory_space<hbm>> -> memref<1000x64xf32, #tpu.memory_space<hbm>>
        %dma_start3A_35 = arith.constant 0 : i32
        %dma_start3A_36 = tpu.memref_slice %arg8[%mul3A_29, %dma_start3A_35] : memref<10000x64xf32, #tpu.memory_space<vmem_shared>> -> memref<1000x64xf32, #tpu.memory_space<vmem_shared>>
        tpu.enqueue_dma source(%dma_start3A_36 : memref<1000x64xf32, #tpu.memory_space<vmem_shared>>) target(%dma_start3A_34 : memref<1000x64xf32, #tpu.memory_space<hbm>>) target_semaphore(%run_scoped3A : memref<!tpu.dma_semaphore, #tpu.memory_space<semaphore_mem>>)
        %dma_wait3A = arith.constant 0 : i32
        %dma_wait3A_37 = tpu.memref_slice %arg5[%arg0, %mul3A_31, %dma_wait3A] : memref<2x10000x64xf32, #tpu.memory_space<hbm>> -> memref<1x1000x64xf32, #tpu.memory_space<hbm>>
        %dma_wait3A_38 = tpu.memref_squeeze %dma_wait3A_37 : memref<1x1000x64xf32, #tpu.memory_space<hbm>> -> memref<1000x64xf32, #tpu.memory_space<hbm>>
        %dma_wait3A_39 = arith.constant 0 : i32
        %dma_wait3A_40 = tpu.memref_slice %arg8[%mul3A_29, %dma_wait3A_39] : memref<10000x64xf32, #tpu.memory_space<vmem_shared>> -> memref<1000x64xf32, #tpu.memory_space<vmem_shared>>
        tpu.wait_dma2 semaphore(%run_scoped3A : memref<!tpu.dma_semaphore, #tpu.memory_space<semaphore_mem>>) src(%dma_wait3A_40 : memref<1000x64xf32, #tpu.memory_space<vmem_shared>>) dst(%dma_wait3A_38 : memref<1000x64xf32, #tpu.memory_space<hbm>>)
        tpu.yield
      }) : () -> ()
    } else {
    }
    return
  }
}

module attributes {stable_mosaic.version = 14 : i64} {
  func.func @_enc_node_body(%arg0: i32, %arg1: memref<2000x128xf32, #tpu.memory_space<vmem>>, %arg2: memref<128x64xf32, #tpu.memory_space<vmem>>, %arg3: memref<1x64xf32, #tpu.memory_space<vmem>>, %arg4: memref<64x32xf32, #tpu.memory_space<vmem>>, %arg5: memref<32x32xf32, #tpu.memory_space<vmem>>, %arg6: memref<1x32xf32, #tpu.memory_space<vmem>>, %arg7: memref<2000x64xf32, #tpu.memory_space<vmem>>, %arg8: memref<64x32xf32, #tpu.memory_space<vmem>>) attributes {dimension_semantics = [#tpu.dimension_semantics<arbitrary>], iteration_bounds = array<i64: 5>, scalar_prefetch = 0 : i64, scratch_operands = 0 : i64, tpu.core_type = #tpu.core_type<tc>, window_params = [{transform_indices = @transform_0, window_bounds = array<i64: 2000, 128>}, {pipeline_mode = #tpu.pipeline_mode<synchronous>, transform_indices = @transform_1, window_bounds = array<i64: 128, 64>}, {pipeline_mode = #tpu.pipeline_mode<synchronous>, transform_indices = @transform_2, window_bounds = array<i64: 1, 64>}, {pipeline_mode = #tpu.pipeline_mode<synchronous>, transform_indices = @transform_3, window_bounds = array<i64: 64, 32>}, {pipeline_mode = #tpu.pipeline_mode<synchronous>, transform_indices = @transform_4, window_bounds = array<i64: 32, 32>}, {pipeline_mode = #tpu.pipeline_mode<synchronous>, transform_indices = @transform_5, window_bounds = array<i64: 1, 32>}, {transform_indices = @transform_6, window_bounds = array<i64: 2000, 64>}, {pipeline_mode = #tpu.pipeline_mode<synchronous>, transform_indices = @transform_7, window_bounds = array<i64: 64, 32>}]} {
    %get3A = arith.constant 0 : index
    %get3A_0 = arith.constant 0 : index
    %get3A_1 = vector.load %arg1[%get3A, %get3A_0] : memref<2000x128xf32, #tpu.memory_space<vmem>>, vector<2000x128xf32>
    %get3A_2 = arith.constant 0 : index
    %get3A_3 = arith.constant 0 : index
    %get3A_4 = vector.load %arg2[%get3A_2, %get3A_3] : memref<128x64xf32, #tpu.memory_space<vmem>>, vector<128x64xf32>
    %dot_general3A = arith.constant dense<0.000000e+00> : vector<2000x64xf32>
    %dot_general3A_5 = tpu.matmul %get3A_1, %get3A_4, %dot_general3A {dimension_numbers = #tpu.dot_dimension_numbers<[1], [0], [0], [1], [0, 0, 1, 1], [], []>, transpose_lhs_hint = false} : vector<2000x128xf32>, vector<128x64xf32>, vector<2000x64xf32> -> vector<2000x64xf32>
    %get3A_6 = arith.constant 0 : index
    %get3A_7 = arith.constant 0 : index
    %get3A_8 = vector.load %arg3[%get3A_6, %get3A_7] : memref<1x64xf32, #tpu.memory_space<vmem>>, vector<1x64xf32>
    %add3A = vector.broadcast %get3A_8 : vector<1x64xf32> to vector<2000x64xf32>
    %add3A_9 = arith.addf %dot_general3A_5, %add3A : vector<2000x64xf32>
    %jit3A = arith.constant 0.00999999977 : f32
    %ge3A = arith.constant 0.000000e+00 : f32
    %ge3A_10 = vector.broadcast %ge3A : f32 to vector<2000x64xf32>
    %ge3A_11 = arith.cmpf oge, %add3A_9, %ge3A_10 : vector<2000x64xf32>
    %mul3A = vector.broadcast %jit3A : f32 to vector<2000x64xf32>
    %mul3A_12 = arith.mulf %mul3A, %add3A_9 : vector<2000x64xf32>
    %select_n3A = arith.select %ge3A_11, %add3A_9, %mul3A_12 : vector<2000x64xi1>, vector<2000x64xf32>
    %swap3A = arith.constant 0 : index
    %swap3A_13 = arith.constant 0 : index
    %swap3A_14 = vector.load %arg7[%swap3A, %swap3A_13] : memref<2000x64xf32, #tpu.memory_space<vmem>>, vector<2000x64xf32>
    tpu.vector_store %arg7[%swap3A, %swap3A_13], %select_n3A {strides = array<i32>} : memref<2000x64xf32, #tpu.memory_space<vmem>>, vector<2000x64xf32>,
    %get3A_15 = arith.constant 0 : index
    %get3A_16 = arith.constant 0 : index
    %get3A_17 = vector.load %arg4[%get3A_15, %get3A_16] : memref<64x32xf32, #tpu.memory_space<vmem>>, vector<64x32xf32>
    %get3A_18 = arith.constant 0 : index
    %get3A_19 = arith.constant 0 : index
    %get3A_20 = vector.load %arg5[%get3A_18, %get3A_19] : memref<32x32xf32, #tpu.memory_space<vmem>>, vector<32x32xf32>
    %dot_general3A_21 = arith.constant dense<0.000000e+00> : vector<64x32xf32>
    %dot_general3A_22 = tpu.matmul %get3A_17, %get3A_20, %dot_general3A_21 {dimension_numbers = #tpu.dot_dimension_numbers<[1], [0], [0], [1], [0, 0, 1, 1], [], []>, transpose_lhs_hint = false} : vector<64x32xf32>, vector<32x32xf32>, vector<64x32xf32> -> vector<64x32xf32>
    %get3A_23 = arith.constant 0 : index
    %get3A_24 = arith.constant 0 : index
    %get3A_25 = vector.load %arg6[%get3A_23, %get3A_24] : memref<1x32xf32, #tpu.memory_space<vmem>>, vector<1x32xf32>
    %add3A_26 = vector.broadcast %get3A_25 : vector<1x32xf32> to vector<64x32xf32>
    %add3A_27 = arith.addf %dot_general3A_22, %add3A_26 : vector<64x32xf32>
    %jit3A_28 = arith.constant 0.00999999977 : f32
    %ge3A_29 = arith.constant 0.000000e+00 : f32
    %ge3A_30 = vector.broadcast %ge3A_29 : f32 to vector<64x32xf32>
    %ge3A_31 = arith.cmpf oge, %add3A_27, %ge3A_30 : vector<64x32xf32>
    %mul3A_32 = vector.broadcast %jit3A_28 : f32 to vector<64x32xf32>
    %mul3A_33 = arith.mulf %mul3A_32, %add3A_27 : vector<64x32xf32>
    %select_n3A_34 = arith.select %ge3A_31, %add3A_27, %mul3A_33 : vector<64x32xi1>, vector<64x32xf32>
    %swap3A_35 = arith.constant 0 : index
    %swap3A_36 = arith.constant 0 : index
    %swap3A_37 = vector.load %arg8[%swap3A_35, %swap3A_36] : memref<64x32xf32, #tpu.memory_space<vmem>>, vector<64x32xf32>
    tpu.vector_store %arg8[%swap3A_35, %swap3A_36], %select_n3A_34 {strides = array<i32>} : memref<64x32xf32, #tpu.memory_space<vmem>>, vector<64x32xf32>,
    return
  }
  func.func @transform_0(%arg0: i32) -> (i32, i32) {
    %c0_i32 = arith.constant 0 : i32
    %c0_i32_0 = arith.constant 0 : i32
    return %arg0, %c0_i32 : i32, i32
  }
  func.func @transform_1(%arg0: i32) -> (i32, i32) {
    %c0_i32 = arith.constant 0 : i32
    %c0_i32_0 = arith.constant 0 : i32
    %c0_i32_1 = arith.constant 0 : i32
    return %c0_i32, %c0_i32_0 : i32, i32
  }
  func.func @transform_2(%arg0: i32) -> (i32, i32) {
    %c0_i32 = arith.constant 0 : i32
    %c0_i32_0 = arith.constant 0 : i32
    %c0_i32_1 = arith.constant 0 : i32
    return %c0_i32, %c0_i32_0 : i32, i32
  }
  func.func @transform_3(%arg0: i32) -> (i32, i32) {
    %c0_i32 = arith.constant 0 : i32
    %c0_i32_0 = arith.constant 0 : i32
    %c0_i32_1 = arith.constant 0 : i32
    return %c0_i32, %c0_i32_0 : i32, i32
  }
  func.func @transform_4(%arg0: i32) -> (i32, i32) {
    %c0_i32 = arith.constant 0 : i32
    %c0_i32_0 = arith.constant 0 : i32
    %c0_i32_1 = arith.constant 0 : i32
    return %c0_i32, %c0_i32_0 : i32, i32
  }
  func.func @transform_5(%arg0: i32) -> (i32, i32) {
    %c0_i32 = arith.constant 0 : i32
    %c0_i32_0 = arith.constant 0 : i32
    %c0_i32_1 = arith.constant 0 : i32
    return %c0_i32, %c0_i32_0 : i32, i32
  }
  func.func @transform_6(%arg0: i32) -> (i32, i32) {
    %c0_i32 = arith.constant 0 : i32
    %c0_i32_0 = arith.constant 0 : i32
    return %arg0, %c0_i32 : i32, i32
  }
  func.func @transform_7(%arg0: i32) -> (i32, i32) {
    %c0_i32 = arith.constant 0 : i32
    %c0_i32_0 = arith.constant 0 : i32
    %c0_i32_1 = arith.constant 0 : i32
    return %c0_i32, %c0_i32_0 : i32, i32
  }
}

module attributes {stable_mosaic.version = 14 : i64} {
  func.func @_tables_body(%arg0: i32, %arg1: memref<2000x64xf32, #tpu.memory_space<vmem>>, %arg2: memref<2000x1xi32, #tpu.memory_space<vmem>>, %arg3: memref<64x32xf32, #tpu.memory_space<vmem>>, %arg4: memref<64x64xf32, #tpu.memory_space<vmem>>, %arg5: memref<32x64xf32, #tpu.memory_space<vmem>>, %arg6: memref<1x64xf32, #tpu.memory_space<vmem>>, %arg7: memref<64x64xf32, #tpu.memory_space<vmem>>, %arg8: memref<64x64xf32, #tpu.memory_space<vmem>>, %arg9: memref<1x64xf32, #tpu.memory_space<vmem>>, %arg10: memref<2000x128xf32, #tpu.memory_space<vmem>>, %arg11: memref<2000x64xf32, #tpu.memory_space<vmem>>) attributes {dimension_semantics = [#tpu.dimension_semantics<arbitrary>], iteration_bounds = array<i64: 5>, scalar_prefetch = 0 : i64, scratch_operands = 0 : i64, tpu.core_type = #tpu.core_type<tc>, window_params = [{transform_indices = @transform_0, window_bounds = array<i64: 2000, 64>}, {transform_indices = @transform_1, window_bounds = array<i64: 2000, 1>}, {pipeline_mode = #tpu.pipeline_mode<synchronous>, transform_indices = @transform_2, window_bounds = array<i64: 64, 32>}, {pipeline_mode = #tpu.pipeline_mode<synchronous>, transform_indices = @transform_3, window_bounds = array<i64: 64, 64>}, {pipeline_mode = #tpu.pipeline_mode<synchronous>, transform_indices = @transform_4, window_bounds = array<i64: 32, 64>}, {pipeline_mode = #tpu.pipeline_mode<synchronous>, transform_indices = @transform_5, window_bounds = array<i64: 1, 64>}, {pipeline_mode = #tpu.pipeline_mode<synchronous>, transform_indices = @transform_6, window_bounds = array<i64: 64, 64>}, {pipeline_mode = #tpu.pipeline_mode<synchronous>, transform_indices = @transform_7, window_bounds = array<i64: 64, 64>}, {pipeline_mode = #tpu.pipeline_mode<synchronous>, transform_indices = @transform_8, window_bounds = array<i64: 1, 64>}, {transform_indices = @transform_9, window_bounds = array<i64: 2000, 128>}, {transform_indices = @transform_10, window_bounds = array<i64: 2000, 64>}]} {
    %get3A = arith.constant 0 : index
    %get3A_0 = arith.constant 0 : index
    %get3A_1 = vector.load %arg2[%get3A, %get3A_0] : memref<2000x1xi32, #tpu.memory_space<vmem>>, vector<2000x1xi32>
    %iota3A = tpu.iota {dimensions = array<i32: 1>} : vector<2000x64xi32>
    %eq3A = vector.broadcast %get3A_1 : vector<2000x1xi32> to vector<2000x64xi32>
    %eq3A_2 = arith.cmpi eq, %eq3A, %iota3A : vector<2000x64xi32>
    %convert_element_type3A = arith.extui %eq3A_2 : vector<2000x64xi1> to vector<2000x64xi32>
    %convert_element_type3A_3 = arith.sitofp %convert_element_type3A : vector<2000x64xi32> to vector<2000x64xf32>
    %get3A_4 = arith.constant 0 : index
    %get3A_5 = arith.constant 0 : index
    %get3A_6 = vector.load %arg3[%get3A_4, %get3A_5] : memref<64x32xf32, #tpu.memory_space<vmem>>, vector<64x32xf32>
    %get3A_7 = arith.constant 0 : index
    %get3A_8 = arith.constant 0 : index
    %get3A_9 = vector.load %arg5[%get3A_7, %get3A_8] : memref<32x64xf32, #tpu.memory_space<vmem>>, vector<32x64xf32>
    %dot_general3A = arith.constant dense<0.000000e+00> : vector<64x64xf32>
    %dot_general3A_10 = tpu.matmul %get3A_6, %get3A_9, %dot_general3A {dimension_numbers = #tpu.dot_dimension_numbers<[1], [0], [0], [1], [0, 0, 1, 1], [], []>, precision = #tpu.contract_precision<fp32>, transpose_lhs_hint = false} : vector<64x32xf32>, vector<32x64xf32>, vector<64x64xf32> -> vector<64x64xf32>
    %dot_general3A_11 = arith.constant dense<0.000000e+00> : vector<2000x64xf32>
    %dot_general3A_12 = tpu.matmul %convert_element_type3A_3, %dot_general3A_10, %dot_general3A_11 {dimension_numbers = #tpu.dot_dimension_numbers<[1], [0], [0], [1], [0, 0, 1, 1], [], []>, transpose_lhs_hint = false} : vector<2000x64xf32>, vector<64x64xf32>, vector<2000x64xf32> -> vector<2000x64xf32>
    %get3A_13 = arith.constant 0 : index
    %get3A_14 = arith.constant 0 : index
    %get3A_15 = vector.load %arg1[%get3A_13, %get3A_14] : memref<2000x64xf32, #tpu.memory_space<vmem>>, vector<2000x64xf32>
    %get3A_16 = arith.constant 0 : index
    %get3A_17 = arith.constant 0 : index
    %get3A_18 = vector.load %arg4[%get3A_16, %get3A_17] : memref<64x64xf32, #tpu.memory_space<vmem>>, vector<64x64xf32>
    %dot_general3A_19 = arith.constant dense<0.000000e+00> : vector<2000x64xf32>
    %dot_general3A_20 = tpu.matmul %get3A_15, %get3A_18, %dot_general3A_19 {dimension_numbers = #tpu.dot_dimension_numbers<[1], [0], [0], [1], [0, 0, 1, 1], [], []>, transpose_lhs_hint = false} : vector<2000x64xf32>, vector<64x64xf32>, vector<2000x64xf32> -> vector<2000x64xf32>
    %add3A = arith.addf %dot_general3A_20, %dot_general3A_12 : vector<2000x64xf32>
    %get3A_21 = arith.constant 0 : index
    %get3A_22 = arith.constant 0 : index
    %get3A_23 = vector.load %arg6[%get3A_21, %get3A_22] : memref<1x64xf32, #tpu.memory_space<vmem>>, vector<1x64xf32>
    %add3A_24 = vector.broadcast %get3A_23 : vector<1x64xf32> to vector<2000x64xf32>
    %add3A_25 = arith.addf %add3A, %add3A_24 : vector<2000x64xf32>
    %get3A_26 = arith.constant 0 : index
    %get3A_27 = arith.constant 0 : index
    %get3A_28 = vector.load %arg1[%get3A_26, %get3A_27] : memref<2000x64xf32, #tpu.memory_space<vmem>>, vector<2000x64xf32>
    %get3A_29 = arith.constant 0 : index
    %get3A_30 = arith.constant 0 : index
    %get3A_31 = vector.load %arg8[%get3A_29, %get3A_30] : memref<64x64xf32, #tpu.memory_space<vmem>>, vector<64x64xf32>
    %dot_general3A_32 = arith.constant dense<0.000000e+00> : vector<2000x64xf32>
    %dot_general3A_33 = tpu.matmul %get3A_28, %get3A_31, %dot_general3A_32 {dimension_numbers = #tpu.dot_dimension_numbers<[1], [0], [0], [1], [0, 0, 1, 1], [], []>, transpose_lhs_hint = false} : vector<2000x64xf32>, vector<64x64xf32>, vector<2000x64xf32> -> vector<2000x64xf32>
    %get3A_34 = arith.constant 0 : index
    %get3A_35 = arith.constant 0 : index
    %get3A_36 = vector.load %arg9[%get3A_34, %get3A_35] : memref<1x64xf32, #tpu.memory_space<vmem>>, vector<1x64xf32>
    %add3A_37 = vector.broadcast %get3A_36 : vector<1x64xf32> to vector<2000x64xf32>
    %add3A_38 = arith.addf %dot_general3A_33, %add3A_37 : vector<2000x64xf32>
    %concatenate3A = tpu.concatenate %add3A_25, %add3A_38 in 1 : vector<2000x64xf32>, vector<2000x64xf32> -> vector<2000x128xf32>
    %swap3A = arith.constant 0 : index
    %swap3A_39 = arith.constant 0 : index
    %swap3A_40 = vector.load %arg10[%swap3A, %swap3A_39] : memref<2000x128xf32, #tpu.memory_space<vmem>>, vector<2000x128xf32>
    tpu.vector_store %arg10[%swap3A, %swap3A_39], %concatenate3A {strides = array<i32>} : memref<2000x128xf32, #tpu.memory_space<vmem>>, vector<2000x128xf32>,
    %get3A_41 = arith.constant 0 : index
    %get3A_42 = arith.constant 0 : index
    %get3A_43 = vector.load %arg1[%get3A_41, %get3A_42] : memref<2000x64xf32, #tpu.memory_space<vmem>>, vector<2000x64xf32>
    %get3A_44 = arith.constant 0 : index
    %get3A_45 = arith.constant 0 : index
    %get3A_46 = vector.load %arg7[%get3A_44, %get3A_45] : memref<64x64xf32, #tpu.memory_space<vmem>>, vector<64x64xf32>
    %dot_general3A_47 = arith.constant dense<0.000000e+00> : vector<2000x64xf32>
    %dot_general3A_48 = tpu.matmul %get3A_43, %get3A_46, %dot_general3A_47 {dimension_numbers = #tpu.dot_dimension_numbers<[1], [0], [0], [1], [0, 0, 1, 1], [], []>, transpose_lhs_hint = false} : vector<2000x64xf32>, vector<64x64xf32>, vector<2000x64xf32> -> vector<2000x64xf32>
    %swap3A_49 = arith.constant 0 : index
    %swap3A_50 = arith.constant 0 : index
    %swap3A_51 = vector.load %arg11[%swap3A_49, %swap3A_50] : memref<2000x64xf32, #tpu.memory_space<vmem>>, vector<2000x64xf32>
    tpu.vector_store %arg11[%swap3A_49, %swap3A_50], %dot_general3A_48 {strides = array<i32>} : memref<2000x64xf32, #tpu.memory_space<vmem>>, vector<2000x64xf32>,
    return
  }
  func.func @transform_0(%arg0: i32) -> (i32, i32) {
    %c0_i32 = arith.constant 0 : i32
    %c0_i32_0 = arith.constant 0 : i32
    return %arg0, %c0_i32 : i32, i32
  }
  func.func @transform_1(%arg0: i32) -> (i32, i32) {
    %c0_i32 = arith.constant 0 : i32
    %c0_i32_0 = arith.constant 0 : i32
    return %arg0, %c0_i32 : i32, i32
  }
  func.func @transform_2(%arg0: i32) -> (i32, i32) {
    %c0_i32 = arith.constant 0 : i32
    %c0_i32_0 = arith.constant 0 : i32
    %c0_i32_1 = arith.constant 0 : i32
    return %c0_i32, %c0_i32_0 : i32, i32
  }
  func.func @transform_3(%arg0: i32) -> (i32, i32) {
    %c0_i32 = arith.constant 0 : i32
    %c0_i32_0 = arith.constant 0 : i32
    %c0_i32_1 = arith.constant 0 : i32
    return %c0_i32, %c0_i32_0 : i32, i32
  }
  func.func @transform_4(%arg0: i32) -> (i32, i32) {
    %c0_i32 = arith.constant 0 : i32
    %c0_i32_0 = arith.constant 0 : i32
    %c0_i32_1 = arith.constant 0 : i32
    return %c0_i32, %c0_i32_0 : i32, i32
  }
  func.func @transform_5(%arg0: i32) -> (i32, i32) {
    %c0_i32 = arith.constant 0 : i32
    %c0_i32_0 = arith.constant 0 : i32
    %c0_i32_1 = arith.constant 0 : i32
    return %c0_i32, %c0_i32_0 : i32, i32
  }
  func.func @transform_6(%arg0: i32) -> (i32, i32) {
    %c0_i32 = arith.constant 0 : i32
    %c0_i32_0 = arith.constant 0 : i32
    %c0_i32_1 = arith.constant 0 : i32
    return %c0_i32, %c0_i32_0 : i32, i32
  }
  func.func @transform_7(%arg0: i32) -> (i32, i32) {
    %c0_i32 = arith.constant 0 : i32
    %c0_i32_0 = arith.constant 0 : i32
    %c0_i32_1 = arith.constant 0 : i32
    return %c0_i32, %c0_i32_0 : i32, i32
  }
  func.func @transform_8(%arg0: i32) -> (i32, i32) {
    %c0_i32 = arith.constant 0 : i32
    %c0_i32_0 = arith.constant 0 : i32
    %c0_i32_1 = arith.constant 0 : i32
    return %c0_i32, %c0_i32_0 : i32, i32
  }
  func.func @transform_9(%arg0: i32) -> (i32, i32) {
    %c0_i32 = arith.constant 0 : i32
    %c0_i32_0 = arith.constant 0 : i32
    return %arg0, %c0_i32 : i32, i32
  }
  func.func @transform_10(%arg0: i32) -> (i32, i32) {
    %c0_i32 = arith.constant 0 : i32
    %c0_i32_0 = arith.constant 0 : i32
    return %arg0, %c0_i32 : i32, i32
  }
}

module attributes {stable_mosaic.version = 14 : i64} {
  func.func @_edge1_body(%arg0: i32, %arg1: memref<2560x128xf32, #tpu.memory_space<vmem>>, %arg2: memref<2560x64xf32, #tpu.memory_space<vmem>>, %arg3: memref<16x2560xf32, #tpu.memory_space<vmem>>, %arg4: memref<16x32xf32, #tpu.memory_space<vmem>>, %arg5: memref<1x32xf32, #tpu.memory_space<vmem>>, %arg6: memref<32x64xf32, #tpu.memory_space<vmem>>, %arg7: memref<64x32xf32, #tpu.memory_space<vmem>>, %arg8: memref<1x32xf32, #tpu.memory_space<vmem>>, %arg9: memref<32x64xf32, #tpu.memory_space<vmem>>, %arg10: memref<64x64xf32, #tpu.memory_space<vmem>>, %arg11: memref<1x64xf32, #tpu.memory_space<vmem>>, %arg12: memref<2560x32xf32, #tpu.memory_space<vmem>>, %arg13: memref<2560x64xf32, #tpu.memory_space<vmem>>) attributes {dimension_semantics = [#tpu.dimension_semantics<arbitrary>], iteration_bounds = array<i64: 125>, scalar_prefetch = 0 : i64, scratch_operands = 0 : i64, tpu.core_type = #tpu.core_type<tc>, window_params = [{transform_indices = @transform_0, window_bounds = array<i64: 2560, 128>}, {transform_indices = @transform_1, window_bounds = array<i64: 2560, 64>}, {transform_indices = @transform_2, window_bounds = array<i64: 16, 2560>}, {pipeline_mode = #tpu.pipeline_mode<synchronous>, transform_indices = @transform_3, window_bounds = array<i64: 16, 32>}, {pipeline_mode = #tpu.pipeline_mode<synchronous>, transform_indices = @transform_4, window_bounds = array<i64: 1, 32>}, {pipeline_mode = #tpu.pipeline_mode<synchronous>, transform_indices = @transform_5, window_bounds = array<i64: 32, 64>}, {pipeline_mode = #tpu.pipeline_mode<synchronous>, transform_indices = @transform_6, window_bounds = array<i64: 64, 32>}, {pipeline_mode = #tpu.pipeline_mode<synchronous>, transform_indices = @transform_7, window_bounds = array<i64: 1, 32>}, {pipeline_mode = #tpu.pipeline_mode<synchronous>, transform_indices = @transform_8, window_bounds = array<i64: 32, 64>}, {pipeline_mode = #tpu.pipeline_mode<synchronous>, transform_indices = @transform_9, window_bounds = array<i64: 64, 64>}, {pipeline_mode = #tpu.pipeline_mode<synchronous>, transform_indices = @transform_10, window_bounds = array<i64: 1, 64>}, {transform_indices = @transform_11, window_bounds = array<i64: 2560, 32>}, {transform_indices = @transform_12, window_bounds = array<i64: 2560, 64>}]} {
    %get3A = arith.constant 0 : index
    %get3A_0 = arith.constant 0 : index
    %get3A_1 = vector.load %arg3[%get3A, %get3A_0] : memref<16x2560xf32, #tpu.memory_space<vmem>>, vector<16x2560xf32>
    %get3A_2 = arith.constant 0 : index
    %get3A_3 = arith.constant 0 : index
    %get3A_4 = vector.load %arg4[%get3A_2, %get3A_3] : memref<16x32xf32, #tpu.memory_space<vmem>>, vector<16x32xf32>
    %dot_general3A = arith.constant dense<0.000000e+00> : vector<2560x32xf32>
    %dot_general3A_5 = tpu.matmul %get3A_1, %get3A_4, %dot_general3A {dimension_numbers = #tpu.dot_dimension_numbers<[0], [0], [1], [1], [0, 1, 1, 1], [], []>, transpose_lhs_hint = false} : vector<16x2560xf32>, vector<16x32xf32>, vector<2560x32xf32> -> vector<2560x32xf32>
    %get3A_6 = arith.constant 0 : index
    %get3A_7 = arith.constant 0 : index
    %get3A_8 = vector.load %arg5[%get3A_6, %get3A_7] : memref<1x32xf32, #tpu.memory_space<vmem>>, vector<1x32xf32>
    %add3A = vector.broadcast %get3A_8 : vector<1x32xf32> to vector<2560x32xf32>
    %add3A_9 = arith.addf %dot_general3A_5, %add3A : vector<2560x32xf32>
    %jit3A = arith.constant 0.00999999977 : f32
    %ge3A = arith.constant 0.000000e+00 : f32
    %ge3A_10 = vector.broadcast %ge3A : f32 to vector<2560x32xf32>
    %ge3A_11 = arith.cmpf oge, %add3A_9, %ge3A_10 : vector<2560x32xf32>
    %mul3A = vector.broadcast %jit3A : f32 to vector<2560x32xf32>
    %mul3A_12 = arith.mulf %mul3A, %add3A_9 : vector<2560x32xf32>
    %select_n3A = arith.select %ge3A_11, %add3A_9, %mul3A_12 : vector<2560x32xi1>, vector<2560x32xf32>
    %get3A_13 = arith.constant 0 : index
    %get3A_14 = arith.constant 0 : index
    %get3A_15 = vector.load %arg1[%get3A_13, %get3A_14] : memref<2560x128xf32, #tpu.memory_space<vmem>>, vector<2560x64xf32>
    %get3A_16 = arith.constant 0 : index
    %get3A_17 = arith.constant 0 : index
    %get3A_18 = vector.load %arg2[%get3A_16, %get3A_17] : memref<2560x64xf32, #tpu.memory_space<vmem>>, vector<2560x64xf32>
    %add3A_19 = arith.addf %get3A_15, %get3A_18 : vector<2560x64xf32>
    %get3A_20 = arith.constant 0 : index
    %get3A_21 = arith.constant 0 : index
    %get3A_22 = vector.load %arg6[%get3A_20, %get3A_21] : memref<32x64xf32, #tpu.memory_space<vmem>>, vector<32x64xf32>
    %dot_general3A_23 = arith.constant dense<0.000000e+00> : vector<2560x64xf32>
    %dot_general3A_24 = tpu.matmul %select_n3A, %get3A_22, %dot_general3A_23 {dimension_numbers = #tpu.dot_dimension_numbers<[1], [0], [0], [1], [0, 0, 1, 1], [], []>, transpose_lhs_hint = false} : vector<2560x32xf32>, vector<32x64xf32>, vector<2560x64xf32> -> vector<2560x64xf32>
    %add3A_25 = arith.addf %add3A_19, %dot_general3A_24 : vector<2560x64xf32>
    %jit3A_26 = arith.constant 0.00999999977 : f32
    %ge3A_27 = arith.constant 0.000000e+00 : f32
    %ge3A_28 = vector.broadcast %ge3A_27 : f32 to vector<2560x64xf32>
    %ge3A_29 = arith.cmpf oge, %add3A_25, %ge3A_28 : vector<2560x64xf32>
    %mul3A_30 = vector.broadcast %jit3A_26 : f32 to vector<2560x64xf32>
    %mul3A_31 = arith.mulf %mul3A_30, %add3A_25 : vector<2560x64xf32>
    %select_n3A_32 = arith.select %ge3A_29, %add3A_25, %mul3A_31 : vector<2560x64xi1>, vector<2560x64xf32>
    %get3A_33 = arith.constant 0 : index
    %get3A_34 = arith.constant 0 : index
    %get3A_35 = vector.load %arg7[%get3A_33, %get3A_34] : memref<64x32xf32, #tpu.memory_space<vmem>>, vector<64x32xf32>
    %dot_general3A_36 = arith.constant dense<0.000000e+00> : vector<2560x32xf32>
    %dot_general3A_37 = tpu.matmul %select_n3A_32, %get3A_35, %dot_general3A_36 {dimension_numbers = #tpu.dot_dimension_numbers<[1], [0], [0], [1], [0, 0, 1, 1], [], []>, transpose_lhs_hint = false} : vector<2560x64xf32>, vector<64x32xf32>, vector<2560x32xf32> -> vector<2560x32xf32>
    %get3A_38 = arith.constant 0 : index
    %get3A_39 = arith.constant 0 : index
    %get3A_40 = vector.load %arg8[%get3A_38, %get3A_39] : memref<1x32xf32, #tpu.memory_space<vmem>>, vector<1x32xf32>
    %add3A_41 = vector.broadcast %get3A_40 : vector<1x32xf32> to vector<2560x32xf32>
    %add3A_42 = arith.addf %dot_general3A_37, %add3A_41 : vector<2560x32xf32>
    %swap3A = arith.constant 0 : index
    %swap3A_43 = arith.constant 0 : index
    %swap3A_44 = vector.load %arg12[%swap3A, %swap3A_43] : memref<2560x32xf32, #tpu.memory_space<vmem>>, vector<2560x32xf32>
    tpu.vector_store %arg12[%swap3A, %swap3A_43], %add3A_42 {strides = array<i32>} : memref<2560x32xf32, #tpu.memory_space<vmem>>, vector<2560x32xf32>,
    %get3A_45 = arith.constant 0 : index
    %get3A_46 = arith.constant 64 : index
    %get3A_47 = vector.load %arg1[%get3A_45, %get3A_46] : memref<2560x128xf32, #tpu.memory_space<vmem>>, vector<2560x64xf32>
    %get3A_48 = arith.constant 0 : index
    %get3A_49 = arith.constant 0 : index
    %get3A_50 = vector.load %arg9[%get3A_48, %get3A_49] : memref<32x64xf32, #tpu.memory_space<vmem>>, vector<32x64xf32>
    %dot_general3A_51 = arith.constant dense<0.000000e+00> : vector<2560x64xf32>
    %dot_general3A_52 = tpu.matmul %add3A_42, %get3A_50, %dot_general3A_51 {dimension_numbers = #tpu.dot_dimension_numbers<[1], [0], [0], [1], [0, 0, 1, 1], [], []>, transpose_lhs_hint = false} : vector<2560x32xf32>, vector<32x64xf32>, vector<2560x64xf32> -> vector<2560x64xf32>
    %add3A_53 = arith.addf %get3A_47, %dot_general3A_52 : vector<2560x64xf32>
    %jit3A_54 = arith.constant 0.00999999977 : f32
    %ge3A_55 = arith.constant 0.000000e+00 : f32
    %ge3A_56 = vector.broadcast %ge3A_55 : f32 to vector<2560x64xf32>
    %ge3A_57 = arith.cmpf oge, %add3A_53, %ge3A_56 : vector<2560x64xf32>
    %mul3A_58 = vector.broadcast %jit3A_54 : f32 to vector<2560x64xf32>
    %mul3A_59 = arith.mulf %mul3A_58, %add3A_53 : vector<2560x64xf32>
    %select_n3A_60 = arith.select %ge3A_57, %add3A_53, %mul3A_59 : vector<2560x64xi1>, vector<2560x64xf32>
    %get3A_61 = arith.constant 0 : index
    %get3A_62 = arith.constant 0 : index
    %get3A_63 = vector.load %arg10[%get3A_61, %get3A_62] : memref<64x64xf32, #tpu.memory_space<vmem>>, vector<64x64xf32>
    %dot_general3A_64 = arith.constant dense<0.000000e+00> : vector<2560x64xf32>
    %dot_general3A_65 = tpu.matmul %select_n3A_60, %get3A_63, %dot_general3A_64 {dimension_numbers = #tpu.dot_dimension_numbers<[1], [0], [0], [1], [0, 0, 1, 1], [], []>, transpose_lhs_hint = false} : vector<2560x64xf32>, vector<64x64xf32>, vector<2560x64xf32> -> vector<2560x64xf32>
    %get3A_66 = arith.constant 0 : index
    %get3A_67 = arith.constant 0 : index
    %get3A_68 = vector.load %arg11[%get3A_66, %get3A_67] : memref<1x64xf32, #tpu.memory_space<vmem>>, vector<1x64xf32>
    %add3A_69 = vector.broadcast %get3A_68 : vector<1x64xf32> to vector<2560x64xf32>
    %add3A_70 = arith.addf %dot_general3A_65, %add3A_69 : vector<2560x64xf32>
    %swap3A_71 = arith.constant 0 : index
    %swap3A_72 = arith.constant 0 : index
    %swap3A_73 = vector.load %arg13[%swap3A_71, %swap3A_72] : memref<2560x64xf32, #tpu.memory_space<vmem>>, vector<2560x64xf32>
    tpu.vector_store %arg13[%swap3A_71, %swap3A_72], %add3A_70 {strides = array<i32>} : memref<2560x64xf32, #tpu.memory_space<vmem>>, vector<2560x64xf32>,
    return
  }
  func.func @transform_0(%arg0: i32) -> (i32, i32) {
    %c0_i32 = arith.constant 0 : i32
    %c0_i32_0 = arith.constant 0 : i32
    return %arg0, %c0_i32 : i32, i32
  }
  func.func @transform_1(%arg0: i32) -> (i32, i32) {
    %c0_i32 = arith.constant 0 : i32
    %c0_i32_0 = arith.constant 0 : i32
    return %arg0, %c0_i32 : i32, i32
  }
  func.func @transform_2(%arg0: i32) -> (i32, i32) {
    %c0_i32 = arith.constant 0 : i32
    %c0_i32_0 = arith.constant 0 : i32
    return %c0_i32, %arg0 : i32, i32
  }
  func.func @transform_3(%arg0: i32) -> (i32, i32) {
    %c0_i32 = arith.constant 0 : i32
    %c0_i32_0 = arith.constant 0 : i32
    %c0_i32_1 = arith.constant 0 : i32
    return %c0_i32, %c0_i32_0 : i32, i32
  }
  func.func @transform_4(%arg0: i32) -> (i32, i32) {
    %c0_i32 = arith.constant 0 : i32
    %c0_i32_0 = arith.constant 0 : i32
    %c0_i32_1 = arith.constant 0 : i32
    return %c0_i32, %c0_i32_0 : i32, i32
  }
  func.func @transform_5(%arg0: i32) -> (i32, i32) {
    %c0_i32 = arith.constant 0 : i32
    %c0_i32_0 = arith.constant 0 : i32
    %c0_i32_1 = arith.constant 0 : i32
    return %c0_i32, %c0_i32_0 : i32, i32
  }
  func.func @transform_6(%arg0: i32) -> (i32, i32) {
    %c0_i32 = arith.constant 0 : i32
    %c0_i32_0 = arith.constant 0 : i32
    %c0_i32_1 = arith.constant 0 : i32
    return %c0_i32, %c0_i32_0 : i32, i32
  }
  func.func @transform_7(%arg0: i32) -> (i32, i32) {
    %c0_i32 = arith.constant 0 : i32
    %c0_i32_0 = arith.constant 0 : i32
    %c0_i32_1 = arith.constant 0 : i32
    return %c0_i32, %c0_i32_0 : i32, i32
  }
  func.func @transform_8(%arg0: i32) -> (i32, i32) {
    %c0_i32 = arith.constant 0 : i32
    %c0_i32_0 = arith.constant 0 : i32
    %c0_i32_1 = arith.constant 0 : i32
    return %c0_i32, %c0_i32_0 : i32, i32
  }
  func.func @transform_9(%arg0: i32) -> (i32, i32) {
    %c0_i32 = arith.constant 0 : i32
    %c0_i32_0 = arith.constant 0 : i32
    %c0_i32_1 = arith.constant 0 : i32
    return %c0_i32, %c0_i32_0 : i32, i32
  }
  func.func @transform_10(%arg0: i32) -> (i32, i32) {
    %c0_i32 = arith.constant 0 : i32
    %c0_i32_0 = arith.constant 0 : i32
    %c0_i32_1 = arith.constant 0 : i32
    return %c0_i32, %c0_i32_0 : i32, i32
  }
  func.func @transform_11(%arg0: i32) -> (i32, i32) {
    %c0_i32 = arith.constant 0 : i32
    %c0_i32_0 = arith.constant 0 : i32
    return %arg0, %c0_i32 : i32, i32
  }
  func.func @transform_12(%arg0: i32) -> (i32, i32) {
    %c0_i32 = arith.constant 0 : i32
    %c0_i32_0 = arith.constant 0 : i32
    return %arg0, %c0_i32 : i32, i32
  }
}

module attributes {stable_mosaic.version = 14 : i64} {
  func.func @_node_body(%arg0: memref<10000x64xf32, #tpu.memory_space<vmem>>, %arg1: memref<2x10000x64xf32, #tpu.memory_space<vmem>>, %arg2: memref<2x10000x16xf32, #tpu.memory_space<vmem>>, %arg3: memref<10000x1xi32, #tpu.memory_space<vmem>>, %arg4: memref<1x10000xi32, #tpu.memory_space<vmem>>, %arg5: memref<64x32xf32, #tpu.memory_space<vmem>>, %arg6: memref<64x64xf32, #tpu.memory_space<vmem>>, %arg7: memref<64x64xf32, #tpu.memory_space<vmem>>, %arg8: memref<32x64xf32, #tpu.memory_space<vmem>>, %arg9: memref<1x64xf32, #tpu.memory_space<vmem>>, %arg10: memref<64x64xf32, #tpu.memory_space<vmem>>, %arg11: memref<1x64xf32, #tpu.memory_space<vmem>>, %arg12: memref<32x64xf32, #tpu.memory_space<vmem>>, %arg13: memref<64x64xf32, #tpu.memory_space<vmem>>, %arg14: memref<1x64xf32, #tpu.memory_space<vmem>>, %arg15: memref<64x32xf32, #tpu.memory_space<vmem>>, %arg16: memref<1x32xf32, #tpu.memory_space<vmem>>, %arg17: memref<32x32xf32, #tpu.memory_space<vmem>>, %arg18: memref<1x32xf32, #tpu.memory_space<vmem>>, %arg19: memref<32x1xf32, #tpu.memory_space<vmem>>, %arg20: memref<1x1xf32, #tpu.memory_space<vmem>>, %arg21: memref<10000x64xf32, #tpu.memory_space<vmem>>, %arg22: memref<64x32xf32, #tpu.memory_space<vmem>>, %arg23: memref<64x1xf32, #tpu.memory_space<vmem>>) attributes {dimension_semantics = [], scalar_prefetch = 0 : i64, scratch_operands = 0 : i64, tpu.core_type = #tpu.core_type<tc>} {
    %get3A = arith.constant 0 : index
    %get3A_0 = arith.constant 0 : index
    %get3A_1 = arith.constant 0 : index
    %get3A_2 = vector.load %arg2[%get3A, %get3A_0, %get3A_1] : memref<2x10000x16xf32, #tpu.memory_space<vmem>>, vector<1x10000x1xf32>
    %get3A_3 = vector.shape_cast %get3A_2 : vector<1x10000x1xf32> to vector<10000x1xf32>
    %get3A_4 = arith.constant 1 : index
    %get3A_5 = arith.constant 0 : index
    %get3A_6 = arith.constant 0 : index
    %get3A_7 = vector.load %arg2[%get3A_4, %get3A_5, %get3A_6] : memref<2x10000x16xf32, #tpu.memory_space<vmem>>, vector<1x10000x1xf32>
    %get3A_8 = vector.shape_cast %get3A_7 : vector<1x10000x1xf32> to vector<10000x1xf32>
    %add3A = arith.addf %get3A_3, %get3A_8 : vector<10000x1xf32>
    %get3A_9 = arith.constant 0 : index
    %get3A_10 = arith.constant 0 : index
    %get3A_11 = arith.constant 0 : index
    %get3A_12 = vector.load %arg1[%get3A_9, %get3A_10, %get3A_11] : memref<2x10000x64xf32, #tpu.memory_space<vmem>>, vector<1x10000x64xf32>
    %get3A_13 = vector.shape_cast %get3A_12 : vector<1x10000x64xf32> to vector<10000x64xf32>
    %get3A_14 = arith.constant 1 : index
    %get3A_15 = arith.constant 0 : index
    %get3A_16 = arith.constant 0 : index
    %get3A_17 = vector.load %arg1[%get3A_14, %get3A_15, %get3A_16] : memref<2x10000x64xf32, #tpu.memory_space<vmem>>, vector<1x10000x64xf32>
    %get3A_18 = vector.shape_cast %get3A_17 : vector<1x10000x64xf32> to vector<10000x64xf32>
    %add3A_19 = arith.addf %get3A_13, %get3A_18 : vector<10000x64xf32>
    %max3A = arith.constant 1.000000e+00 : f32
    %max3A_20 = vector.broadcast %max3A : f32 to vector<10000x1xf32>
    %max3A_21 = arith.maximumf %add3A, %max3A_20 : vector<10000x1xf32>
    %div3A = vector.broadcast %max3A_21 : vector<10000x1xf32> to vector<10000x64xf32>
    %div3A_22 = arith.divf %add3A_19, %div3A : vector<10000x64xf32>
    %get3A_23 = arith.constant 0 : index
    %get3A_24 = arith.constant 0 : index
    %get3A_25 = vector.load %arg3[%get3A_23, %get3A_24] : memref<10000x1xi32, #tpu.memory_space<vmem>>, vector<10000x1xi32>
    %iota3A = tpu.iota {dimensions = array<i32: 1>} : vector<10000x64xi32>
    %eq3A = vector.broadcast %get3A_25 : vector<10000x1xi32> to vector<10000x64xi32>
    %eq3A_26 = arith.cmpi eq, %eq3A, %iota3A : vector<10000x64xi32>
    %convert_element_type3A = arith.extui %eq3A_26 : vector<10000x64xi1> to vector<10000x64xi32>
    %convert_element_type3A_27 = arith.sitofp %convert_element_type3A : vector<10000x64xi32> to vector<10000x64xf32>
    %get3A_28 = arith.constant 0 : index
    %get3A_29 = arith.constant 0 : index
    %get3A_30 = vector.load %arg4[%get3A_28, %get3A_29] : memref<1x10000xi32, #tpu.memory_space<vmem>>, vector<1x10000xi32>
    %iota3A_31 = tpu.iota {dimensions = array<i32: 0>} : vector<64x10000xi32>
    %eq3A_32 = vector.broadcast %get3A_30 : vector<1x10000xi32> to vector<64x10000xi32>
    %eq3A_33 = arith.cmpi eq, %eq3A_32, %iota3A_31 : vector<64x10000xi32>
    %convert_element_type3A_34 = arith.extui %eq3A_33 : vector<64x10000xi1> to vector<64x10000xi32>
    %convert_element_type3A_35 = arith.sitofp %convert_element_type3A_34 : vector<64x10000xi32> to vector<64x10000xf32>
    %get3A_36 = arith.constant 0 : index
    %get3A_37 = arith.constant 0 : index
    %get3A_38 = vector.load %arg5[%get3A_36, %get3A_37] : memref<64x32xf32, #tpu.memory_space<vmem>>, vector<64x32xf32>
    %get3A_39 = arith.constant 0 : index
    %get3A_40 = arith.constant 0 : index
    %get3A_41 = vector.load %arg8[%get3A_39, %get3A_40] : memref<32x64xf32, #tpu.memory_space<vmem>>, vector<32x64xf32>
    %dot_general3A = arith.constant dense<0.000000e+00> : vector<64x64xf32>
    %dot_general3A_42 = tpu.matmul %get3A_38, %get3A_41, %dot_general3A {dimension_numbers = #tpu.dot_dimension_numbers<[1], [0], [0], [1], [0, 0, 1, 1], [], []>, precision = #tpu.contract_precision<fp32>, transpose_lhs_hint = false} : vector<64x32xf32>, vector<32x64xf32>, vector<64x64xf32> -> vector<64x64xf32>
    %dot_general3A_43 = arith.constant dense<0.000000e+00> : vector<10000x64xf32>
    %dot_general3A_44 = tpu.matmul %convert_element_type3A_27, %dot_general3A_42, %dot_general3A_43 {dimension_numbers = #tpu.dot_dimension_numbers<[1], [0], [0], [1], [0, 0, 1, 1], [], []>, transpose_lhs_hint = false} : vector<10000x64xf32>, vector<64x64xf32>, vector<10000x64xf32> -> vector<10000x64xf32>
    %get3A_45 = arith.constant 0 : index
    %get3A_46 = arith.constant 0 : index
    %get3A_47 = vector.load %arg9[%get3A_45, %get3A_46] : memref<1x64xf32, #tpu.memory_space<vmem>>, vector<1x64xf32>
    %add3A_48 = vector.broadcast %get3A_47 : vector<1x64xf32> to vector<10000x64xf32>
    %add3A_49 = arith.addf %dot_general3A_44, %add3A_48 : vector<10000x64xf32>
    %get3A_50 = arith.constant 0 : index
    %get3A_51 = arith.constant 0 : index
    %get3A_52 = vector.load %arg0[%get3A_50, %get3A_51] : memref<10000x64xf32, #tpu.memory_space<vmem>>, vector<10000x64xf32>
    %get3A_53 = arith.constant 0 : index
    %get3A_54 = arith.constant 0 : index
    %get3A_55 = vector.load %arg6[%get3A_53, %get3A_54] : memref<64x64xf32, #tpu.memory_space<vmem>>, vector<64x64xf32>
    %dot_general3A_56 = arith.constant dense<0.000000e+00> : vector<10000x64xf32>
    %dot_general3A_57 = tpu.matmul %get3A_52, %get3A_55, %dot_general3A_56 {dimension_numbers = #tpu.dot_dimension_numbers<[1], [0], [0], [1], [0, 0, 1, 1], [], []>, transpose_lhs_hint = false} : vector<10000x64xf32>, vector<64x64xf32>, vector<10000x64xf32> -> vector<10000x64xf32>
    %get3A_58 = arith.constant 0 : index
    %get3A_59 = arith.constant 0 : index
    %get3A_60 = vector.load %arg7[%get3A_58, %get3A_59] : memref<64x64xf32, #tpu.memory_space<vmem>>, vector<64x64xf32>
    %dot_general3A_61 = arith.constant dense<0.000000e+00> : vector<10000x64xf32>
    %dot_general3A_62 = tpu.matmul %div3A_22, %get3A_60, %dot_general3A_61 {dimension_numbers = #tpu.dot_dimension_numbers<[1], [0], [0], [1], [0, 0, 1, 1], [], []>, transpose_lhs_hint = false} : vector<10000x64xf32>, vector<64x64xf32>, vector<10000x64xf32> -> vector<10000x64xf32>
    %add3A_63 = arith.addf %dot_general3A_57, %dot_general3A_62 : vector<10000x64xf32>
    %add3A_64 = arith.addf %add3A_63, %add3A_49 : vector<10000x64xf32>
    %jit3A = arith.constant 0.00999999977 : f32
    %ge3A = arith.constant 0.000000e+00 : f32
    %ge3A_65 = vector.broadcast %ge3A : f32 to vector<10000x64xf32>
    %ge3A_66 = arith.cmpf oge, %add3A_64, %ge3A_65 : vector<10000x64xf32>
    %mul3A = vector.broadcast %jit3A : f32 to vector<10000x64xf32>
    %mul3A_67 = arith.mulf %mul3A, %add3A_64 : vector<10000x64xf32>
    %select_n3A = arith.select %ge3A_66, %add3A_64, %mul3A_67 : vector<10000x64xi1>, vector<10000x64xf32>
    %get3A_68 = arith.constant 0 : index
    %get3A_69 = arith.constant 0 : index
    %get3A_70 = vector.load %arg10[%get3A_68, %get3A_69] : memref<64x64xf32, #tpu.memory_space<vmem>>, vector<64x64xf32>
    %dot_general3A_71 = arith.constant dense<0.000000e+00> : vector<10000x64xf32>
    %dot_general3A_72 = tpu.matmul %select_n3A, %get3A_70, %dot_general3A_71 {dimension_numbers = #tpu.dot_dimension_numbers<[1], [0], [0], [1], [0, 0, 1, 1], [], []>, transpose_lhs_hint = false} : vector<10000x64xf32>, vector<64x64xf32>, vector<10000x64xf32> -> vector<10000x64xf32>
    %get3A_73 = arith.constant 0 : index
    %get3A_74 = arith.constant 0 : index
    %get3A_75 = vector.load %arg11[%get3A_73, %get3A_74] : memref<1x64xf32, #tpu.memory_space<vmem>>, vector<1x64xf32>
    %add3A_76 = vector.broadcast %get3A_75 : vector<1x64xf32> to vector<10000x64xf32>
    %add3A_77 = arith.addf %dot_general3A_72, %add3A_76 : vector<10000x64xf32>
    %swap3A = arith.constant 0 : index
    %swap3A_78 = arith.constant 0 : index
    %swap3A_79 = vector.load %arg21[%swap3A, %swap3A_78] : memref<10000x64xf32, #tpu.memory_space<vmem>>, vector<10000x64xf32>
    tpu.vector_store %arg21[%swap3A, %swap3A_78], %add3A_77 {strides = array<i32>} : memref<10000x64xf32, #tpu.memory_space<vmem>>, vector<10000x64xf32>,
    %dot_general3A_80 = arith.constant dense<0.000000e+00> : vector<64x64xf32>
    %dot_general3A_81 = tpu.matmul %convert_element_type3A_35, %add3A_77, %dot_general3A_80 {dimension_numbers = #tpu.dot_dimension_numbers<[1], [0], [0], [1], [0, 0, 1, 1], [], []>, precision = #tpu.contract_precision<fp32>, transpose_lhs_hint = false} : vector<64x10000xf32>, vector<10000x64xf32>, vector<64x64xf32> -> vector<64x64xf32>
    %broadcast_in_dim3A = arith.constant 1.000000e+00 : f32
    %broadcast_in_dim3A_82 = vector.broadcast %broadcast_in_dim3A : f32 to vector<10000x1xf32>
    %dot_general3A_83 = arith.constant dense<0.000000e+00> : vector<64x1xf32>
    %dot_general3A_84 = tpu.matmul %convert_element_type3A_35, %broadcast_in_dim3A_82, %dot_general3A_83 {dimension_numbers = #tpu.dot_dimension_numbers<[1], [0], [0], [1], [0, 0, 1, 1], [], []>, precision = #tpu.contract_precision<fp32>, transpose_lhs_hint = false} : vector<64x10000xf32>, vector<10000x1xf32>, vector<64x1xf32> -> vector<64x1xf32>
    %max3A_85 = arith.constant 1.000000e+00 : f32
    %max3A_86 = vector.broadcast %max3A_85 : f32 to vector<64x1xf32>
    %max3A_87 = arith.maximumf %dot_general3A_84, %max3A_86 : vector<64x1xf32>
    %div3A_88 = vector.broadcast %max3A_87 : vector<64x1xf32> to vector<64x64xf32>
    %div3A_89 = arith.divf %dot_general3A_81, %div3A_88 : vector<64x64xf32>
    %get3A_90 = arith.constant 0 : index
    %get3A_91 = arith.constant 0 : index
    %get3A_92 = vector.load %arg5[%get3A_90, %get3A_91] : memref<64x32xf32, #tpu.memory_space<vmem>>, vector<64x32xf32>
    %get3A_93 = arith.constant 0 : index
    %get3A_94 = arith.constant 0 : index
    %get3A_95 = vector.load %arg12[%get3A_93, %get3A_94] : memref<32x64xf32, #tpu.memory_space<vmem>>, vector<32x64xf32>
    %dot_general3A_96 = arith.constant dense<0.000000e+00> : vector<64x64xf32>
    %dot_general3A_97 = tpu.matmul %get3A_92, %get3A_95, %dot_general3A_96 {dimension_numbers = #tpu.dot_dimension_numbers<[1], [0], [0], [1], [0, 0, 1, 1], [], []>, precision = #tpu.contract_precision<fp32>, transpose_lhs_hint = false} : vector<64x32xf32>, vector<32x64xf32>, vector<64x64xf32> -> vector<64x64xf32>
    %get3A_98 = arith.constant 0 : index
    %get3A_99 = arith.constant 0 : index
    %get3A_100 = vector.load %arg13[%get3A_98, %get3A_99] : memref<64x64xf32, #tpu.memory_space<vmem>>, vector<64x64xf32>
    %dot_general3A_101 = arith.constant dense<0.000000e+00> : vector<64x64xf32>
    %dot_general3A_102 = tpu.matmul %div3A_89, %get3A_100, %dot_general3A_101 {dimension_numbers = #tpu.dot_dimension_numbers<[1], [0], [0], [1], [0, 0, 1, 1], [], []>, precision = #tpu.contract_precision<fp32>, transpose_lhs_hint = false} : vector<64x64xf32>, vector<64x64xf32>, vector<64x64xf32> -> vector<64x64xf32>
    %add3A_103 = arith.addf %dot_general3A_97, %dot_general3A_102 : vector<64x64xf32>
    %get3A_104 = arith.constant 0 : index
    %get3A_105 = arith.constant 0 : index
    %get3A_106 = vector.load %arg14[%get3A_104, %get3A_105] : memref<1x64xf32, #tpu.memory_space<vmem>>, vector<1x64xf32>
    %add3A_107 = vector.broadcast %get3A_106 : vector<1x64xf32> to vector<64x64xf32>
    %add3A_108 = arith.addf %add3A_103, %add3A_107 : vector<64x64xf32>
    %jit3A_109 = arith.constant 0.00999999977 : f32
    %ge3A_110 = arith.constant 0.000000e+00 : f32
    %ge3A_111 = vector.broadcast %ge3A_110 : f32 to vector<64x64xf32>
    %ge3A_112 = arith.cmpf oge, %add3A_108, %ge3A_111 : vector<64x64xf32>
    %mul3A_113 = vector.broadcast %jit3A_109 : f32 to vector<64x64xf32>
    %mul3A_114 = arith.mulf %mul3A_113, %add3A_108 : vector<64x64xf32>
    %select_n3A_115 = arith.select %ge3A_112, %add3A_108, %mul3A_114 : vector<64x64xi1>, vector<64x64xf32>
    %get3A_116 = arith.constant 0 : index
    %get3A_117 = arith.constant 0 : index
    %get3A_118 = vector.load %arg15[%get3A_116, %get3A_117] : memref<64x32xf32, #tpu.memory_space<vmem>>, vector<64x32xf32>
    %dot_general3A_119 = arith.constant dense<0.000000e+00> : vector<64x32xf32>
    %dot_general3A_120 = tpu.matmul %select_n3A_115, %get3A_118, %dot_general3A_119 {dimension_numbers = #tpu.dot_dimension_numbers<[1], [0], [0], [1], [0, 0, 1, 1], [], []>, precision = #tpu.contract_precision<fp32>, transpose_lhs_hint = false} : vector<64x64xf32>, vector<64x32xf32>, vector<64x32xf32> -> vector<64x32xf32>
    %get3A_121 = arith.constant 0 : index
    %get3A_122 = arith.constant 0 : index
    %get3A_123 = vector.load %arg16[%get3A_121, %get3A_122] : memref<1x32xf32, #tpu.memory_space<vmem>>, vector<1x32xf32>
    %add3A_124 = vector.broadcast %get3A_123 : vector<1x32xf32> to vector<64x32xf32>
    %add3A_125 = arith.addf %dot_general3A_120, %add3A_124 : vector<64x32xf32>
    %swap3A_126 = arith.constant 0 : index
    %swap3A_127 = arith.constant 0 : index
    %swap3A_128 = vector.load %arg22[%swap3A_126, %swap3A_127] : memref<64x32xf32, #tpu.memory_space<vmem>>, vector<64x32xf32>
    tpu.vector_store %arg22[%swap3A_126, %swap3A_127], %add3A_125 {strides = array<i32>} : memref<64x32xf32, #tpu.memory_space<vmem>>, vector<64x32xf32>,
    %get3A_129 = arith.constant 0 : index
    %get3A_130 = arith.constant 0 : index
    %get3A_131 = vector.load %arg17[%get3A_129, %get3A_130] : memref<32x32xf32, #tpu.memory_space<vmem>>, vector<32x32xf32>
    %dot_general3A_132 = arith.constant dense<0.000000e+00> : vector<64x32xf32>
    %dot_general3A_133 = tpu.matmul %add3A_125, %get3A_131, %dot_general3A_132 {dimension_numbers = #tpu.dot_dimension_numbers<[1], [0], [0], [1], [0, 0, 1, 1], [], []>, precision = #tpu.contract_precision<fp32>, transpose_lhs_hint = false} : vector<64x32xf32>, vector<32x32xf32>, vector<64x32xf32> -> vector<64x32xf32>
    %get3A_134 = arith.constant 0 : index
    %get3A_135 = arith.constant 0 : index
    %get3A_136 = vector.load %arg18[%get3A_134, %get3A_135] : memref<1x32xf32, #tpu.memory_space<vmem>>, vector<1x32xf32>
    %add3A_137 = vector.broadcast %get3A_136 : vector<1x32xf32> to vector<64x32xf32>
    %add3A_138 = arith.addf %dot_general3A_133, %add3A_137 : vector<64x32xf32>
    %jit3A_139 = arith.constant 0.00999999977 : f32
    %ge3A_140 = arith.constant 0.000000e+00 : f32
    %ge3A_141 = vector.broadcast %ge3A_140 : f32 to vector<64x32xf32>
    %ge3A_142 = arith.cmpf oge, %add3A_138, %ge3A_141 : vector<64x32xf32>
    %mul3A_143 = vector.broadcast %jit3A_139 : f32 to vector<64x32xf32>
    %mul3A_144 = arith.mulf %mul3A_143, %add3A_138 : vector<64x32xf32>
    %select_n3A_145 = arith.select %ge3A_142, %add3A_138, %mul3A_144 : vector<64x32xi1>, vector<64x32xf32>
    %get3A_146 = arith.constant 0 : index
    %get3A_147 = arith.constant 0 : index
    %get3A_148 = vector.load %arg19[%get3A_146, %get3A_147] : memref<32x1xf32, #tpu.memory_space<vmem>>, vector<32x1xf32>
    %dot_general3A_149 = arith.constant dense<0.000000e+00> : vector<64x1xf32>
    %dot_general3A_150 = tpu.matmul %select_n3A_145, %get3A_148, %dot_general3A_149 {dimension_numbers = #tpu.dot_dimension_numbers<[1], [0], [0], [1], [0, 0, 1, 1], [], []>, precision = #tpu.contract_precision<fp32>, transpose_lhs_hint = false} : vector<64x32xf32>, vector<32x1xf32>, vector<64x1xf32> -> vector<64x1xf32>
    %get3A_151 = arith.constant 0 : index
    %get3A_152 = arith.constant 0 : index
    %get3A_153 = vector.load %arg20[%get3A_151, %get3A_152] : memref<1x1xf32, #tpu.memory_space<vmem>>, vector<1x1xf32>
    %add3A_154 = vector.broadcast %get3A_153 : vector<1x1xf32> to vector<64x1xf32>
    %add3A_155 = arith.addf %dot_general3A_150, %add3A_154 : vector<64x1xf32>
    %swap3A_156 = arith.constant 0 : index
    %swap3A_157 = arith.constant 0 : index
    %swap3A_158 = vector.load %arg23[%swap3A_156, %swap3A_157] : memref<64x1xf32, #tpu.memory_space<vmem>>, vector<64x1xf32>
    tpu.vector_store %arg23[%swap3A_156, %swap3A_157], %add3A_155 {strides = array<i32>} : memref<64x1xf32, #tpu.memory_space<vmem>>, vector<64x1xf32>,
    return
  }
}

module attributes {stable_mosaic.version = 14 : i64} {
  func.func @_edge2_body(%arg0: i32, %arg1: memref<2560x128xf32, #tpu.memory_space<vmem>>, %arg2: memref<2560x64xf32, #tpu.memory_space<vmem>>, %arg3: memref<2560x32xf32, #tpu.memory_space<vmem>>, %arg4: memref<32x64xf32, #tpu.memory_space<vmem>>, %arg5: memref<64x32xf32, #tpu.memory_space<vmem>>, %arg6: memref<1x32xf32, #tpu.memory_space<vmem>>, %arg7: memref<32x64xf32, #tpu.memory_space<vmem>>, %arg8: memref<64x64xf32, #tpu.memory_space<vmem>>, %arg9: memref<1x64xf32, #tpu.memory_space<vmem>>, %arg10: memref<1x32xf32, #tpu.memory_space<vmem>>, %arg11: memref<1x1xf32, #tpu.memory_space<vmem>>, %arg12: memref<2560x64xf32, #tpu.memory_space<vmem>>, %arg13: memref<1x2560xf32, #tpu.memory_space<vmem>>) attributes {dimension_semantics = [#tpu.dimension_semantics<arbitrary>], iteration_bounds = array<i64: 125>, scalar_prefetch = 0 : i64, scratch_operands = 0 : i64, tpu.core_type = #tpu.core_type<tc>, window_params = [{transform_indices = @transform_0, window_bounds = array<i64: 2560, 128>}, {transform_indices = @transform_1, window_bounds = array<i64: 2560, 64>}, {transform_indices = @transform_2, window_bounds = array<i64: 2560, 32>}, {pipeline_mode = #tpu.pipeline_mode<synchronous>, transform_indices = @transform_3, window_bounds = array<i64: 32, 64>}, {pipeline_mode = #tpu.pipeline_mode<synchronous>, transform_indices = @transform_4, window_bounds = array<i64: 64, 32>}, {pipeline_mode = #tpu.pipeline_mode<synchronous>, transform_indices = @transform_5, window_bounds = array<i64: 1, 32>}, {pipeline_mode = #tpu.pipeline_mode<synchronous>, transform_indices = @transform_6, window_bounds = array<i64: 32, 64>}, {pipeline_mode = #tpu.pipeline_mode<synchronous>, transform_indices = @transform_7, window_bounds = array<i64: 64, 64>}, {pipeline_mode = #tpu.pipeline_mode<synchronous>, transform_indices = @transform_8, window_bounds = array<i64: 1, 64>}, {pipeline_mode = #tpu.pipeline_mode<synchronous>, transform_indices = @transform_9, window_bounds = array<i64: 1, 32>}, {pipeline_mode = #tpu.pipeline_mode<synchronous>, transform_indices = @transform_10, window_bounds = array<i64: 1, 1>}, {transform_indices = @transform_11, window_bounds = array<i64: 2560, 64>}, {transform_indices = @transform_12, window_bounds = array<i64: 1, 2560>}]} {
    %get3A = arith.constant 0 : index
    %get3A_0 = arith.constant 0 : index
    %get3A_1 = vector.load %arg1[%get3A, %get3A_0] : memref<2560x128xf32, #tpu.memory_space<vmem>>, vector<2560x64xf32>
    %get3A_2 = arith.constant 0 : index
    %get3A_3 = arith.constant 0 : index
    %get3A_4 = vector.load %arg2[%get3A_2, %get3A_3] : memref<2560x64xf32, #tpu.memory_space<vmem>>, vector<2560x64xf32>
    %add3A = arith.addf %get3A_1, %get3A_4 : vector<2560x64xf32>
    %get3A_5 = arith.constant 0 : index
    %get3A_6 = arith.constant 0 : index
    %get3A_7 = vector.load %arg3[%get3A_5, %get3A_6] : memref<2560x32xf32, #tpu.memory_space<vmem>>, vector<2560x32xf32>
    %get3A_8 = arith.constant 0 : index
    %get3A_9 = arith.constant 0 : index
    %get3A_10 = vector.load %arg4[%get3A_8, %get3A_9] : memref<32x64xf32, #tpu.memory_space<vmem>>, vector<32x64xf32>
    %dot_general3A = arith.constant dense<0.000000e+00> : vector<2560x64xf32>
    %dot_general3A_11 = tpu.matmul %get3A_7, %get3A_10, %dot_general3A {dimension_numbers = #tpu.dot_dimension_numbers<[1], [0], [0], [1], [0, 0, 1, 1], [], []>, transpose_lhs_hint = false} : vector<2560x32xf32>, vector<32x64xf32>, vector<2560x64xf32> -> vector<2560x64xf32>
    %add3A_12 = arith.addf %add3A, %dot_general3A_11 : vector<2560x64xf32>
    %jit3A = arith.constant 0.00999999977 : f32
    %ge3A = arith.constant 0.000000e+00 : f32
    %ge3A_13 = vector.broadcast %ge3A : f32 to vector<2560x64xf32>
    %ge3A_14 = arith.cmpf oge, %add3A_12, %ge3A_13 : vector<2560x64xf32>
    %mul3A = vector.broadcast %jit3A : f32 to vector<2560x64xf32>
    %mul3A_15 = arith.mulf %mul3A, %add3A_12 : vector<2560x64xf32>
    %select_n3A = arith.select %ge3A_14, %add3A_12, %mul3A_15 : vector<2560x64xi1>, vector<2560x64xf32>
    %get3A_16 = arith.constant 0 : index
    %get3A_17 = arith.constant 0 : index
    %get3A_18 = vector.load %arg5[%get3A_16, %get3A_17] : memref<64x32xf32, #tpu.memory_space<vmem>>, vector<64x32xf32>
    %dot_general3A_19 = arith.constant dense<0.000000e+00> : vector<2560x32xf32>
    %dot_general3A_20 = tpu.matmul %select_n3A, %get3A_18, %dot_general3A_19 {dimension_numbers = #tpu.dot_dimension_numbers<[1], [0], [0], [1], [0, 0, 1, 1], [], []>, transpose_lhs_hint = false} : vector<2560x64xf32>, vector<64x32xf32>, vector<2560x32xf32> -> vector<2560x32xf32>
    %get3A_21 = arith.constant 0 : index
    %get3A_22 = arith.constant 0 : index
    %get3A_23 = vector.load %arg6[%get3A_21, %get3A_22] : memref<1x32xf32, #tpu.memory_space<vmem>>, vector<1x32xf32>
    %add3A_24 = vector.broadcast %get3A_23 : vector<1x32xf32> to vector<2560x32xf32>
    %add3A_25 = arith.addf %dot_general3A_20, %add3A_24 : vector<2560x32xf32>
    %get3A_26 = arith.constant 0 : index
    %get3A_27 = arith.constant 64 : index
    %get3A_28 = vector.load %arg1[%get3A_26, %get3A_27] : memref<2560x128xf32, #tpu.memory_space<vmem>>, vector<2560x64xf32>
    %get3A_29 = arith.constant 0 : index
    %get3A_30 = arith.constant 0 : index
    %get3A_31 = vector.load %arg7[%get3A_29, %get3A_30] : memref<32x64xf32, #tpu.memory_space<vmem>>, vector<32x64xf32>
    %dot_general3A_32 = arith.constant dense<0.000000e+00> : vector<2560x64xf32>
    %dot_general3A_33 = tpu.matmul %add3A_25, %get3A_31, %dot_general3A_32 {dimension_numbers = #tpu.dot_dimension_numbers<[1], [0], [0], [1], [0, 0, 1, 1], [], []>, transpose_lhs_hint = false} : vector<2560x32xf32>, vector<32x64xf32>, vector<2560x64xf32> -> vector<2560x64xf32>
    %add3A_34 = arith.addf %get3A_28, %dot_general3A_33 : vector<2560x64xf32>
    %jit3A_35 = arith.constant 0.00999999977 : f32
    %ge3A_36 = arith.constant 0.000000e+00 : f32
    %ge3A_37 = vector.broadcast %ge3A_36 : f32 to vector<2560x64xf32>
    %ge3A_38 = arith.cmpf oge, %add3A_34, %ge3A_37 : vector<2560x64xf32>
    %mul3A_39 = vector.broadcast %jit3A_35 : f32 to vector<2560x64xf32>
    %mul3A_40 = arith.mulf %mul3A_39, %add3A_34 : vector<2560x64xf32>
    %select_n3A_41 = arith.select %ge3A_38, %add3A_34, %mul3A_40 : vector<2560x64xi1>, vector<2560x64xf32>
    %get3A_42 = arith.constant 0 : index
    %get3A_43 = arith.constant 0 : index
    %get3A_44 = vector.load %arg8[%get3A_42, %get3A_43] : memref<64x64xf32, #tpu.memory_space<vmem>>, vector<64x64xf32>
    %dot_general3A_45 = arith.constant dense<0.000000e+00> : vector<2560x64xf32>
    %dot_general3A_46 = tpu.matmul %select_n3A_41, %get3A_44, %dot_general3A_45 {dimension_numbers = #tpu.dot_dimension_numbers<[1], [0], [0], [1], [0, 0, 1, 1], [], []>, transpose_lhs_hint = false} : vector<2560x64xf32>, vector<64x64xf32>, vector<2560x64xf32> -> vector<2560x64xf32>
    %get3A_47 = arith.constant 0 : index
    %get3A_48 = arith.constant 0 : index
    %get3A_49 = vector.load %arg9[%get3A_47, %get3A_48] : memref<1x64xf32, #tpu.memory_space<vmem>>, vector<1x64xf32>
    %add3A_50 = vector.broadcast %get3A_49 : vector<1x64xf32> to vector<2560x64xf32>
    %add3A_51 = arith.addf %dot_general3A_46, %add3A_50 : vector<2560x64xf32>
    %swap3A = arith.constant 0 : index
    %swap3A_52 = arith.constant 0 : index
    %swap3A_53 = vector.load %arg12[%swap3A, %swap3A_52] : memref<2560x64xf32, #tpu.memory_space<vmem>>, vector<2560x64xf32>
    tpu.vector_store %arg12[%swap3A, %swap3A_52], %add3A_51 {strides = array<i32>} : memref<2560x64xf32, #tpu.memory_space<vmem>>, vector<2560x64xf32>,
    %get3A_54 = arith.constant 0 : index
    %get3A_55 = arith.constant 0 : index
    %get3A_56 = vector.load %arg10[%get3A_54, %get3A_55] : memref<1x32xf32, #tpu.memory_space<vmem>>, vector<1x32xf32>
    %dot_general3A_57 = arith.constant dense<0.000000e+00> : vector<1x2560xf32>
    %dot_general3A_58 = tpu.matmul %get3A_56, %add3A_25, %dot_general3A_57 {dimension_numbers = #tpu.dot_dimension_numbers<[1], [1], [0], [0], [0, 0, 1, 0], [], []>, transpose_lhs_hint = false} : vector<1x32xf32>, vector<2560x32xf32>, vector<1x2560xf32> -> vector<1x2560xf32>
    %get3A_59 = arith.constant 0 : index
    %get3A_60 = arith.constant 0 : index
    %get3A_61 = vector.load %arg11[%get3A_59, %get3A_60] : memref<1x1xf32, #tpu.memory_space<vmem>>, vector<1x1xf32>
    %add3A_62 = vector.broadcast %get3A_61 : vector<1x1xf32> to vector<1x2560xf32>
    %add3A_63 = arith.addf %dot_general3A_58, %add3A_62 : vector<1x2560xf32>
    %swap3A_64 = arith.constant 0 : index
    %swap3A_65 = arith.constant 0 : index
    %swap3A_66 = vector.load %arg13[%swap3A_64, %swap3A_65] : memref<1x2560xf32, #tpu.memory_space<vmem>>, vector<1x2560xf32>
    tpu.vector_store %arg13[%swap3A_64, %swap3A_65], %add3A_63 {strides = array<i32>} : memref<1x2560xf32, #tpu.memory_space<vmem>>, vector<1x2560xf32>,
    return
  }
  func.func @transform_0(%arg0: i32) -> (i32, i32) {
    %c0_i32 = arith.constant 0 : i32
    %c0_i32_0 = arith.constant 0 : i32
    return %arg0, %c0_i32 : i32, i32
  }
  func.func @transform_1(%arg0: i32) -> (i32, i32) {
    %c0_i32 = arith.constant 0 : i32
    %c0_i32_0 = arith.constant 0 : i32
    return %arg0, %c0_i32 : i32, i32
  }
  func.func @transform_2(%arg0: i32) -> (i32, i32) {
    %c0_i32 = arith.constant 0 : i32
    %c0_i32_0 = arith.constant 0 : i32
    return %arg0, %c0_i32 : i32, i32
  }
  func.func @transform_3(%arg0: i32) -> (i32, i32) {
    %c0_i32 = arith.constant 0 : i32
    %c0_i32_0 = arith.constant 0 : i32
    %c0_i32_1 = arith.constant 0 : i32
    return %c0_i32, %c0_i32_0 : i32, i32
  }
  func.func @transform_4(%arg0: i32) -> (i32, i32) {
    %c0_i32 = arith.constant 0 : i32
    %c0_i32_0 = arith.constant 0 : i32
    %c0_i32_1 = arith.constant 0 : i32
    return %c0_i32, %c0_i32_0 : i32, i32
  }
  func.func @transform_5(%arg0: i32) -> (i32, i32) {
    %c0_i32 = arith.constant 0 : i32
    %c0_i32_0 = arith.constant 0 : i32
    %c0_i32_1 = arith.constant 0 : i32
    return %c0_i32, %c0_i32_0 : i32, i32
  }
  func.func @transform_6(%arg0: i32) -> (i32, i32) {
    %c0_i32 = arith.constant 0 : i32
    %c0_i32_0 = arith.constant 0 : i32
    %c0_i32_1 = arith.constant 0 : i32
    return %c0_i32, %c0_i32_0 : i32, i32
  }
  func.func @transform_7(%arg0: i32) -> (i32, i32) {
    %c0_i32 = arith.constant 0 : i32
    %c0_i32_0 = arith.constant 0 : i32
    %c0_i32_1 = arith.constant 0 : i32
    return %c0_i32, %c0_i32_0 : i32, i32
  }
  func.func @transform_8(%arg0: i32) -> (i32, i32) {
    %c0_i32 = arith.constant 0 : i32
    %c0_i32_0 = arith.constant 0 : i32
    %c0_i32_1 = arith.constant 0 : i32
    return %c0_i32, %c0_i32_0 : i32, i32
  }
  func.func @transform_9(%arg0: i32) -> (i32, i32) {
    %c0_i32 = arith.constant 0 : i32
    %c0_i32_0 = arith.constant 0 : i32
    %c0_i32_1 = arith.constant 0 : i32
    return %c0_i32, %c0_i32_0 : i32, i32
  }
  func.func @transform_10(%arg0: i32) -> (i32, i32) {
    %c0_i32 = arith.constant 0 : i32
    %c0_i32_0 = arith.constant 0 : i32
    %c0_i32_1 = arith.constant 0 : i32
    return %c0_i32, %c0_i32_0 : i32, i32
  }
  func.func @transform_11(%arg0: i32) -> (i32, i32) {
    %c0_i32 = arith.constant 0 : i32
    %c0_i32_0 = arith.constant 0 : i32
    return %arg0, %c0_i32 : i32, i32
  }
  func.func @transform_12(%arg0: i32) -> (i32, i32) {
    %c0_i32 = arith.constant 0 : i32
    %c0_i32_0 = arith.constant 0 : i32
    return %c0_i32, %arg0 : i32, i32
  }
}

</mosaic_0001>

<sc_bundles>
// kernel: kernel.14.cloned.1.call-start
scs
__scs_entry_jumppad:
0x0: {  	(pc) =	sbr.rel $0x88, $3  }
0x1: {  	(tag) =	ssettag $0x0;
	lr =	simm.s32 $0x1  }
0x2: {  	[smem:$0x3F80] =	sst lr;
	_ =	strace $0xD0000000  }
0x3: {  	_ = 	snop  }
0x4: {  	_ = 	snop  }
0x5: {  	_ = 	snop  }
0x6: {  	_ = 	snop  }
0x7: {  	_ = 	snop  }
__scs_overlays_trampoline_lowered:
0x8: {  	[smem:$0x3F8F] =	sst s0  }
0x9: {  	[smem:$0x3F90] =	sst s1  }
0xa: {  	[smem:$0x3F91] =	sst s2  }
0xb: {  	[smem:$0x3F92] =	sst s3  }
0xc: {  	[smem:$0x3F93] =	sst s4  }
0xd: {  	[smem:$0x3F94] =	sst s5  }
0xe: {  	[smem:$0x3F95] =	sst s6  }
0xf: {  	[smem:$0x3F96] =	sst s7  }
0x10: {  	[smem:$0x3F97] =	sst s8  }
0x11: {  	[smem:$0x3F98] =	sst s9;
	s0 =	simm.s32 @!p0 $0x0  }
0x12: {  	s1 =	sld [smem:$0x3F7E];
	s0 =	simm.s32 @p0 $0x1  }
0x13: {  	[smem:$0x3F99] =	sst s0;
	s0 =	simm.s32 @!p1 $0x0  }
0x14: {  	s2 =	sld [smem:$0x3F7D];
	s0 =	simm.s32 @p1 $0x1  }
0x15: {  	[smem:$0x3F9A] =	sst s0;
	s0 =	simm.s32 @!p2 $0x0  }
0x16: {  	s3 =	sld [smem:$0x3FDB];
	s0 =	simm.s32 @p2 $0x1  }
0x17: {  	s4 =	simm.s32 $0x1BF5;
	[smem:$0x3F9C] =	sst s0  }
0x18: {  	s0 =	sld [smem:$0x3F7F];
	_ =	swait.ge [sflag:s4], $0x0  }
0x19: {  	s7 =	sld [smem:$0x3F80]  }
0x1a: {  	s8 =	sadd.s32 $0xFFFFE003, lr  }
0x1b: {  	s9 =	sadd.s32 $0xFFFFFEF7, lr;
	s5 =	simm.s32 $0xFFFFFFFF;
	p2 =	slt.u32 s8, $0xFFFFF086  }
0x1c: {  	p1 =	slt.u32 s9, $0xF7A;
	s5 =	simm.s32 @!p2 $0x0  }
0x1d: {  	s5 =	simm.s32 @p1 $0x1;
	p0 =	seq.s32 s7, s2  }
0x1e: {  	s7 =	smul.u32 @!p0 $0xF7A, s2;
	p2 =	seq.s32 @!p0 s5, $0x0  }
0x1f: {  	s9 =	smul.u32 $0xF7A, s1;
	s8 =	simm.s32 @!p0 $0x1BF5;
	p2 =	por !p2, p0  }
0x20: {  	[sflag:s8] =	ssyncset.s32 @!p0 $0xFFFFF086;
	s6 =	sadd.s32 @!p0 s3, s7;
	s7 =	simm.s32 @!p0 $0x108  }
0x21: {  	s3 =	sadd.s32 s3, s9;
	s6 =	sadd.s32 @!p0 $0x88, s6;
	s7 =	simm.s32 @p2 $0x1082  }
0x22: {  	[simem:s7], [sflag:s8] =	dma.local @!p0 [hbm:s6], $0xF7A  }
0x23: {  	s9 =	sor.u32 $0xD0000000, s2;
	s6 =	simm.s32 $0x108;
	_ =	swait.ge @!p0 [sflag:s8], $0x0  }
0x24: {  	s3 =	sadd.s32 $0x88, s3;
	s6 =	simm.s32 @!p1 $0x1082;
	[sflag:s4] =	ssyncset.s32 $0xFFFFF086  }
0x25: {  	[simem:s6], [sflag:s4] =	dma.local [hbm:s3], $0xF7A  }
0x26: {  	[smem:$0x3F80] =	sst s1;
	(tag) =	ssettag s2;
	_ =	strace s9  }
0x27: {  	s1 =	sld [smem:$0x3F90]  }
0x28: {  	s2 =	sld [smem:$0x3F91]  }
0x29: {  	s4 =	sld [smem:$0x3F93]  }
0x2a: {  	p0 =	seq.s32 s5, $0x0;
	s5 =	sld [smem:$0x3F94]  }
0x2b: {  	s6 =	sld [smem:$0x3F95]  }
0x2c: {  	s7 =	sld [smem:$0x3F96]  }
0x2d: {  	s3 =	simm.s32 $0x108;
	s8 =	sld [smem:$0x3F97]  }
0x2e: {  	s3 =	simm.s32 @!p0 $0x1082;
	s9 =	sld [smem:$0x3F98]  }
0x2f: {  	lr =	sadd.s32 s0, s3;
	s0 =	sld [smem:$0x3F8F]  }
0x30: {  	s3 =	sld [smem:$0x3F92]  }
0x31: {  	[smem:$0x3F9B] =	sst s10  }
0x32: {  	s10 =	sld [smem:$0x3F99];
	_ =	sdelay $0x3  }
0x33: {  	p0 =	seq.s32 s10, $0x1;
	s10 =	sld [smem:$0x3F9B];
	_ =	sdelay $0x3  }
0x34: {  	[smem:$0x3F9B] =	sst s10  }
0x35: {  	s10 =	sld [smem:$0x3F9A];
	_ =	sdelay $0x3  }
0x36: {  	p1 =	seq.s32 s10, $0x1;
	s10 =	sld [smem:$0x3F9B];
	_ =	sdelay $0x3  }
0x37: {  	[smem:$0x3F9B] =	sst s10  }
0x38: {  	s10 =	sld [smem:$0x3F9C]  }
0x39: {  	_ = 	snop;
	(pc) =	sbr.ind lr, $3  }
0x3a: {  	_ = 	snop  }
0x3b: {  	_ = 	snop  }
0x3c: {  	p2 =	seq.s32 s10, $0x1;
	s10 =	sld [smem:$0x3F9B]  }
0x3d: {  	_ =	shalt  }
0x3e: {  	_ =	shalt  }
0x3f: {  	_ =	shalt  }
0x40: {  	_ =	shalt  }
0x41: {  	_ =	shalt  }
0x42: {  	_ =	shalt  }
0x43: {  	_ =	shalt  }
0x44: {  	_ =	shalt  }
0x45: {  	_ =	shalt  }
0x46: {  	_ =	shalt  }
0x47: {  	_ =	shalt  }
0x48: {  	_ =	shalt  }
0x49: {  	_ =	shalt  }
0x4a: {  	_ =	shalt  }
0x4b: {  	_ =	shalt  }
0x4c: {  	_ =	shalt  }
0x4d: {  	_ =	shalt  }
0x4e: {  	_ =	shalt  }
0x4f: {  	_ =	shalt  }
0x50: {  	_ =	shalt  }
0x51: {  	_ =	shalt  }
0x52: {  	_ =	shalt  }
0x53: {  	_ =	shalt  }
0x54: {  	_ =	shalt  }
0x55: {  	_ =	shalt  }
0x56: {  	_ =	shalt  }
0x57: {  	_ =	shalt  }
0x58: {  	_ =	shalt  }
0x59: {  	_ =	shalt  }
0x5a: {  	_ =	shalt  }
0x5b: {  	_ =	shalt  }
0x5c: {  	_ =	shalt  }
0x5d: {  	_ =	shalt  }
0x5e: {  	_ =	shalt  }
0x5f: {  	_ =	shalt  }
0x60: {  	_ =	shalt  }
0x61: {  	_ =	shalt  }
0x62: {  	_ =	shalt  }
0x63: {  	_ =	shalt  }
0x64: {  	_ =	shalt  }
0x65: {  	_ =	shalt  }
0x66: {  	_ =	shalt  }
0x67: {  	_ =	shalt  }
0x68: {  	_ =	shalt  }
0x69: {  	_ =	shalt  }
0x6a: {  	_ =	shalt  }
0x6b: {  	_ =	shalt  }
0x6c: {  	_ =	shalt  }
0x6d: {  	_ =	shalt  }
0x6e: {  	_ =	shalt  }
0x6f: {  	_ =	shalt  }
0x70: {  	_ =	shalt  }
0x71: {  	_ =	shalt  }
0x72: {  	_ =	shalt  }
0x73: {  	_ =	shalt  }
0x74: {  	_ =	shalt  }
0x75: {  	_ =	shalt  }
0x76: {  	_ =	shalt  }
0x77: {  	_ =	shalt  }
0x78: {  	_ =	shalt  }
0x79: {  	_ =	shalt  }
0x7a: {  	_ =	shalt  }
0x7b: {  	_ =	shalt  }
0x7c: {  	_ =	shalt  }
0x7d: {  	_ =	shalt  }
0x7e: {  	_ =	shalt  }
0x7f: {  	_ =	shalt  }
0x80: {  	_ =	shalt  }
0x81: {  	_ =	shalt  }
0x82: {  	_ =	shalt  }
0x83: {  	_ =	shalt  }
0x84: {  	_ =	shalt  }
0x85: {  	_ =	shalt  }
0x86: {  	_ =	shalt  }
0x87: {  	_ =	shalt  }
.Lfunc_end0:
.L_simem_size_0:
called_computation_lowered:
.L_overlay_start_0:
0x88: {  	s2 =	sld [smem:$0x3FD9]  }
0x89: {  	s3 =	sld [smem:$0x3FFE];
	_ =	sdelay $0x1  }
0x8a: {  	s1 =	srdreg.scid  }
0x8b: {  	s0 =	sand.u32 $0x1, s1  }
0x8c: {  	s15 =	sshll.u32 s0, $0xA;
	s2 =	sadd.s32 s3, s2  }
0x8d: {  	s2 =	sadd.s32 s2, s15  }
0x8e: {  	[smem:$0x3FA7] =	sst s2  }
0x8f: {  	_ = 	snop  }
0x90: {  	s2 =	sld [smem:$0x3FD0];
	_ =	sdelay $0x2  }
0x91: {  	s16 =	simm.s32 $0xB;
	s4 =	simm.s32 $0x10  }
0x92: {  	[smem:s4], [sflag:s16] =	dma.local [hbm:s2], $0x1  }
0x93: {  	_ =	swait.eq [sflag:s16], $0x1  }
0x94: {  	[sflag:s16] =	ssyncset.done $0x0  }
0x95: {  	[sflag:s16] =	ssyncadd.s32 $0xFFFFFFFF  }
0x96: {  	s17 =	sld [smem:$0x10];
	(tm) =	ssettm $0x1  }
0x97: {  	s18 =	sld [smem:$0x3FFB];
	_ =	sdelay $0x3  }
0x98: {  	_ =	strace s18  }
0x99: {  	s2 =	sld [smem:$0x3FFC];
	_ =	sdelay $0x3  }
0x9a: {  	_ =	strace s2  }
0x9b: {  	s2 =	sld [smem:$0x3FFD];
	_ =	sdelay $0x3  }
0x9c: {  	_ =	strace s2  }
0x9d: {  	_ =	strace $0x8FFFFFFF  }
0x9e: {  	s19 =	sld [smem:$0x3FDB];
	_ =	sdelay $0x1  }
0x9f: {  	s20 =	simm.s32 $_scs_section_size  }
0xa0: {  	s5 =	simm.s32 $_size__tile_overlayer_lowered;
	s6 =	simm.s32 $_tile_overlayer_lowered  }
0xa1: {  	s7 =	simm.s32 $0x1BFF;
	s21 =	sshll.u32 s6, $0x1;
	s4 =	sadd.s32 s20, s19  }
0xa2: {  	s22 =	simm.s32 $0x0;
	s5 =	sshll.u32 s5, $0x1;
	s6 =	sadd.s32 s21, s4  }
0xa3: {  	[timem:s22], [sflag:s7] =	dma.local [hbm:s6], s5  }
0xa4: {  	_ =	swait.ge [sflag:s7], s5  }
0xa5: {  	s5 =	ssub.s32 $0x0, s5;
	[sflag:s7] =	ssyncset.done $0x0  }
0xa6: {  	[sflag:s7] =	ssyncadd.s32 s5;
	_ =	sdelay $0x1  }
0xa7: {  	s23 =	simm.s32 $0x1B8B  }
0xa8: {  	_ =	swait.ge [sflag:s23], $0x1  }
0xa9: {  	[sflag:s23] =	ssyncset.done $0x0  }
0xaa: {  	[sflag:s23] =	ssyncadd.s32 $0xFFFFFFFF  }
0xab: {  	s5 =	sld [smem:$0x0]  }
0xac: {  	s6 =	sand.u32 $0xFFFFFFFE, s1  }
0xad: {  	p0 =	sne.s32 s1, s6  }
0xae: {  	s6 =	sshll.u32 @p0 s6, $0xE  }
0xaf: {  	s6 =	sadd.s32 @p0 $0x11B8D, s6;
	s7 =	sshll.u32 @p0 s5, $0x11  }
0xb0: {  	s6 =	sor.u32 @p0 s7, s6  }
0xb1: {  	[sflag:s6] =	ssyncadd.remote.s32 @p0 $0x1;
	_ =	sdelay $0x1  }
0xb2: {  	s6 =	simm.s32 @p0 $0x1B8D  }
0xb3: {  	_ =	swait.eq @p0 [sflag:s6], $0x1  }
0xb4: {  	[sflag:s6] =	ssyncadd.s32 @p0 $0xFFFFFFFF  }
0xb5: {  	s7 =	sshll.u32 @!p0 s1, $0xE  }
0xb6: {  	s7 =	sor.u32 @!p0 $0x4000, s7;
	s6 =	simm.s32 @!p0 $0x1B8D  }
0xb7: {  	s5 =	sshll.u32 @!p0 s5, $0x11;
	s7 =	sadd.s32 @!p0 $0x11B8D, s7;
	_ =	swait.eq @!p0 [sflag:s6], $0x1  }
0xb8: {  	s5 =	sor.u32 @!p0 s5, s7;
	[sflag:s6] =	ssyncadd.s32 @!p0 $0xFFFFFFFF  }
0xb9: {  	s25 =	simm.s32 $0x1B8E;
	s24 =	sld [smem:$0x3FFE];
	[sflag:s5] =	ssyncadd.remote.s32 @!p0 $0x1  }
0xba: {  	s26 =	simm.s32 $execute0_lowered;
	[smem:$0x3FD2] =	sst s25  }
0xbb: {  	s6 =	sshll.u32 s26, $0x1;
	_ =	strace $0x80000049;
	[dreg:$0x1] =	wrdreg $0xFFFFFFFF  }
0xbc: {  	s28 =	simm.s32 $_size_execute0_lowered;
	s4 =	sadd.s32 s4, s6;
	[dreg:$0x0] =	wrdreg $0x0  }
0xbd: {  	s6 =	sshll.u32 s28, $0x1;
	[dreg:$0x2] =	wrdreg s4  }
0xbe: {  	[dreg:$0x3] =	wrdreg s6  }
0xbf: {  	[dreg:$0x4] =	wrdreg $0xC0  }
0xc0: {  	_ =	task [dreg:s22], $0x5FFFF  }
0xc1: {  	[dreg:$0x1] =	wrdreg $0xFFFFFFFF  }
0xc2: {  	[dreg:$0x0] =	wrdreg $0x60  }
0xc3: {  	[dreg:$0x2] =	wrdreg s24  }
0xc4: {  	[dreg:$0x3] =	wrdreg s17  }
0xc5: {  	[dreg:$0x4] =	wrdreg $0x2C100  }
0xc6: {  	[dreg:$0x5] =	wrdreg $0x9  }
0xc7: {  	_ =	task.clear_ibuf [dreg:s22], $0x6FFFF;
	_ =	strace $0x90000049  }
0xc8: {  	s29 =	simm.s32 $0x9;
	_ =	strace $0x8000004B  }
0xc9: {  	_ =	swait.ge [sflag:s29], $0x1  }
0xca: {  	[sflag:s29] =	ssyncadd.s32 $0xFFFFFFFF  }
0xcb: {  	_ =	strace $0x9000004B  }
0xcc: {  	_ =	sfence  }
0xcd: {  	s30 =	sld [smem:$0x0];
	_ =	sdelay $0x2  }
0xce: {  	s31 =	sshll.u32 s1, $0xD;
	s1 =	sshrl.u32 s1, $0x2  }
0xcf: {  	s4 =	sand.u32 $0x4000, s31;
	s1 =	sadd.s32 s1, s30  }
0xd0: {  	s0 =	sor.u32 s4, s0;
	s1 =	sshll.u32 s1, $0x11  }
0xd1: {  	s0 =	sor.u32 s1, s0  }
0xd2: {  	s0 =	sadd.s32 $0x8F2B, s0  }
0xd3: {  	[sflag:s0] =	ssyncadd.remote.s32 $0x1  }
0xd4: {  	_ =	sfence.sel $0xFFFF  }
0xd5: {  	[dreg:$0x0] =	wrdreg $0xFFFFFFFF;
	(pc) =	sbr.abs _section_cstart, $3  }
0xd6: {  	[dreg:$0x1] =	wrdreg $0xFFFFFFFF  }
0xd7: {  	_ =	task.clear_ibuf [dreg:s22], $0x2FFFF;
	_ =	strace $0x9FFFFFFF  }
0xd8: {  	(tm) =	ssettm $0x7FFFFFFF  }
0xd9: {  	_ =	shalt  }
tec
execute0_lowered:
.L_overlay_start_1:
0x0: {  	(tag) =	ssettag $0x1  }
0x1: {  	s6 =	rddreg [dreg:$0x0]  }
0x2: {  	s1 =	srdreg.scid;
	s2 =	rddreg [dreg:$0x1]  }
0x3: {  	s0 =	stileid.u32;
	s3 =	rddreg [dreg:$0x2];
	s4 =	simm.s32 $0x0  }
0x4: {  	s13 =	simm.s32 $0x50;
	s15 =	simm.s32 $0x0;
	s9 =	smul.u32 $0x3E80, s0  }
0x5: {  	s7 =	sand.u32 $0x1, s1;
	s30 =	sshll.u32 s0, $0x1;
	s11 =	smul.u32 $0xFA00, s0  }
0x6: {  	[smem:$0x7FF] =	sst s4;
	s1 =	sor.u32 s7, s30;
	s8 =	smul.u32 $0x27100, s7  }
0x7: {  	p0 =	sgt.u32 s0, $0x9;
	s7 =	ssub.s32 $0x2, s7;
	s5 =	smul.u32 $0x4E2, s1  }
0x8: {  	s1 =	rddreg [dreg:$0x3];
	_ =	strace $0x8000004A;
	s31 =	sshrl.u32 s7, $0x1  }
0x9: {  	s11 =	sshrl.u32 s11, $0x2;
	s14 =	sadd.s32 s9, s3;
	s8 =	sadd.s32 s9, s8  }
0xa: {  	s12 =	ssub.s32 s7, s31;
	s11 =	sadd.s32 s11, s3;
	s14 =	sshrl.u32 @!p0 s14, $0x3  }
0xb: {  	s10 =	sadd.s32 s5, s6;
	s5 =	sadd.s32 $0x7FB000, s6;
	s8 =	sshrl.u32 s8, $0x3  }
0xc: {  	s8 =	sadd.s32 s8, s6;
	s6 =	sadd.s32 $0x9E200, s10;
	s10 =	sshll.u32 @!p0 s0, $0x6  }
0xd: {  	s7 =	sadd.s32 $0x7FB200, s8;
	s8 =	smax.u32 s12, $0x1;
	s9 =	sor.u32 @!p0 $0x1C01, s10  }
0xe: {  	s10 =	sshrl.u32 @!p0 s11, $0x3;
	s11 =	simm.s32 $0x2710;
	s12 =	simm.s32 $0x1  }
.LBB2_1:
0xf: {  	[spmem:s10], [sflag:s9] =	dma.local @!p0 [hbm:s2], $0x7D0  }
0x10: {  	s16 =	simm.s32 @!p0 $0x1  }
0x11: {  	_ =	swait.ge @!p0 [sflag:s16], $0x7D0  }
0x12: {  	[sflag:s16] =	ssyncset.done @!p0 $0x0  }
0x13: {  	[sflag:s16] =	ssyncadd.s32 @!p0 $0xFFFFF830  }
0x14: {  	[tilespmem:s11], [sflag:$0x1] =	stream.linear.gather [hbm4b:s5+s4], $0x500, $0x38;
	[tilespmem:$0x5320] =	vst v63  }
0x15: {  	_ =	swait.ge [sflag:s12], $0x500  }
0x16: {  	[sflag:s12] =	ssyncset.done $0x0  }
0x17: {  	[sflag:s12] =	ssyncadd.s32 $0xFFFFFB00  }
0x18: {  	[tilespmem:s4], [sflag:$0x1] =	stream.linear.gather [hbm4b:s6+s4], $0x2710, $0x38;
	[tilespmem:$0x5320] =	vst v63  }
0x19: {  	_ =	swait.ge [sflag:s12], $0x2710  }
0x1a: {  	[sflag:s12] =	ssyncset.done $0x0  }
0x1b: {  	[sflag:s12] =	ssyncadd.s32 $0xFFFFD8F0  }
0x1c: {  	s31 =	simm.s32 $0x0;
	[bflag:$0x0] =	sbarrier.arrive $0xFFFF  }
0x1d: {  	[spmem:s3] =	stream.indirect.scatter.add.f32 [tilespmem:s11], [sflag:$0x1], $0x10, s31, s13, $0xb8;
	[tilespmem:$0x5320] =	vst v63  }
0x1e: {  	_ =	swait.ge [sflag:s12], $0x500  }
0x1f: {  	s16 =	simm.s32 $0x140;
	[sflag:s12] =	ssyncset.done $0x0  }
.LBB2_2:
0x20: {  	s17 =	sshra.s32 s16, $0x2;
	[sflag:s12] =	ssyncadd.s32 $0xFFFFFB00;
	p1 =	sne.s32 s16, $0x9B00  }
0x21: {  	[spmem:s3] =	stream.indirect.scatter.add.f32 [tilespmem:s11], [sflag:$0x1], $0x10, s17, s13, $0xb8;
	[tilespmem:$0x5320] =	vst v63  }
.Ltmp0:
0x22: {  	_ = 	snop;
	(pc) =	sbr.rel @p1 .LBB2_2-.Ltmp0, $4  }
0x23: {  	_ = 	snop  }
0x24: {  	s16 =	sadd.s32 $0x140, s16  }
0x25: {  	_ =	swait.ge [sflag:s12], $0x500  }
0x26: {  	[sflag:s12] =	ssyncset.done $0x0  }
0x27: {  	s15 =	sadd.s32 $0x1, s15  }
0x28: {  	[sflag:s12] =	ssyncadd.s32 $0xFFFFFB00;
	p1 =	sne.s32 s15, s8  }
.Ltmp1:
0x29: {  	s16 =	simm.s32 @!p0 $0x1;
	[bflag:$0x0] =	sbarrier.arrive $0xFFFF;
	(pc) =	sbr.rel @p1 .LBB2_1-.Ltmp1, $4  }
0x2a: {  	[hbm:s7], [sflag:s9] =	dma.local @!p0 [spmem:s14], $0x7D0  }
0x2b: {  	_ =	swait.ge @!p0 [sflag:s16], $0x7D0  }
0x2c: {  	[sflag:s16] =	ssyncset.done @!p0 $0x0  }
0x2d: {  	[sflag:s16] =	ssyncadd.s32 @!p0 $0xFFFFF830  }
0x2e: {  	_ =	sfence.sel $0x180000  }
0x2f: {  	[bflag:$0x0] =	sbarrier.arrive $0xFFFF  }
0x30: {  	p0 =	sne.s32 s0, $0x0;
	_ =	strace $0x9000004A  }
0x31: {  	s0 =	sadd.s32 @!p0 $0x100000, s1;
	[bflag:$0x2] =	sbarrier.arrive $0xFFFF  }
0x32: {  	[sflag:s0] =	ssyncadd.tile.s32 @!p0 $0x1;
	_ =	shalt  }
.Lfunc_end2:
_tile_overlayer_lowered:
.L_overlay_start_2:
0x33: {  	(tag) =	ssettag $0x2  }
0x34: {  	s0 =	rddreg [dreg:$0x0];
	s2 =	stileid.u32  }
0x35: {  	s1 =	rddreg [dreg:$0x1];
	p0 =	sne.s32 s2, $0x0  }
0x36: {  	s3 =	rddreg [dreg:$0x2];
	[bflag:$0x3] =	sbarrier.arrive $0xFFFF;
	s2 =	simm.s32 @!p0 $0x1C01  }
0x37: {  	[timem:s3], [sflag:s2] =	dma.local @!p0 [hbm:s0], s1  }
0x38: {  	s0 =	simm.s32 @!p0 $0x1  }
0x39: {  	_ =	swait.ge @!p0 [sflag:s0], s1  }
0x3a: {  	s1 =	ssub.s32 @!p0 $0x0, s1;
	[sflag:s0] =	ssyncset.done @!p0 $0x0  }
0x3b: {  	[sflag:s0] =	ssyncadd.s32 @!p0 s1  }
0x3c: {  	[bflag:$0x3] =	sbarrier.arrive $0xFFFF  }
0x3d: {  	_ =	shalt  }

// kernel: kernel.17.cloned.1.call-start
scs
__scs_entry_jumppad:
0x0: {  	(pc) =	sbr.rel $0x88, $3  }
0x1: {  	(tag) =	ssettag $0x0;
	lr =	simm.s32 $0x1  }
0x2: {  	[smem:$0x3F80] =	sst lr;
	_ =	strace $0xD0000000  }
0x3: {  	_ = 	snop  }
0x4: {  	_ = 	snop  }
0x5: {  	_ = 	snop  }
0x6: {  	_ = 	snop  }
0x7: {  	_ = 	snop  }
__scs_overlays_trampoline_lowered:
0x8: {  	[smem:$0x3F8F] =	sst s0  }
0x9: {  	[smem:$0x3F90] =	sst s1  }
0xa: {  	[smem:$0x3F91] =	sst s2  }
0xb: {  	[smem:$0x3F92] =	sst s3  }
0xc: {  	[smem:$0x3F93] =	sst s4  }
0xd: {  	[smem:$0x3F94] =	sst s5  }
0xe: {  	[smem:$0x3F95] =	sst s6  }
0xf: {  	[smem:$0x3F96] =	sst s7  }
0x10: {  	[smem:$0x3F97] =	sst s8  }
0x11: {  	[smem:$0x3F98] =	sst s9;
	s0 =	simm.s32 @!p0 $0x0  }
0x12: {  	s1 =	sld [smem:$0x3F7E];
	s0 =	simm.s32 @p0 $0x1  }
0x13: {  	[smem:$0x3F99] =	sst s0;
	s0 =	simm.s32 @!p1 $0x0  }
0x14: {  	s2 =	sld [smem:$0x3F7D];
	s0 =	simm.s32 @p1 $0x1  }
0x15: {  	[smem:$0x3F9A] =	sst s0;
	s0 =	simm.s32 @!p2 $0x0  }
0x16: {  	s3 =	sld [smem:$0x3FDB];
	s0 =	simm.s32 @p2 $0x1  }
0x17: {  	s4 =	simm.s32 $0x1BF5;
	[smem:$0x3F9C] =	sst s0  }
0x18: {  	s0 =	sld [smem:$0x3F7F];
	_ =	swait.ge [sflag:s4], $0x0  }
0x19: {  	s7 =	sld [smem:$0x3F80]  }
0x1a: {  	s8 =	sadd.s32 $0xFFFFE003, lr  }
0x1b: {  	s9 =	sadd.s32 $0xFFFFFEF7, lr;
	s5 =	simm.s32 $0xFFFFFFFF;
	p2 =	slt.u32 s8, $0xFFFFF086  }
0x1c: {  	p1 =	slt.u32 s9, $0xF7A;
	s5 =	simm.s32 @!p2 $0x0  }
0x1d: {  	s5 =	simm.s32 @p1 $0x1;
	p0 =	seq.s32 s7, s2  }
0x1e: {  	s7 =	smul.u32 @!p0 $0xF7A, s2;
	p2 =	seq.s32 @!p0 s5, $0x0  }
0x1f: {  	s9 =	smul.u32 $0xF7A, s1;
	s8 =	simm.s32 @!p0 $0x1BF5;
	p2 =	por !p2, p0  }
0x20: {  	[sflag:s8] =	ssyncset.s32 @!p0 $0xFFFFF086;
	s6 =	sadd.s32 @!p0 s3, s7;
	s7 =	simm.s32 @!p0 $0x108  }
0x21: {  	s3 =	sadd.s32 s3, s9;
	s6 =	sadd.s32 @!p0 $0x88, s6;
	s7 =	simm.s32 @p2 $0x1082  }
0x22: {  	[simem:s7], [sflag:s8] =	dma.local @!p0 [hbm:s6], $0xF7A  }
0x23: {  	s9 =	sor.u32 $0xD0000000, s2;
	s6 =	simm.s32 $0x108;
	_ =	swait.ge @!p0 [sflag:s8], $0x0  }
0x24: {  	s3 =	sadd.s32 $0x88, s3;
	s6 =	simm.s32 @!p1 $0x1082;
	[sflag:s4] =	ssyncset.s32 $0xFFFFF086  }
0x25: {  	[simem:s6], [sflag:s4] =	dma.local [hbm:s3], $0xF7A  }
0x26: {  	[smem:$0x3F80] =	sst s1;
	(tag) =	ssettag s2;
	_ =	strace s9  }
0x27: {  	s1 =	sld [smem:$0x3F90]  }
0x28: {  	s2 =	sld [smem:$0x3F91]  }
0x29: {  	s4 =	sld [smem:$0x3F93]  }
0x2a: {  	p0 =	seq.s32 s5, $0x0;
	s5 =	sld [smem:$0x3F94]  }
0x2b: {  	s6 =	sld [smem:$0x3F95]  }
0x2c: {  	s7 =	sld [smem:$0x3F96]  }
0x2d: {  	s3 =	simm.s32 $0x108;
	s8 =	sld [smem:$0x3F97]  }
0x2e: {  	s3 =	simm.s32 @!p0 $0x1082;
	s9 =	sld [smem:$0x3F98]  }
0x2f: {  	lr =	sadd.s32 s0, s3;
	s0 =	sld [smem:$0x3F8F]  }
0x30: {  	s3 =	sld [smem:$0x3F92]  }
0x31: {  	[smem:$0x3F9B] =	sst s10  }
0x32: {  	s10 =	sld [smem:$0x3F99];
	_ =	sdelay $0x3  }
0x33: {  	p0 =	seq.s32 s10, $0x1;
	s10 =	sld [smem:$0x3F9B];
	_ =	sdelay $0x3  }
0x34: {  	[smem:$0x3F9B] =	sst s10  }
0x35: {  	s10 =	sld [smem:$0x3F9A];
	_ =	sdelay $0x3  }
0x36: {  	p1 =	seq.s32 s10, $0x1;
	s10 =	sld [smem:$0x3F9B];
	_ =	sdelay $0x3  }
0x37: {  	[smem:$0x3F9B] =	sst s10  }
0x38: {  	s10 =	sld [smem:$0x3F9C]  }
0x39: {  	_ = 	snop;
	(pc) =	sbr.ind lr, $3  }
0x3a: {  	_ = 	snop  }
0x3b: {  	_ = 	snop  }
0x3c: {  	p2 =	seq.s32 s10, $0x1;
	s10 =	sld [smem:$0x3F9B]  }
0x3d: {  	_ =	shalt  }
0x3e: {  	_ =	shalt  }
0x3f: {  	_ =	shalt  }
0x40: {  	_ =	shalt  }
0x41: {  	_ =	shalt  }
0x42: {  	_ =	shalt  }
0x43: {  	_ =	shalt  }
0x44: {  	_ =	shalt  }
0x45: {  	_ =	shalt  }
0x46: {  	_ =	shalt  }
0x47: {  	_ =	shalt  }
0x48: {  	_ =	shalt  }
0x49: {  	_ =	shalt  }
0x4a: {  	_ =	shalt  }
0x4b: {  	_ =	shalt  }
0x4c: {  	_ =	shalt  }
0x4d: {  	_ =	shalt  }
0x4e: {  	_ =	shalt  }
0x4f: {  	_ =	shalt  }
0x50: {  	_ =	shalt  }
0x51: {  	_ =	shalt  }
0x52: {  	_ =	shalt  }
0x53: {  	_ =	shalt  }
0x54: {  	_ =	shalt  }
0x55: {  	_ =	shalt  }
0x56: {  	_ =	shalt  }
0x57: {  	_ =	shalt  }
0x58: {  	_ =	shalt  }
0x59: {  	_ =	shalt  }
0x5a: {  	_ =	shalt  }
0x5b: {  	_ =	shalt  }
0x5c: {  	_ =	shalt  }
0x5d: {  	_ =	shalt  }
0x5e: {  	_ =	shalt  }
0x5f: {  	_ =	shalt  }
0x60: {  	_ =	shalt  }
0x61: {  	_ =	shalt  }
0x62: {  	_ =	shalt  }
0x63: {  	_ =	shalt  }
0x64: {  	_ =	shalt  }
0x65: {  	_ =	shalt  }
0x66: {  	_ =	shalt  }
0x67: {  	_ =	shalt  }
0x68: {  	_ =	shalt  }
0x69: {  	_ =	shalt  }
0x6a: {  	_ =	shalt  }
0x6b: {  	_ =	shalt  }
0x6c: {  	_ =	shalt  }
0x6d: {  	_ =	shalt  }
0x6e: {  	_ =	shalt  }
0x6f: {  	_ =	shalt  }
0x70: {  	_ =	shalt  }
0x71: {  	_ =	shalt  }
0x72: {  	_ =	shalt  }
0x73: {  	_ =	shalt  }
0x74: {  	_ =	shalt  }
0x75: {  	_ =	shalt  }
0x76: {  	_ =	shalt  }
0x77: {  	_ =	shalt  }
0x78: {  	_ =	shalt  }
0x79: {  	_ =	shalt  }
0x7a: {  	_ =	shalt  }
0x7b: {  	_ =	shalt  }
0x7c: {  	_ =	shalt  }
0x7d: {  	_ =	shalt  }
0x7e: {  	_ =	shalt  }
0x7f: {  	_ =	shalt  }
0x80: {  	_ =	shalt  }
0x81: {  	_ =	shalt  }
0x82: {  	_ =	shalt  }
0x83: {  	_ =	shalt  }
0x84: {  	_ =	shalt  }
0x85: {  	_ =	shalt  }
0x86: {  	_ =	shalt  }
0x87: {  	_ =	shalt  }
.Lfunc_end0:
.L_simem_size_0:
called_computation.1_lowered:
.L_overlay_start_0:
0x88: {  	s2 =	sld [smem:$0x3FD9]  }
0x89: {  	s3 =	sld [smem:$0x3FFE];
	_ =	sdelay $0x1  }
0x8a: {  	s1 =	srdreg.scid  }
0x8b: {  	s0 =	sand.u32 $0x1, s1  }
0x8c: {  	s16 =	sshll.u32 s0, $0xA;
	s2 =	sadd.s32 s3, s2  }
0x8d: {  	s2 =	sadd.s32 s2, s16  }
0x8e: {  	[smem:$0x3FA7] =	sst s2  }
0x8f: {  	_ = 	snop  }
0x90: {  	(tm) =	ssettm $0x1  }
0x91: {  	s17 =	sld [smem:$0x3FFB];
	_ =	sdelay $0x3  }
0x92: {  	_ =	strace s17  }
0x93: {  	s2 =	sld [smem:$0x3FFC];
	_ =	sdelay $0x3  }
0x94: {  	_ =	strace s2  }
0x95: {  	s2 =	sld [smem:$0x3FFD];
	_ =	sdelay $0x3  }
0x96: {  	_ =	strace s2  }
0x97: {  	_ =	strace $0x8FFFFFFF  }
0x98: {  	s18 =	sld [smem:$0x3FDB];
	_ =	sdelay $0x1  }
0x99: {  	s19 =	simm.s32 $_scs_section_size  }
0x9a: {  	s4 =	simm.s32 $_size__tile_overlayer_lowered;
	s5 =	simm.s32 $_tile_overlayer_lowered  }
0x9b: {  	s22 =	simm.s32 $0x1BFF;
	s21 =	sshll.u32 s5, $0x1;
	s2 =	sadd.s32 s19, s18  }
0x9c: {  	s6 =	simm.s32 $0x0;
	s20 =	sshll.u32 s4, $0x1;
	s4 =	sadd.s32 s21, s2  }
0x9d: {  	[timem:s6], [sflag:s22] =	dma.local [hbm:s4], s20  }
0x9e: {  	_ =	swait.ge [sflag:s22], s20  }
0x9f: {  	s3 =	ssub.s32 $0x0, s20;
	[sflag:s22] =	ssyncset.done $0x0  }
0xa0: {  	[sflag:s22] =	ssyncadd.s32 s3;
	_ =	sdelay $0x1  }
0xa1: {  	s23 =	simm.s32 $0x1B8B  }
0xa2: {  	_ =	swait.ge [sflag:s23], $0x1  }
0xa3: {  	[sflag:s23] =	ssyncset.done $0x0  }
0xa4: {  	s25 =	simm.s32 $0x1B8E;
	s24 =	sld [smem:$0x3FFE];
	[sflag:s23] =	ssyncadd.s32 $0xFFFFFFFF  }
0xa5: {  	s26 =	simm.s32 $execute0_lowered;
	[smem:$0x3FD2] =	sst s25  }
0xa6: {  	s4 =	sshll.u32 s26, $0x1;
	_ =	strace $0x80000046;
	[dreg:$0x1] =	wrdreg $0xFFFFFFFF  }
0xa7: {  	s28 =	simm.s32 $_size_execute0_lowered;
	s2 =	sadd.s32 s2, s4;
	[dreg:$0x0] =	wrdreg $0x0  }
0xa8: {  	s4 =	sshll.u32 s28, $0x1;
	[dreg:$0x2] =	wrdreg s2  }
0xa9: {  	[dreg:$0x3] =	wrdreg s4  }
0xaa: {  	[dreg:$0x4] =	wrdreg $0xC0  }
0xab: {  	_ =	task [dreg:s6], $0x5FFFF  }
0xac: {  	[dreg:$0x1] =	wrdreg $0xFFFFFFFF  }
0xad: {  	[dreg:$0x0] =	wrdreg $0x60  }
0xae: {  	[dreg:$0x2] =	wrdreg s24  }
0xaf: {  	[dreg:$0x3] =	wrdreg $0xA  }
0xb0: {  	_ =	task.clear_ibuf [dreg:s6], $0x4FFFF;
	_ =	strace $0x90000046  }
0xb1: {  	s29 =	simm.s32 $0xA;
	_ =	strace $0x80000048  }
0xb2: {  	_ =	swait.ge [sflag:s29], $0x1  }
0xb3: {  	[sflag:s29] =	ssyncadd.s32 $0xFFFFFFFF  }
0xb4: {  	_ =	strace $0x90000048  }
0xb5: {  	_ =	sfence  }
0xb6: {  	s30 =	sld [smem:$0x0];
	_ =	sdelay $0x2  }
0xb7: {  	s31 =	sshll.u32 s1, $0xD;
	s1 =	sshrl.u32 s1, $0x2  }
0xb8: {  	s3 =	sand.u32 $0x4000, s31;
	s1 =	sadd.s32 s1, s30  }
0xb9: {  	s0 =	sor.u32 s3, s0;
	s1 =	sshll.u32 s1, $0x11  }
0xba: {  	s0 =	sor.u32 s1, s0  }
0xbb: {  	s0 =	sadd.s32 $0x8F2B, s0  }
0xbc: {  	[sflag:s0] =	ssyncadd.remote.s32 $0x1  }
0xbd: {  	_ =	sfence.sel $0xFFFF  }
0xbe: {  	[dreg:$0x0] =	wrdreg $0xFFFFFFFF;
	(pc) =	sbr.abs _section_cstart, $3  }
0xbf: {  	[dreg:$0x1] =	wrdreg $0xFFFFFFFF  }
0xc0: {  	_ =	task.clear_ibuf [dreg:s6], $0x2FFFF;
	_ =	strace $0x9FFFFFFF  }
0xc1: {  	(tm) =	ssettm $0x7FFFFFFF  }
tec
execute0_lowered:
.L_overlay_start_1:
0x0: {  	(tag) =	ssettag $0x1  }
0x1: {  	s1 =	srdreg.scid;
	s0 =	stileid.u32  }
0x2: {  	s7 =	rddreg [dreg:$0x0];
	s2 =	simm.s32 $0x0;
	s11 =	simm.s32 $0x3  }
0x3: {  	s12 =	simm.s32 $0x2710;
	s13 =	simm.s32 $0x50;
	s14 =	simm.s32 $0x4E20  }
0x4: {  	s15 =	simm.s32 $0x9E20;
	s6 =	sand.u32 $0x1, s1;
	s30 =	sshll.u32 s0, $0x1  }
0x5: {  	s16 =	simm.s32 $0x1;
	s17 =	simm.s32 $0x2;
	s3 =	sor.u32 s6, s30  }
0x6: {  	s18 =	simm.s32 $0x0;
	s1 =	rddreg [dreg:$0x1];
	s3 =	smul.u32 $0x2710, s3  }
.Ltmp0:
0x7: {  	[smem:$0x7FF] =	sst s2;
	s31 =	ssub.s32 $0x2, s6;
	(pc) =	sbr.rel .LBB2_1-.Ltmp0, $4  }
0x8: {  	s4 =	sadd.s32 $0x59800, s7;
	s5 =	sadd.s32 $0x80A00, s7;
	s10 =	sshrl.u32 s31, $0x1  }
0x9: {  	_ =	strace $0x80000047;
	s10 =	ssub.s32 s31, s10;
	s8 =	sshrl.u32 s3, $0x3  }
0xa: {  	s6 =	sadd.s32 $0x319000, s7;
	s10 =	smax.u32 s10, $0x1;
	s9 =	sadd.s32 s8, s7  }
0xb: {  	s7 =	sadd.s32 $0xA8000, s7;
	s8 =	sadd.s32 $0x94400, s9;
	s9 =	sadd.s32 $0x9E200, s9  }
.LBB2_5:
0xc: {  	s18 =	sadd.s32 $0x1, s18  }
0xd: {  	_ =	swait.ge [sflag:s17], $0x2800;
	p0 =	sne.s32 s18, s10  }
.Ltmp1:
0xe: {  	[sflag:s17] =	ssyncset.done $0x0;
	(pc) =	sbr.rel @!p0 .LBB2_6-.Ltmp1, $4  }
0xf: {  	[sflag:s17] =	ssyncadd.s32 $0xFFFFD800  }
0x10: {  	_ =	swait.ge [sflag:s17], $0x1400  }
0x11: {  	[sflag:s17] =	ssyncset.done $0x0  }
0x12: {  	[sflag:s17] =	ssyncadd.s32 $0xFFFFEC00  }
.LBB2_1:
0x13: {  	[tilespmem:s2], [sflag:$0x3] =	stream.linear.gather [hbm4b:s8+s2], $0x2710, $0x38;
	[tilespmem:$0xC620] =	vst v63  }
0x14: {  	_ =	swait.ge [sflag:s11], $0x2710  }
0x15: {  	[sflag:s11] =	ssyncset.done $0x0  }
0x16: {  	[sflag:s11] =	ssyncadd.s32 $0xFFFFD8F0  }
0x17: {  	[tilespmem:s12], [sflag:$0x3] =	stream.linear.gather [hbm4b:s9+s2], $0x2710, $0x38;
	[tilespmem:$0xC620] =	vst v63  }
0x18: {  	_ =	swait.ge [sflag:s11], $0x2710  }
.Ltmp2:
0x19: {  	[sflag:s11] =	ssyncset.done $0x0;
	(pc) =	sbr.rel .LBB2_2-.Ltmp2, $4  }
0x1a: {  	[sflag:s11] =	ssyncadd.s32 $0xFFFFD8F0  }
0x1b: {  	[tilespmem:s14], [sflag:$0x1] =	stream.indirect.gather [hbm4b:s4+s13], $0x80, s2, s13, $0xb8;
	[tilespmem:$0xC620] =	vst v63  }
0x1c: {  	s20 =	simm.s32 $0x0  }
0x1d: {  	[tilespmem:s15], [sflag:$0x1] =	stream.indirect.gather [hbm4b:s5+s13], $0x40, s12, s13, $0xb8;
	[tilespmem:$0xC620] =	vst v63  }
.LBB2_4:
0x1e: {  	s20 =	smul.u32 $0x50, s20  }
0x1f: {  	_ =	swait.ge [sflag:s16], $0x2800;
	s22 =	smul.u32 $0xA000, s21  }
0x20: {  	s31 =	smul.u32 $0x5000, s21;
	[sflag:s16] =	ssyncset.done $0x0  }
0x21: {  	p0 =	slt.u32 s19, $0x7D;
	[sflag:s16] =	ssyncadd.s32 $0xFFFFD800;
	s20 =	sadd.s32 s3, s20  }
0x22: {  	s22 =	sshrl.u32 s22, $0x2;
	s21 =	sshrl.u32 s31, $0x2;
	_ =	swait.ge [sflag:s16], $0x1400  }
0x23: {  	s23 =	sshll.u32 s20, $0x4;
	s22 =	sadd.s32 $0x4E20, s22;
	s20 =	sshll.u32 s20, $0x3  }
0x24: {  	[sflag:s16] =	ssyncset.done $0x0;
	s23 =	sand.u32 $0x1FFFFF00, s23;
	s20 =	sand.u32 $0x1FFFFF80, s20  }
.Ltmp3:
0x25: {  	[sflag:s16] =	ssyncadd.s32 $0xFFFFEC00;
	s23 =	sadd.s32 s6, s23;
	(pc) =	sbr.rel @!p0 .LBB2_5-.Ltmp3, $4  }
0x26: {  	[hbm4b:s23+s2] =	stream.linear.scatter [tilespmem:s22], [sflag:$0x2], $0x2800, $0x38;
	[tilespmem:$0xC620] =	vst v63  }
0x27: {  	s21 =	sadd.s32 $0x9E20, s21;
	s20 =	sadd.s32 s7, s20  }
0x28: {  	[hbm4b:s20+s2] =	stream.linear.scatter [tilespmem:s21], [sflag:$0x2], $0x1400, $0x38;
	[tilespmem:$0xC620] =	vst v63  }
0x29: {  	s20 =	smov.u32 s19  }
.LBB2_2:
0x2a: {  	p0 =	seq.s32 s20, $0x0  }
0x2b: {  	s19 =	simm.s32 @!p0 $0x2;
	p1 =	seq.s32 @!p0 s20, $0x7C  }
0x2c: {  	_ =	swait.ge @!p0 [sflag:s19], $0x2800;
	p1 =	por p0, !p1  }
.Ltmp4:
0x2d: {  	[sflag:s19] =	ssyncset.done @!p0 $0x0;
	(pc) =	sbr.rel @!p1 .LBB2_4-.Ltmp4, $4  }
0x2e: {  	[sflag:s19] =	ssyncadd.s32 @!p0 $0xFFFFD800  }
0x2f: {  	_ =	swait.ge @!p0 [sflag:s19], $0x1400  }
0x30: {  	[sflag:s19] =	ssyncset.done @!p0 $0x0  }
0x31: {  	s21 =	sand.u32 $0x1, s20;
	[sflag:s19] =	ssyncadd.s32 @!p0 $0xFFFFEC00;
	s19 =	simm.s32 @!p0 $0x7D  }
0x32: {  	s22 =	sxor.u32 $0x1, s21  }
0x33: {  	s19 =	sadd.s32 @!p0 $0x1, s20;
	s23 =	smul.u32 $0xA000, s22  }
0x34: {  	s19 =	simm.s32 @p0 $0x1;
	s22 =	smul.u32 $0x5000, s22  }
0x35: {  	s24 =	smul.u32 $0x50, s19  }
.Ltmp5:
0x36: {  	s23 =	sshrl.u32 s23, $0x2;
	(pc) =	sbr.rel .LBB2_4-.Ltmp5, $4  }
0x37: {  	s22 =	sshrl.u32 s22, $0x2;
	s23 =	sadd.s32 $0x4E20, s23  }
0x38: {  	[tilespmem:s23], [sflag:$0x1] =	stream.indirect.gather [hbm4b:s4+s13], $0x80, s24, s13, $0xb8;
	[tilespmem:$0xC620] =	vst v63  }
0x39: {  	s22 =	sadd.s32 $0x9E20, s22;
	s31 =	sadd.s32 $0x2710, s24  }
0x3a: {  	[tilespmem:s22], [sflag:$0x1] =	stream.indirect.gather [hbm4b:s5+s13], $0x40, s31, s13, $0xb8;
	[tilespmem:$0xC620] =	vst v63  }
.LBB2_6:
0x3b: {  	_ =	sfence.sel $0x180000  }
0x3c: {  	[bflag:$0x0] =	sbarrier.arrive $0xFFFF  }
0x3d: {  	p0 =	sne.s32 s0, $0x0;
	_ =	strace $0x90000047  }
0x3e: {  	s0 =	sadd.s32 @!p0 $0x100000, s1;
	[bflag:$0x2] =	sbarrier.arrive $0xFFFF  }
0x3f: {  	[sflag:s0] =	ssyncadd.tile.s32 @!p0 $0x1;
	_ =	shalt  }
.Lfunc_end2:
_tile_overlayer_lowered:
.L_overlay_start_2:
0x40: {  	(tag) =	ssettag $0x2  }
0x41: {  	s0 =	rddreg [dreg:$0x0];
	s2 =	stileid.u32  }
0x42: {  	s1 =	rddreg [dreg:$0x1];
	p0 =	sne.s32 s2, $0x0  }
0x43: {  	s3 =	rddreg [dreg:$0x2];
	[bflag:$0x3] =	sbarrier.arrive $0xFFFF;
	s2 =	simm.s32 @!p0 $0x1C03  }
0x44: {  	[timem:s3], [sflag:s2] =	dma.local @!p0 [hbm:s0], s1  }
0x45: {  	s0 =	simm.s32 @!p0 $0x3  }
0x46: {  	_ =	swait.ge @!p0 [sflag:s0], s1  }
0x47: {  	s1 =	ssub.s32 @!p0 $0x0, s1;
	[sflag:s0] =	ssyncset.done @!p0 $0x0  }
0x48: {  	[sflag:s0] =	ssyncadd.s32 @!p0 s1  }
0x49: {  	[bflag:$0x3] =	sbarrier.arrive $0xFFFF  }
0x4a: {  	_ =	shalt  }

// kernel: kernel.20.cloned.1.call-start
scs
__scs_entry_jumppad:
0x0: {  	(pc) =	sbr.rel $0x88, $3  }
0x1: {  	(tag) =	ssettag $0x0;
	lr =	simm.s32 $0x1  }
0x2: {  	[smem:$0x3F80] =	sst lr;
	_ =	strace $0xD0000000  }
0x3: {  	_ = 	snop  }
0x4: {  	_ = 	snop  }
0x5: {  	_ = 	snop  }
0x6: {  	_ = 	snop  }
0x7: {  	_ = 	snop  }
__scs_overlays_trampoline_lowered:
0x8: {  	[smem:$0x3F8F] =	sst s0  }
0x9: {  	[smem:$0x3F90] =	sst s1  }
0xa: {  	[smem:$0x3F91] =	sst s2  }
0xb: {  	[smem:$0x3F92] =	sst s3  }
0xc: {  	[smem:$0x3F93] =	sst s4  }
0xd: {  	[smem:$0x3F94] =	sst s5  }
0xe: {  	[smem:$0x3F95] =	sst s6  }
0xf: {  	[smem:$0x3F96] =	sst s7  }
0x10: {  	[smem:$0x3F97] =	sst s8  }
0x11: {  	[smem:$0x3F98] =	sst s9;
	s0 =	simm.s32 @!p0 $0x0  }
0x12: {  	s1 =	sld [smem:$0x3F7E];
	s0 =	simm.s32 @p0 $0x1  }
0x13: {  	[smem:$0x3F99] =	sst s0;
	s0 =	simm.s32 @!p1 $0x0  }
0x14: {  	s2 =	sld [smem:$0x3F7D];
	s0 =	simm.s32 @p1 $0x1  }
0x15: {  	[smem:$0x3F9A] =	sst s0;
	s0 =	simm.s32 @!p2 $0x0  }
0x16: {  	s3 =	sld [smem:$0x3FDB];
	s0 =	simm.s32 @p2 $0x1  }
0x17: {  	s4 =	simm.s32 $0x1BF5;
	[smem:$0x3F9C] =	sst s0  }
0x18: {  	s0 =	sld [smem:$0x3F7F];
	_ =	swait.ge [sflag:s4], $0x0  }
0x19: {  	s7 =	sld [smem:$0x3F80]  }
0x1a: {  	s8 =	sadd.s32 $0xFFFFE003, lr  }
0x1b: {  	s9 =	sadd.s32 $0xFFFFFEF7, lr;
	s5 =	simm.s32 $0xFFFFFFFF;
	p2 =	slt.u32 s8, $0xFFFFF086  }
0x1c: {  	p1 =	slt.u32 s9, $0xF7A;
	s5 =	simm.s32 @!p2 $0x0  }
0x1d: {  	s5 =	simm.s32 @p1 $0x1;
	p0 =	seq.s32 s7, s2  }
0x1e: {  	s7 =	smul.u32 @!p0 $0xF7A, s2;
	p2 =	seq.s32 @!p0 s5, $0x0  }
0x1f: {  	s9 =	smul.u32 $0xF7A, s1;
	s8 =	simm.s32 @!p0 $0x1BF5;
	p2 =	por !p2, p0  }
0x20: {  	[sflag:s8] =	ssyncset.s32 @!p0 $0xFFFFF086;
	s6 =	sadd.s32 @!p0 s3, s7;
	s7 =	simm.s32 @!p0 $0x108  }
0x21: {  	s3 =	sadd.s32 s3, s9;
	s6 =	sadd.s32 @!p0 $0x88, s6;
	s7 =	simm.s32 @p2 $0x1082  }
0x22: {  	[simem:s7], [sflag:s8] =	dma.local @!p0 [hbm:s6], $0xF7A  }
0x23: {  	s9 =	sor.u32 $0xD0000000, s2;
	s6 =	simm.s32 $0x108;
	_ =	swait.ge @!p0 [sflag:s8], $0x0  }
0x24: {  	s3 =	sadd.s32 $0x88, s3;
	s6 =	simm.s32 @!p1 $0x1082;
	[sflag:s4] =	ssyncset.s32 $0xFFFFF086  }
0x25: {  	[simem:s6], [sflag:s4] =	dma.local [hbm:s3], $0xF7A  }
0x26: {  	[smem:$0x3F80] =	sst s1;
	(tag) =	ssettag s2;
	_ =	strace s9  }
0x27: {  	s1 =	sld [smem:$0x3F90]  }
0x28: {  	s2 =	sld [smem:$0x3F91]  }
0x29: {  	s4 =	sld [smem:$0x3F93]  }
0x2a: {  	p0 =	seq.s32 s5, $0x0;
	s5 =	sld [smem:$0x3F94]  }
0x2b: {  	s6 =	sld [smem:$0x3F95]  }
0x2c: {  	s7 =	sld [smem:$0x3F96]  }
0x2d: {  	s3 =	simm.s32 $0x108;
	s8 =	sld [smem:$0x3F97]  }
0x2e: {  	s3 =	simm.s32 @!p0 $0x1082;
	s9 =	sld [smem:$0x3F98]  }
0x2f: {  	lr =	sadd.s32 s0, s3;
	s0 =	sld [smem:$0x3F8F]  }
0x30: {  	s3 =	sld [smem:$0x3F92]  }
0x31: {  	[smem:$0x3F9B] =	sst s10  }
0x32: {  	s10 =	sld [smem:$0x3F99];
	_ =	sdelay $0x3  }
0x33: {  	p0 =	seq.s32 s10, $0x1;
	s10 =	sld [smem:$0x3F9B];
	_ =	sdelay $0x3  }
0x34: {  	[smem:$0x3F9B] =	sst s10  }
0x35: {  	s10 =	sld [smem:$0x3F9A];
	_ =	sdelay $0x3  }
0x36: {  	p1 =	seq.s32 s10, $0x1;
	s10 =	sld [smem:$0x3F9B];
	_ =	sdelay $0x3  }
0x37: {  	[smem:$0x3F9B] =	sst s10  }
0x38: {  	s10 =	sld [smem:$0x3F9C]  }
0x39: {  	_ = 	snop;
	(pc) =	sbr.ind lr, $3  }
0x3a: {  	_ = 	snop  }
0x3b: {  	_ = 	snop  }
0x3c: {  	p2 =	seq.s32 s10, $0x1;
	s10 =	sld [smem:$0x3F9B]  }
0x3d: {  	_ =	shalt  }
0x3e: {  	_ =	shalt  }
0x3f: {  	_ =	shalt  }
0x40: {  	_ =	shalt  }
0x41: {  	_ =	shalt  }
0x42: {  	_ =	shalt  }
0x43: {  	_ =	shalt  }
0x44: {  	_ =	shalt  }
0x45: {  	_ =	shalt  }
0x46: {  	_ =	shalt  }
0x47: {  	_ =	shalt  }
0x48: {  	_ =	shalt  }
0x49: {  	_ =	shalt  }
0x4a: {  	_ =	shalt  }
0x4b: {  	_ =	shalt  }
0x4c: {  	_ =	shalt  }
0x4d: {  	_ =	shalt  }
0x4e: {  	_ =	shalt  }
0x4f: {  	_ =	shalt  }
0x50: {  	_ =	shalt  }
0x51: {  	_ =	shalt  }
0x52: {  	_ =	shalt  }
0x53: {  	_ =	shalt  }
0x54: {  	_ =	shalt  }
0x55: {  	_ =	shalt  }
0x56: {  	_ =	shalt  }
0x57: {  	_ =	shalt  }
0x58: {  	_ =	shalt  }
0x59: {  	_ =	shalt  }
0x5a: {  	_ =	shalt  }
0x5b: {  	_ =	shalt  }
0x5c: {  	_ =	shalt  }
0x5d: {  	_ =	shalt  }
0x5e: {  	_ =	shalt  }
0x5f: {  	_ =	shalt  }
0x60: {  	_ =	shalt  }
0x61: {  	_ =	shalt  }
0x62: {  	_ =	shalt  }
0x63: {  	_ =	shalt  }
0x64: {  	_ =	shalt  }
0x65: {  	_ =	shalt  }
0x66: {  	_ =	shalt  }
0x67: {  	_ =	shalt  }
0x68: {  	_ =	shalt  }
0x69: {  	_ =	shalt  }
0x6a: {  	_ =	shalt  }
0x6b: {  	_ =	shalt  }
0x6c: {  	_ =	shalt  }
0x6d: {  	_ =	shalt  }
0x6e: {  	_ =	shalt  }
0x6f: {  	_ =	shalt  }
0x70: {  	_ =	shalt  }
0x71: {  	_ =	shalt  }
0x72: {  	_ =	shalt  }
0x73: {  	_ =	shalt  }
0x74: {  	_ =	shalt  }
0x75: {  	_ =	shalt  }
0x76: {  	_ =	shalt  }
0x77: {  	_ =	shalt  }
0x78: {  	_ =	shalt  }
0x79: {  	_ =	shalt  }
0x7a: {  	_ =	shalt  }
0x7b: {  	_ =	shalt  }
0x7c: {  	_ =	shalt  }
0x7d: {  	_ =	shalt  }
0x7e: {  	_ =	shalt  }
0x7f: {  	_ =	shalt  }
0x80: {  	_ =	shalt  }
0x81: {  	_ =	shalt  }
0x82: {  	_ =	shalt  }
0x83: {  	_ =	shalt  }
0x84: {  	_ =	shalt  }
0x85: {  	_ =	shalt  }
0x86: {  	_ =	shalt  }
0x87: {  	_ =	shalt  }
.Lfunc_end0:
.L_simem_size_0:
called_computation.2_lowered:
.L_overlay_start_0:
0x88: {  	s2 =	sld [smem:$0x3FD9]  }
0x89: {  	s3 =	sld [smem:$0x3FFE];
	_ =	sdelay $0x1  }
0x8a: {  	s1 =	srdreg.scid  }
0x8b: {  	s0 =	sand.u32 $0x1, s1  }
0x8c: {  	s17 =	sshll.u32 s0, $0xA;
	s2 =	sadd.s32 s3, s2  }
0x8d: {  	s2 =	sadd.s32 s2, s17  }
0x8e: {  	[smem:$0x3FA7] =	sst s2  }
0x8f: {  	_ = 	snop  }
0x90: {  	(tm) =	ssettm $0x1  }
0x91: {  	s18 =	sld [smem:$0x3FFB];
	_ =	sdelay $0x3  }
0x92: {  	_ =	strace s18  }
0x93: {  	s2 =	sld [smem:$0x3FFC];
	_ =	sdelay $0x3  }
0x94: {  	_ =	strace s2  }
0x95: {  	s2 =	sld [smem:$0x3FFD];
	_ =	sdelay $0x3  }
0x96: {  	_ =	strace s2  }
0x97: {  	_ =	strace $0x8FFFFFFF  }
0x98: {  	s19 =	sld [smem:$0x3FDB];
	_ =	sdelay $0x1  }
0x99: {  	s20 =	simm.s32 $_scs_section_size  }
0x9a: {  	s4 =	simm.s32 $_size__tile_overlayer_lowered;
	s5 =	simm.s32 $_tile_overlayer_lowered  }
0x9b: {  	s6 =	simm.s32 $0x1BFF;
	s21 =	sshll.u32 s5, $0x1;
	s3 =	sadd.s32 s20, s19  }
0x9c: {  	s22 =	simm.s32 $0x0;
	s4 =	sshll.u32 s4, $0x1;
	s5 =	sadd.s32 s21, s3  }
0x9d: {  	[timem:s22], [sflag:s6] =	dma.local [hbm:s5], s4  }
0x9e: {  	_ =	swait.ge [sflag:s6], s4  }
0x9f: {  	s4 =	ssub.s32 $0x0, s4;
	[sflag:s6] =	ssyncset.done $0x0  }
0xa0: {  	[sflag:s6] =	ssyncadd.s32 s4;
	_ =	sdelay $0x1  }
0xa1: {  	s23 =	simm.s32 $0x1B8B  }
0xa2: {  	_ =	swait.ge [sflag:s23], $0x1  }
0xa3: {  	[sflag:s23] =	ssyncset.done $0x0  }
0xa4: {  	[sflag:s23] =	ssyncadd.s32 $0xFFFFFFFF  }
0xa5: {  	s4 =	sld [smem:$0x0]  }
0xa6: {  	s5 =	sand.u32 $0xFFFFFFFE, s1  }
0xa7: {  	p0 =	sne.s32 s1, s5  }
0xa8: {  	s5 =	sshll.u32 @p0 s5, $0xE  }
0xa9: {  	s5 =	sadd.s32 @p0 $0x11B8D, s5;
	s6 =	sshll.u32 @p0 s4, $0x11  }
0xaa: {  	s5 =	sor.u32 @p0 s6, s5  }
0xab: {  	[sflag:s5] =	ssyncadd.remote.s32 @p0 $0x1;
	_ =	sdelay $0x1  }
0xac: {  	s5 =	simm.s32 @p0 $0x1B8D  }
0xad: {  	_ =	swait.eq @p0 [sflag:s5], $0x1  }
0xae: {  	[sflag:s5] =	ssyncadd.s32 @p0 $0xFFFFFFFF  }
0xaf: {  	s6 =	sshll.u32 @!p0 s1, $0xE  }
0xb0: {  	s6 =	sor.u32 @!p0 $0x4000, s6;
	s5 =	simm.s32 @!p0 $0x1B8D  }
0xb1: {  	s4 =	sshll.u32 @!p0 s4, $0x11;
	s6 =	sadd.s32 @!p0 $0x11B8D, s6;
	_ =	swait.eq @!p0 [sflag:s5], $0x1  }
0xb2: {  	s4 =	sor.u32 @!p0 s4, s6;
	[sflag:s5] =	ssyncadd.s32 @!p0 $0xFFFFFFFF  }
0xb3: {  	s25 =	simm.s32 $0x1B8E;
	s24 =	sld [smem:$0x3FFE];
	[sflag:s4] =	ssyncadd.remote.s32 @!p0 $0x1  }
0xb4: {  	s26 =	simm.s32 $execute0_lowered;
	[smem:$0x3FD2] =	sst s25  }
0xb5: {  	s5 =	sshll.u32 s26, $0x1;
	_ =	strace $0x8000004C;
	[dreg:$0x1] =	wrdreg $0xFFFFFFFF  }
0xb6: {  	s28 =	simm.s32 $_size_execute0_lowered;
	s3 =	sadd.s32 s3, s5;
	[dreg:$0x0] =	wrdreg $0x0  }
0xb7: {  	s5 =	sshll.u32 s28, $0x1;
	[dreg:$0x2] =	wrdreg s3  }
0xb8: {  	[dreg:$0x3] =	wrdreg s5  }
0xb9: {  	[dreg:$0x4] =	wrdreg $0xC0  }
0xba: {  	_ =	task [dreg:s22], $0x5FFFF  }
0xbb: {  	[dreg:$0x1] =	wrdreg $0xFFFFFFFF  }
0xbc: {  	[dreg:$0x0] =	wrdreg $0x60  }
0xbd: {  	[dreg:$0x2] =	wrdreg s24  }
0xbe: {  	[dreg:$0x3] =	wrdreg $0x4F100  }
0xbf: {  	[dreg:$0x4] =	wrdreg $0xA  }
0xc0: {  	_ =	task.clear_ibuf [dreg:s22], $0x5FFFF;
	_ =	strace $0x9000004C  }
0xc1: {  	s29 =	simm.s32 $0xA;
	_ =	strace $0x8000004E  }
0xc2: {  	_ =	swait.ge [sflag:s29], $0x1  }
0xc3: {  	[sflag:s29] =	ssyncadd.s32 $0xFFFFFFFF  }
0xc4: {  	_ =	strace $0x9000004E  }
0xc5: {  	_ =	sfence  }
0xc6: {  	s30 =	sld [smem:$0x0];
	_ =	sdelay $0x2  }
0xc7: {  	s31 =	sshll.u32 s1, $0xD;
	s1 =	sshrl.u32 s1, $0x2  }
0xc8: {  	s4 =	sand.u32 $0x4000, s31;
	s1 =	sadd.s32 s1, s30  }
0xc9: {  	s0 =	sor.u32 s4, s0;
	s1 =	sshll.u32 s1, $0x11  }
0xca: {  	s0 =	sor.u32 s1, s0  }
0xcb: {  	s0 =	sadd.s32 $0x8F2B, s0  }
0xcc: {  	[sflag:s0] =	ssyncadd.remote.s32 $0x1  }
0xcd: {  	_ =	sfence.sel $0xFFFF  }
0xce: {  	[dreg:$0x0] =	wrdreg $0xFFFFFFFF;
	(pc) =	sbr.abs _section_cstart, $3  }
0xcf: {  	[dreg:$0x1] =	wrdreg $0xFFFFFFFF  }
0xd0: {  	_ =	task.clear_ibuf [dreg:s22], $0x2FFFF;
	_ =	strace $0x9FFFFFFF  }
0xd1: {  	(tm) =	ssettm $0x7FFFFFFF  }
tec
execute0_lowered:
.L_overlay_start_1:
0x0: {  	(tag) =	ssettag $0x1  }
0x1: {  	s1 =	srdreg.scid;
	s6 =	rddreg [dreg:$0x0]  }
0x2: {  	s0 =	stileid.u32;
	s2 =	rddreg [dreg:$0x1];
	s3 =	simm.s32 $0x0  }
0x3: {  	s16 =	simm.s32 $0x26C0;
	s18 =	simm.s32 $0x0;
	s9 =	smul.u32 $0xFA00, s0  }
0x4: {  	s5 =	sand.u32 $0x1, s1;
	s1 =	rddreg [dreg:$0x2];
	s12 =	smul.u32 $0x3E800, s0  }
0x5: {  	s24 =	sshll.u32 s0, $0x1;
	[smem:$0x7FF] =	sst s3;
	s14 =	smul.u32 $0x4E20, s0  }
0x6: {  	s10 =	sadd.s32 $0x805800, s6;
	p0 =	sgt.u32 s0, $0x9;
	s8 =	smul.u32 $0x9C400, s5  }
0x7: {  	s7 =	sor.u32 s5, s24;
	s13 =	ssub.s32 $0x2, s5;
	s15 =	smul.u32 $0x2710, s5  }
0x8: {  	_ =	strace $0x8000004D;
	s4 =	smul.u32 $0x2710, s7;
	s25 =	sshrl.u32 s13, $0x1  }
0x9: {  	s26 =	sshrl.u32 s12, $0x2;
	s28 =	smul.u32 $0x13880, s7;
	s17 =	sadd.s32 s9, s2  }
0xa: {  	s8 =	sadd.s32 s9, s8;
	s13 =	ssub.s32 s13, s25;
	s12 =	sadd.s32 s26, s2  }
0xb: {  	s29 =	sadd.s32 s15, s14;
	s14 =	simm.s32 $0x1;
	s15 =	simm.s32 $0x50  }
0xc: {  	s17 =	sshrl.u32 @!p0 s17, $0x3;
	s4 =	sshrl.u32 s4, $0x3;
	s8 =	sshrl.u32 s8, $0x3  }
0xd: {  	s30 =	sshll.u32 s29, $0x3;
	s11 =	sadd.s32 s4, s6;
	s4 =	sadd.s32 $0x59800, s6  }
0xe: {  	s8 =	sadd.s32 s8, s6;
	s6 =	sadd.s32 s10, s28;
	s31 =	sadd.s32 s10, s30  }
0xf: {  	s10 =	sshll.u32 @!p0 s0, $0x6;
	s5 =	sadd.s32 $0x9E200, s11;
	s7 =	sadd.s32 $0x5B800, s8  }
0x10: {  	s8 =	smax.u32 s13, $0x1;
	s9 =	sadd.s32 $0x280, s31;
	s10 =	sor.u32 @!p0 $0x1C02, s10  }
0x11: {  	s11 =	sshrl.u32 @!p0 s12, $0x3;
	s12 =	simm.s32 $0x2;
	s13 =	simm.s32 $0x2710  }
.LBB2_1:
0x12: {  	[spmem:s11], [sflag:s10] =	dma.local @!p0 [hbm:s4], $0x1F40  }
0x13: {  	s19 =	simm.s32 @!p0 $0x2  }
0x14: {  	_ =	swait.ge @!p0 [sflag:s19], $0x1F40  }
0x15: {  	[sflag:s19] =	ssyncset.done @!p0 $0x0  }
0x16: {  	s29 =	sand.u32 $0x1, s3;
	[sflag:s19] =	ssyncadd.s32 @!p0 $0xFFFFE0C0  }
0x17: {  	[tilespmem:s3], [sflag:$0x2] =	stream.linear.gather [hbm4b:s5+s3], $0x2710, $0x38;
	[tilespmem:$0xEB50] =	vst v63  }
0x18: {  	s20 =	sxor.u32 $0x1, s29;
	_ =	swait.ge [sflag:s12], $0x2710  }
0x19: {  	s20 =	smul.u32 $0x5000, s20;
	[sflag:s12] =	ssyncset.done $0x0  }
0x1a: {  	[sflag:s12] =	ssyncadd.s32 $0xFFFFD8F0  }
0x1b: {  	s20 =	sshrl.u32 s20, $0x2;
	[bflag:$0x0] =	sbarrier.arrive $0xFFFF  }
0x1c: {  	[tilespmem:s13], [sflag:$0x1] =	stream.linear.gather [hbm4b:s6+s3], $0x1400, $0x38;
	[tilespmem:$0xEB50] =	vst v63  }
0x1d: {  	s30 =	simm.s32 $0x1;
	s19 =	smul.u32 $0x5000, s29;
	s20 =	sadd.s32 $0x2710, s20  }
0x1e: {  	[tilespmem:s20], [sflag:$0x1] =	stream.linear.gather [hbm4b:s9+s3], $0x1400, $0x38;
	[tilespmem:$0xEB50] =	vst v63  }
0x1f: {  	s19 =	sshrl.u32 s19, $0x2;
	s20 =	sand.u32 $0x1, s30;
	_ =	swait.ge [sflag:s14], $0x1400  }
0x20: {  	s31 =	sxor.u32 $0x1, s20;
	s21 =	smul.u32 $0x5000, s20;
	[sflag:s14] =	ssyncset.done $0x0  }
0x21: {  	s19 =	sadd.s32 $0x2710, s19;
	s23 =	smul.u32 $0x5000, s31;
	[sflag:s14] =	ssyncadd.s32 $0xFFFFEC00  }
0x22: {  	[spmem:s2] =	stream.indirect.scatter.add.f32 [tilespmem:s19], [sflag:$0x2], $0x40, s3, s15, $0xb8;
	[tilespmem:$0xEB50] =	vst v63  }
0x23: {  	s22 =	simm.s32 $0x2;
	s20 =	sadd.s32 $0x280, s9;
	s19 =	simm.s32 $0x50  }
.LBB2_2:
0x24: {  	s23 =	sshrl.u32 s23, $0x2;
	s21 =	sshrl.u32 s21, $0x2  }
0x25: {  	_ =	swait.ge [sflag:s12], $0x1400;
	s24 =	smov.u32 s22;
	s25 =	smov.u32 s19  }
0x26: {  	s26 =	sadd.s32 $0x1, s22;
	s23 =	sadd.s32 $0x2710, s23;
	[sflag:s12] =	ssyncset.done $0x0  }
0x27: {  	p1 =	sne.s32 s22, $0x7B;
	[sflag:s12] =	ssyncadd.s32 $0xFFFFEC00  }
0x28: {  	[tilespmem:s23], [sflag:$0x1] =	stream.linear.gather [hbm4b:s20+s3], $0x1400, $0x38;
	[tilespmem:$0xEB50] =	vst v63  }
.Ltmp0:
0x29: {  	s19 =	sadd.s32 $0x50, s19;
	s20 =	sadd.s32 $0x280, s20;
	(pc) =	sbr.rel @p1 .LBB2_2-.Ltmp0, $4  }
0x2a: {  	s22 =	sand.u32 $0x1, s24;
	s24 =	sadd.s32 $0x2710, s21;
	_ =	swait.ge [sflag:s14], $0x1400  }
0x2b: {  	s21 =	smul.u32 $0x5000, s22;
	s23 =	sxor.u32 $0x1, s22;
	[sflag:s14] =	ssyncset.done $0x0  }
0x2c: {  	s22 =	smov.u32 s26;
	s23 =	smul.u32 $0x5000, s23;
	[sflag:s14] =	ssyncadd.s32 $0xFFFFEC00  }
0x2d: {  	[spmem:s2] =	stream.indirect.scatter.add.f32 [tilespmem:s24], [sflag:$0x2], $0x40, s25, s15, $0xb8;
	[tilespmem:$0xEB50] =	vst v63  }
0x2e: {  	_ =	swait.ge [sflag:s12], $0x1400  }
0x2f: {  	s22 =	sshrl.u32 s23, $0x2;
	[sflag:s12] =	ssyncset.done $0x0  }
0x30: {  	s22 =	sadd.s32 $0x2710, s22;
	[sflag:s12] =	ssyncadd.s32 $0xFFFFEC00  }
0x31: {  	[tilespmem:s22], [sflag:$0x1] =	stream.linear.gather [hbm4b:s20+s3], $0x1400, $0x38;
	[tilespmem:$0xEB50] =	vst v63  }
0x32: {  	_ =	swait.ge [sflag:s14], $0x1400  }
0x33: {  	s31 =	sshrl.u32 s21, $0x2;
	[sflag:s14] =	ssyncset.done $0x0  }
0x34: {  	s20 =	sadd.s32 $0x2710, s31;
	[sflag:s14] =	ssyncadd.s32 $0xFFFFEC00  }
0x35: {  	[spmem:s2] =	stream.indirect.scatter.add.f32 [tilespmem:s20], [sflag:$0x2], $0x40, s19, s15, $0xb8;
	[tilespmem:$0xEB50] =	vst v63  }
0x36: {  	_ =	swait.ge [sflag:s12], $0x1400  }
0x37: {  	[sflag:s12] =	ssyncset.done $0x0  }
0x38: {  	[sflag:s12] =	ssyncadd.s32 $0xFFFFEC00  }
0x39: {  	_ =	swait.ge [sflag:s14], $0x1400  }
0x3a: {  	[sflag:s14] =	ssyncset.done $0x0  }
0x3b: {  	[sflag:s14] =	ssyncadd.s32 $0xFFFFEC00  }
0x3c: {  	[spmem:s2] =	stream.indirect.scatter.add.f32 [tilespmem:s13], [sflag:$0x2], $0x40, s16, s15, $0xb8;
	[tilespmem:$0xEB50] =	vst v63  }
0x3d: {  	_ =	swait.ge [sflag:s12], $0x1400  }
0x3e: {  	s18 =	sadd.s32 $0x1, s18;
	[sflag:s12] =	ssyncset.done $0x0  }
0x3f: {  	p1 =	sne.s32 s18, s8;
	[sflag:s12] =	ssyncadd.s32 $0xFFFFEC00  }
.Ltmp1:
0x40: {  	s19 =	simm.s32 @!p0 $0x2;
	[bflag:$0x0] =	sbarrier.arrive $0xFFFF;
	(pc) =	sbr.rel @p1 .LBB2_1-.Ltmp1, $4  }
0x41: {  	[hbm:s7], [sflag:s10] =	dma.local @!p0 [spmem:s17], $0x1F40  }
0x42: {  	_ =	swait.ge @!p0 [sflag:s19], $0x1F40  }
0x43: {  	[sflag:s19] =	ssyncset.done @!p0 $0x0  }
0x44: {  	[sflag:s19] =	ssyncadd.s32 @!p0 $0xFFFFE0C0  }
0x45: {  	_ =	sfence.sel $0x180000  }
0x46: {  	[bflag:$0x0] =	sbarrier.arrive $0xFFFF  }
0x47: {  	p0 =	sne.s32 s0, $0x0;
	_ =	strace $0x9000004D  }
0x48: {  	s0 =	sadd.s32 @!p0 $0x100000, s1;
	[bflag:$0x2] =	sbarrier.arrive $0xFFFF  }
0x49: {  	[sflag:s0] =	ssyncadd.tile.s32 @!p0 $0x1;
	_ =	shalt  }
.Lfunc_end2:
_tile_overlayer_lowered:
.L_overlay_start_2:
0x4a: {  	(tag) =	ssettag $0x2  }
0x4b: {  	s0 =	rddreg [dreg:$0x0];
	s2 =	stileid.u32  }
0x4c: {  	s1 =	rddreg [dreg:$0x1];
	p0 =	sne.s32 s2, $0x0  }
0x4d: {  	s3 =	rddreg [dreg:$0x2];
	[bflag:$0x3] =	sbarrier.arrive $0xFFFF;
	s2 =	simm.s32 @!p0 $0x1C02  }
0x4e: {  	[timem:s3], [sflag:s2] =	dma.local @!p0 [hbm:s0], s1  }
0x4f: {  	s0 =	simm.s32 @!p0 $0x2  }
0x50: {  	_ =	swait.ge @!p0 [sflag:s0], s1  }
0x51: {  	s1 =	ssub.s32 @!p0 $0x0, s1;
	[sflag:s0] =	ssyncset.done @!p0 $0x0  }
0x52: {  	[sflag:s0] =	ssyncadd.s32 @!p0 s1  }
0x53: {  	[bflag:$0x3] =	sbarrier.arrive $0xFFFF  }
0x54: {  	_ =	shalt  }

// kernel: kernel.23.cloned.1.call-start
scs
__scs_entry_jumppad:
0x0: {  	(pc) =	sbr.rel $0x88, $3  }
0x1: {  	(tag) =	ssettag $0x0;
	lr =	simm.s32 $0x1  }
0x2: {  	[smem:$0x3F80] =	sst lr;
	_ =	strace $0xD0000000  }
0x3: {  	_ = 	snop  }
0x4: {  	_ = 	snop  }
0x5: {  	_ = 	snop  }
0x6: {  	_ = 	snop  }
0x7: {  	_ = 	snop  }
__scs_overlays_trampoline_lowered:
0x8: {  	[smem:$0x3F8F] =	sst s0  }
0x9: {  	[smem:$0x3F90] =	sst s1  }
0xa: {  	[smem:$0x3F91] =	sst s2  }
0xb: {  	[smem:$0x3F92] =	sst s3  }
0xc: {  	[smem:$0x3F93] =	sst s4  }
0xd: {  	[smem:$0x3F94] =	sst s5  }
0xe: {  	[smem:$0x3F95] =	sst s6  }
0xf: {  	[smem:$0x3F96] =	sst s7  }
0x10: {  	[smem:$0x3F97] =	sst s8  }
0x11: {  	[smem:$0x3F98] =	sst s9;
	s0 =	simm.s32 @!p0 $0x0  }
0x12: {  	s1 =	sld [smem:$0x3F7E];
	s0 =	simm.s32 @p0 $0x1  }
0x13: {  	[smem:$0x3F99] =	sst s0;
	s0 =	simm.s32 @!p1 $0x0  }
0x14: {  	s2 =	sld [smem:$0x3F7D];
	s0 =	simm.s32 @p1 $0x1  }
0x15: {  	[smem:$0x3F9A] =	sst s0;
	s0 =	simm.s32 @!p2 $0x0  }
0x16: {  	s3 =	sld [smem:$0x3FDB];
	s0 =	simm.s32 @p2 $0x1  }
0x17: {  	s4 =	simm.s32 $0x1BF5;
	[smem:$0x3F9C] =	sst s0  }
0x18: {  	s0 =	sld [smem:$0x3F7F];
	_ =	swait.ge [sflag:s4], $0x0  }
0x19: {  	s7 =	sld [smem:$0x3F80]  }
0x1a: {  	s8 =	sadd.s32 $0xFFFFE003, lr  }
0x1b: {  	s9 =	sadd.s32 $0xFFFFFEF7, lr;
	s5 =	simm.s32 $0xFFFFFFFF;
	p2 =	slt.u32 s8, $0xFFFFF086  }
0x1c: {  	p1 =	slt.u32 s9, $0xF7A;
	s5 =	simm.s32 @!p2 $0x0  }
0x1d: {  	s5 =	simm.s32 @p1 $0x1;
	p0 =	seq.s32 s7, s2  }
0x1e: {  	s7 =	smul.u32 @!p0 $0xF7A, s2;
	p2 =	seq.s32 @!p0 s5, $0x0  }
0x1f: {  	s9 =	smul.u32 $0xF7A, s1;
	s8 =	simm.s32 @!p0 $0x1BF5;
	p2 =	por !p2, p0  }
0x20: {  	[sflag:s8] =	ssyncset.s32 @!p0 $0xFFFFF086;
	s6 =	sadd.s32 @!p0 s3, s7;
	s7 =	simm.s32 @!p0 $0x108  }
0x21: {  	s3 =	sadd.s32 s3, s9;
	s6 =	sadd.s32 @!p0 $0x88, s6;
	s7 =	simm.s32 @p2 $0x1082  }
0x22: {  	[simem:s7], [sflag:s8] =	dma.local @!p0 [hbm:s6], $0xF7A  }
0x23: {  	s9 =	sor.u32 $0xD0000000, s2;
	s6 =	simm.s32 $0x108;
	_ =	swait.ge @!p0 [sflag:s8], $0x0  }
0x24: {  	s3 =	sadd.s32 $0x88, s3;
	s6 =	simm.s32 @!p1 $0x1082;
	[sflag:s4] =	ssyncset.s32 $0xFFFFF086  }
0x25: {  	[simem:s6], [sflag:s4] =	dma.local [hbm:s3], $0xF7A  }
0x26: {  	[smem:$0x3F80] =	sst s1;
	(tag) =	ssettag s2;
	_ =	strace s9  }
0x27: {  	s1 =	sld [smem:$0x3F90]  }
0x28: {  	s2 =	sld [smem:$0x3F91]  }
0x29: {  	s4 =	sld [smem:$0x3F93]  }
0x2a: {  	p0 =	seq.s32 s5, $0x0;
	s5 =	sld [smem:$0x3F94]  }
0x2b: {  	s6 =	sld [smem:$0x3F95]  }
0x2c: {  	s7 =	sld [smem:$0x3F96]  }
0x2d: {  	s3 =	simm.s32 $0x108;
	s8 =	sld [smem:$0x3F97]  }
0x2e: {  	s3 =	simm.s32 @!p0 $0x1082;
	s9 =	sld [smem:$0x3F98]  }
0x2f: {  	lr =	sadd.s32 s0, s3;
	s0 =	sld [smem:$0x3F8F]  }
0x30: {  	s3 =	sld [smem:$0x3F92]  }
0x31: {  	[smem:$0x3F9B] =	sst s10  }
0x32: {  	s10 =	sld [smem:$0x3F99];
	_ =	sdelay $0x3  }
0x33: {  	p0 =	seq.s32 s10, $0x1;
	s10 =	sld [smem:$0x3F9B];
	_ =	sdelay $0x3  }
0x34: {  	[smem:$0x3F9B] =	sst s10  }
0x35: {  	s10 =	sld [smem:$0x3F9A];
	_ =	sdelay $0x3  }
0x36: {  	p1 =	seq.s32 s10, $0x1;
	s10 =	sld [smem:$0x3F9B];
	_ =	sdelay $0x3  }
0x37: {  	[smem:$0x3F9B] =	sst s10  }
0x38: {  	s10 =	sld [smem:$0x3F9C]  }
0x39: {  	_ = 	snop;
	(pc) =	sbr.ind lr, $3  }
0x3a: {  	_ = 	snop  }
0x3b: {  	_ = 	snop  }
0x3c: {  	p2 =	seq.s32 s10, $0x1;
	s10 =	sld [smem:$0x3F9B]  }
0x3d: {  	_ =	shalt  }
0x3e: {  	_ =	shalt  }
0x3f: {  	_ =	shalt  }
0x40: {  	_ =	shalt  }
0x41: {  	_ =	shalt  }
0x42: {  	_ =	shalt  }
0x43: {  	_ =	shalt  }
0x44: {  	_ =	shalt  }
0x45: {  	_ =	shalt  }
0x46: {  	_ =	shalt  }
0x47: {  	_ =	shalt  }
0x48: {  	_ =	shalt  }
0x49: {  	_ =	shalt  }
0x4a: {  	_ =	shalt  }
0x4b: {  	_ =	shalt  }
0x4c: {  	_ =	shalt  }
0x4d: {  	_ =	shalt  }
0x4e: {  	_ =	shalt  }
0x4f: {  	_ =	shalt  }
0x50: {  	_ =	shalt  }
0x51: {  	_ =	shalt  }
0x52: {  	_ =	shalt  }
0x53: {  	_ =	shalt  }
0x54: {  	_ =	shalt  }
0x55: {  	_ =	shalt  }
0x56: {  	_ =	shalt  }
0x57: {  	_ =	shalt  }
0x58: {  	_ =	shalt  }
0x59: {  	_ =	shalt  }
0x5a: {  	_ =	shalt  }
0x5b: {  	_ =	shalt  }
0x5c: {  	_ =	shalt  }
0x5d: {  	_ =	shalt  }
0x5e: {  	_ =	shalt  }
0x5f: {  	_ =	shalt  }
0x60: {  	_ =	shalt  }
0x61: {  	_ =	shalt  }
0x62: {  	_ =	shalt  }
0x63: {  	_ =	shalt  }
0x64: {  	_ =	shalt  }
0x65: {  	_ =	shalt  }
0x66: {  	_ =	shalt  }
0x67: {  	_ =	shalt  }
0x68: {  	_ =	shalt  }
0x69: {  	_ =	shalt  }
0x6a: {  	_ =	shalt  }
0x6b: {  	_ =	shalt  }
0x6c: {  	_ =	shalt  }
0x6d: {  	_ =	shalt  }
0x6e: {  	_ =	shalt  }
0x6f: {  	_ =	shalt  }
0x70: {  	_ =	shalt  }
0x71: {  	_ =	shalt  }
0x72: {  	_ =	shalt  }
0x73: {  	_ =	shalt  }
0x74: {  	_ =	shalt  }
0x75: {  	_ =	shalt  }
0x76: {  	_ =	shalt  }
0x77: {  	_ =	shalt  }
0x78: {  	_ =	shalt  }
0x79: {  	_ =	shalt  }
0x7a: {  	_ =	shalt  }
0x7b: {  	_ =	shalt  }
0x7c: {  	_ =	shalt  }
0x7d: {  	_ =	shalt  }
0x7e: {  	_ =	shalt  }
0x7f: {  	_ =	shalt  }
0x80: {  	_ =	shalt  }
0x81: {  	_ =	shalt  }
0x82: {  	_ =	shalt  }
0x83: {  	_ =	shalt  }
0x84: {  	_ =	shalt  }
0x85: {  	_ =	shalt  }
0x86: {  	_ =	shalt  }
0x87: {  	_ =	shalt  }
.Lfunc_end0:
.L_simem_size_0:
called_computation.3_lowered:
.L_overlay_start_0:
0x88: {  	s2 =	sld [smem:$0x3FD9]  }
0x89: {  	s3 =	sld [smem:$0x3FFE];
	_ =	sdelay $0x1  }
0x8a: {  	s1 =	srdreg.scid  }
0x8b: {  	s0 =	sand.u32 $0x1, s1  }
0x8c: {  	s16 =	sshll.u32 s0, $0xA;
	s2 =	sadd.s32 s3, s2  }
0x8d: {  	s2 =	sadd.s32 s2, s16  }
0x8e: {  	[smem:$0x3FA7] =	sst s2  }
0x8f: {  	_ = 	snop  }
0x90: {  	(tm) =	ssettm $0x1  }
0x91: {  	s17 =	sld [smem:$0x3FFB];
	_ =	sdelay $0x3  }
0x92: {  	_ =	strace s17  }
0x93: {  	s2 =	sld [smem:$0x3FFC];
	_ =	sdelay $0x3  }
0x94: {  	_ =	strace s2  }
0x95: {  	s2 =	sld [smem:$0x3FFD];
	_ =	sdelay $0x3  }
0x96: {  	_ =	strace s2  }
0x97: {  	_ =	strace $0x8FFFFFFF  }
0x98: {  	s18 =	sld [smem:$0x3FDB];
	_ =	sdelay $0x1  }
0x99: {  	s19 =	simm.s32 $_scs_section_size  }
0x9a: {  	s4 =	simm.s32 $_size__tile_overlayer_lowered;
	s5 =	simm.s32 $_tile_overlayer_lowered  }
0x9b: {  	s22 =	simm.s32 $0x1BFF;
	s21 =	sshll.u32 s5, $0x1;
	s2 =	sadd.s32 s19, s18  }
0x9c: {  	s6 =	simm.s32 $0x0;
	s20 =	sshll.u32 s4, $0x1;
	s4 =	sadd.s32 s21, s2  }
0x9d: {  	[timem:s6], [sflag:s22] =	dma.local [hbm:s4], s20  }
0x9e: {  	_ =	swait.ge [sflag:s22], s20  }
0x9f: {  	s3 =	ssub.s32 $0x0, s20;
	[sflag:s22] =	ssyncset.done $0x0  }
0xa0: {  	[sflag:s22] =	ssyncadd.s32 s3;
	_ =	sdelay $0x1  }
0xa1: {  	s23 =	simm.s32 $0x1B8B  }
0xa2: {  	_ =	swait.ge [sflag:s23], $0x1  }
0xa3: {  	[sflag:s23] =	ssyncset.done $0x0  }
0xa4: {  	s25 =	simm.s32 $0x1B8E;
	s24 =	sld [smem:$0x3FFE];
	[sflag:s23] =	ssyncadd.s32 $0xFFFFFFFF  }
0xa5: {  	s26 =	simm.s32 $execute0_lowered;
	[smem:$0x3FD2] =	sst s25  }
0xa6: {  	s4 =	sshll.u32 s26, $0x1;
	_ =	strace $0x8000004F;
	[dreg:$0x1] =	wrdreg $0xFFFFFFFF  }
0xa7: {  	s28 =	simm.s32 $_size_execute0_lowered;
	s2 =	sadd.s32 s2, s4;
	[dreg:$0x0] =	wrdreg $0x0  }
0xa8: {  	s4 =	sshll.u32 s28, $0x1;
	[dreg:$0x2] =	wrdreg s2  }
0xa9: {  	[dreg:$0x3] =	wrdreg s4  }
0xaa: {  	[dreg:$0x4] =	wrdreg $0xC0  }
0xab: {  	_ =	task [dreg:s6], $0x5FFFF  }
0xac: {  	[dreg:$0x1] =	wrdreg $0xFFFFFFFF  }
0xad: {  	[dreg:$0x0] =	wrdreg $0x60  }
0xae: {  	[dreg:$0x2] =	wrdreg s24  }
0xaf: {  	[dreg:$0x3] =	wrdreg $0x9  }
0xb0: {  	_ =	task.clear_ibuf [dreg:s6], $0x4FFFF;
	_ =	strace $0x9000004F  }
0xb1: {  	s29 =	simm.s32 $0x9;
	_ =	strace $0x80000051  }
0xb2: {  	_ =	swait.ge [sflag:s29], $0x1  }
0xb3: {  	[sflag:s29] =	ssyncadd.s32 $0xFFFFFFFF  }
0xb4: {  	_ =	strace $0x90000051  }
0xb5: {  	_ =	sfence  }
0xb6: {  	s30 =	sld [smem:$0x0];
	_ =	sdelay $0x2  }
0xb7: {  	s31 =	sshll.u32 s1, $0xD;
	s1 =	sshrl.u32 s1, $0x2  }
0xb8: {  	s3 =	sand.u32 $0x4000, s31;
	s1 =	sadd.s32 s1, s30  }
0xb9: {  	s0 =	sor.u32 s3, s0;
	s1 =	sshll.u32 s1, $0x11  }
0xba: {  	s0 =	sor.u32 s1, s0  }
0xbb: {  	s0 =	sadd.s32 $0x8F2B, s0  }
0xbc: {  	[sflag:s0] =	ssyncadd.remote.s32 $0x1  }
0xbd: {  	_ =	sfence.sel $0xFFFF  }
0xbe: {  	[dreg:$0x0] =	wrdreg $0xFFFFFFFF;
	(pc) =	sbr.abs _section_cstart, $3  }
0xbf: {  	[dreg:$0x1] =	wrdreg $0xFFFFFFFF  }
0xc0: {  	_ =	task.clear_ibuf [dreg:s6], $0x2FFFF;
	_ =	strace $0x9FFFFFFF  }
0xc1: {  	(tm) =	ssettm $0x7FFFFFFF  }
tec
execute0_lowered:
.L_overlay_start_1:
0x0: {  	(tag) =	ssettag $0x1  }
0x1: {  	s1 =	srdreg.scid;
	s0 =	stileid.u32  }
0x2: {  	s7 =	rddreg [dreg:$0x0];
	s2 =	simm.s32 $0x0;
	s11 =	simm.s32 $0x3  }
0x3: {  	s12 =	simm.s32 $0x2710;
	s13 =	simm.s32 $0x50;
	s14 =	simm.s32 $0x4E20  }
0x4: {  	s15 =	simm.s32 $0x9E20;
	s6 =	sand.u32 $0x1, s1;
	s30 =	sshll.u32 s0, $0x1  }
0x5: {  	s16 =	simm.s32 $0x1;
	s17 =	simm.s32 $0x2;
	s3 =	sor.u32 s6, s30  }
0x6: {  	s18 =	simm.s32 $0x0;
	s1 =	rddreg [dreg:$0x1];
	s3 =	smul.u32 $0x2710, s3  }
.Ltmp0:
0x7: {  	[smem:$0x7FF] =	sst s2;
	s31 =	ssub.s32 $0x2, s6;
	(pc) =	sbr.rel .LBB2_1-.Ltmp0, $4  }
0x8: {  	s4 =	sadd.s32 $0x31400, s7;
	s5 =	sadd.s32 $0x805800, s7;
	s10 =	sshrl.u32 s31, $0x1  }
0x9: {  	_ =	strace $0x80000050;
	s10 =	ssub.s32 s31, s10;
	s8 =	sshrl.u32 s3, $0x3  }
0xa: {  	s6 =	sadd.s32 $0xA8000, s7;
	s10 =	smax.u32 s10, $0x1;
	s9 =	sadd.s32 s8, s7  }
0xb: {  	s7 =	sadd.s32 $0xAC4A00, s7;
	s8 =	sadd.s32 $0x94400, s9;
	s9 =	sadd.s32 $0x9E200, s9  }
.LBB2_5:
0xc: {  	s18 =	sadd.s32 $0x1, s18  }
0xd: {  	_ =	swait.ge [sflag:s17], $0x2800;
	p0 =	sne.s32 s18, s10  }
.Ltmp1:
0xe: {  	[sflag:s17] =	ssyncset.done $0x0;
	(pc) =	sbr.rel @!p0 .LBB2_6-.Ltmp1, $4  }
0xf: {  	[sflag:s17] =	ssyncadd.s32 $0xFFFFD800  }
0x10: {  	_ =	swait.ge [sflag:s17], $0x1400  }
0x11: {  	[sflag:s17] =	ssyncset.done $0x0  }
0x12: {  	[sflag:s17] =	ssyncadd.s32 $0xFFFFEC00  }
.LBB2_1:
0x13: {  	[tilespmem:s2], [sflag:$0x3] =	stream.linear.gather [hbm4b:s8+s2], $0x2710, $0x38;
	[tilespmem:$0xC620] =	vst v63  }
0x14: {  	_ =	swait.ge [sflag:s11], $0x2710  }
0x15: {  	[sflag:s11] =	ssyncset.done $0x0  }
0x16: {  	[sflag:s11] =	ssyncadd.s32 $0xFFFFD8F0  }
0x17: {  	[tilespmem:s12], [sflag:$0x3] =	stream.linear.gather [hbm4b:s9+s2], $0x2710, $0x38;
	[tilespmem:$0xC620] =	vst v63  }
0x18: {  	_ =	swait.ge [sflag:s11], $0x2710  }
.Ltmp2:
0x19: {  	[sflag:s11] =	ssyncset.done $0x0;
	(pc) =	sbr.rel .LBB2_2-.Ltmp2, $4  }
0x1a: {  	[sflag:s11] =	ssyncadd.s32 $0xFFFFD8F0  }
0x1b: {  	[tilespmem:s14], [sflag:$0x1] =	stream.indirect.gather [hbm4b:s4+s13], $0x80, s2, s13, $0xb8;
	[tilespmem:$0xC620] =	vst v63  }
0x1c: {  	s20 =	simm.s32 $0x0  }
0x1d: {  	[tilespmem:s15], [sflag:$0x1] =	stream.indirect.gather [hbm4b:s5+s13], $0x40, s12, s13, $0xb8;
	[tilespmem:$0xC620] =	vst v63  }
.LBB2_4:
0x1e: {  	s20 =	smul.u32 $0x50, s20  }
0x1f: {  	_ =	swait.ge [sflag:s16], $0x2800;
	s22 =	smul.u32 $0xA000, s21  }
0x20: {  	s31 =	smul.u32 $0x5000, s21;
	[sflag:s16] =	ssyncset.done $0x0  }
0x21: {  	p0 =	slt.u32 s19, $0x7D;
	[sflag:s16] =	ssyncadd.s32 $0xFFFFD800;
	s20 =	sadd.s32 s3, s20  }
0x22: {  	s22 =	sshrl.u32 s22, $0x2;
	s21 =	sshrl.u32 s31, $0x2;
	_ =	swait.ge [sflag:s16], $0x1400  }
0x23: {  	s23 =	sshll.u32 s20, $0x4;
	s22 =	sadd.s32 $0x4E20, s22;
	s20 =	sshll.u32 s20, $0x3  }
0x24: {  	[sflag:s16] =	ssyncset.done $0x0;
	s23 =	sand.u32 $0x1FFFFF00, s23;
	s20 =	sand.u32 $0x1FFFFF80, s20  }
.Ltmp3:
0x25: {  	[sflag:s16] =	ssyncadd.s32 $0xFFFFEC00;
	s23 =	sadd.s32 s6, s23;
	(pc) =	sbr.rel @!p0 .LBB2_5-.Ltmp3, $4  }
0x26: {  	[hbm4b:s23+s2] =	stream.linear.scatter [tilespmem:s22], [sflag:$0x2], $0x2800, $0x38;
	[tilespmem:$0xC620] =	vst v63  }
0x27: {  	s21 =	sadd.s32 $0x9E20, s21;
	s20 =	sadd.s32 s7, s20  }
0x28: {  	[hbm4b:s20+s2] =	stream.linear.scatter [tilespmem:s21], [sflag:$0x2], $0x1400, $0x38;
	[tilespmem:$0xC620] =	vst v63  }
0x29: {  	s20 =	smov.u32 s19  }
.LBB2_2:
0x2a: {  	p0 =	seq.s32 s20, $0x0  }
0x2b: {  	s19 =	simm.s32 @!p0 $0x2;
	p1 =	seq.s32 @!p0 s20, $0x7C  }
0x2c: {  	_ =	swait.ge @!p0 [sflag:s19], $0x2800;
	p1 =	por p0, !p1  }
.Ltmp4:
0x2d: {  	[sflag:s19] =	ssyncset.done @!p0 $0x0;
	(pc) =	sbr.rel @!p1 .LBB2_4-.Ltmp4, $4  }
0x2e: {  	[sflag:s19] =	ssyncadd.s32 @!p0 $0xFFFFD800  }
0x2f: {  	_ =	swait.ge @!p0 [sflag:s19], $0x1400  }
0x30: {  	[sflag:s19] =	ssyncset.done @!p0 $0x0  }
0x31: {  	s21 =	sand.u32 $0x1, s20;
	[sflag:s19] =	ssyncadd.s32 @!p0 $0xFFFFEC00;
	s19 =	simm.s32 @!p0 $0x7D  }
0x32: {  	s22 =	sxor.u32 $0x1, s21  }
0x33: {  	s19 =	sadd.s32 @!p0 $0x1, s20;
	s23 =	smul.u32 $0xA000, s22  }
0x34: {  	s19 =	simm.s32 @p0 $0x1;
	s22 =	smul.u32 $0x5000, s22  }
0x35: {  	s24 =	smul.u32 $0x50, s19  }
.Ltmp5:
0x36: {  	s23 =	sshrl.u32 s23, $0x2;
	(pc) =	sbr.rel .LBB2_4-.Ltmp5, $4  }
0x37: {  	s22 =	sshrl.u32 s22, $0x2;
	s23 =	sadd.s32 $0x4E20, s23  }
0x38: {  	[tilespmem:s23], [sflag:$0x1] =	stream.indirect.gather [hbm4b:s4+s13], $0x80, s24, s13, $0xb8;
	[tilespmem:$0xC620] =	vst v63  }
0x39: {  	s22 =	sadd.s32 $0x9E20, s22;
	s31 =	sadd.s32 $0x2710, s24  }
0x3a: {  	[tilespmem:s22], [sflag:$0x1] =	stream.indirect.gather [hbm4b:s5+s13], $0x40, s31, s13, $0xb8;
	[tilespmem:$0xC620] =	vst v63  }
.LBB2_6:
0x3b: {  	_ =	sfence.sel $0x180000  }
0x3c: {  	[bflag:$0x0] =	sbarrier.arrive $0xFFFF  }
0x3d: {  	p0 =	sne.s32 s0, $0x0;
	_ =	strace $0x90000050  }
0x3e: {  	s0 =	sadd.s32 @!p0 $0x100000, s1;
	[bflag:$0x2] =	sbarrier.arrive $0xFFFF  }
0x3f: {  	[sflag:s0] =	ssyncadd.tile.s32 @!p0 $0x1;
	_ =	shalt  }
.Lfunc_end2:
_tile_overlayer_lowered:
.L_overlay_start_2:
0x40: {  	(tag) =	ssettag $0x2  }
0x41: {  	s0 =	rddreg [dreg:$0x0];
	s2 =	stileid.u32  }
0x42: {  	s1 =	rddreg [dreg:$0x1];
	p0 =	sne.s32 s2, $0x0  }
0x43: {  	s3 =	rddreg [dreg:$0x2];
	[bflag:$0x3] =	sbarrier.arrive $0xFFFF;
	s2 =	simm.s32 @!p0 $0x1C03  }
0x44: {  	[timem:s3], [sflag:s2] =	dma.local @!p0 [hbm:s0], s1  }
0x45: {  	s0 =	simm.s32 @!p0 $0x3  }
0x46: {  	_ =	swait.ge @!p0 [sflag:s0], s1  }
0x47: {  	s1 =	ssub.s32 @!p0 $0x0, s1;
	[sflag:s0] =	ssyncset.done @!p0 $0x0  }
0x48: {  	[sflag:s0] =	ssyncadd.s32 @!p0 s1  }
0x49: {  	[bflag:$0x3] =	sbarrier.arrive $0xFFFF  }
0x4a: {  	_ =	shalt  }

// kernel: kernel.26.cloned.1.call-start
scs
__scs_entry_jumppad:
0x0: {  	(pc) =	sbr.rel $0x88, $3  }
0x1: {  	(tag) =	ssettag $0x0;
	lr =	simm.s32 $0x1  }
0x2: {  	[smem:$0x3F80] =	sst lr;
	_ =	strace $0xD0000000  }
0x3: {  	_ = 	snop  }
0x4: {  	_ = 	snop  }
0x5: {  	_ = 	snop  }
0x6: {  	_ = 	snop  }
0x7: {  	_ = 	snop  }
__scs_overlays_trampoline_lowered:
0x8: {  	[smem:$0x3F8F] =	sst s0  }
0x9: {  	[smem:$0x3F90] =	sst s1  }
0xa: {  	[smem:$0x3F91] =	sst s2  }
0xb: {  	[smem:$0x3F92] =	sst s3  }
0xc: {  	[smem:$0x3F93] =	sst s4  }
0xd: {  	[smem:$0x3F94] =	sst s5  }
0xe: {  	[smem:$0x3F95] =	sst s6  }
0xf: {  	[smem:$0x3F96] =	sst s7  }
0x10: {  	[smem:$0x3F97] =	sst s8  }
0x11: {  	[smem:$0x3F98] =	sst s9;
	s0 =	simm.s32 @!p0 $0x0  }
0x12: {  	s1 =	sld [smem:$0x3F7E];
	s0 =	simm.s32 @p0 $0x1  }
0x13: {  	[smem:$0x3F99] =	sst s0;
	s0 =	simm.s32 @!p1 $0x0  }
0x14: {  	s2 =	sld [smem:$0x3F7D];
	s0 =	simm.s32 @p1 $0x1  }
0x15: {  	[smem:$0x3F9A] =	sst s0;
	s0 =	simm.s32 @!p2 $0x0  }
0x16: {  	s3 =	sld [smem:$0x3FDB];
	s0 =	simm.s32 @p2 $0x1  }
0x17: {  	s4 =	simm.s32 $0x1BF5;
	[smem:$0x3F9C] =	sst s0  }
0x18: {  	s0 =	sld [smem:$0x3F7F];
	_ =	swait.ge [sflag:s4], $0x0  }
0x19: {  	s7 =	sld [smem:$0x3F80]  }
0x1a: {  	s8 =	sadd.s32 $0xFFFFE003, lr  }
0x1b: {  	s9 =	sadd.s32 $0xFFFFFEF7, lr;
	s5 =	simm.s32 $0xFFFFFFFF;
	p2 =	slt.u32 s8, $0xFFFFF086  }
0x1c: {  	p1 =	slt.u32 s9, $0xF7A;
	s5 =	simm.s32 @!p2 $0x0  }
0x1d: {  	s5 =	simm.s32 @p1 $0x1;
	p0 =	seq.s32 s7, s2  }
0x1e: {  	s7 =	smul.u32 @!p0 $0xF7A, s2;
	p2 =	seq.s32 @!p0 s5, $0x0  }
0x1f: {  	s9 =	smul.u32 $0xF7A, s1;
	s8 =	simm.s32 @!p0 $0x1BF5;
	p2 =	por !p2, p0  }
0x20: {  	[sflag:s8] =	ssyncset.s32 @!p0 $0xFFFFF086;
	s6 =	sadd.s32 @!p0 s3, s7;
	s7 =	simm.s32 @!p0 $0x108  }
0x21: {  	s3 =	sadd.s32 s3, s9;
	s6 =	sadd.s32 @!p0 $0x88, s6;
	s7 =	simm.s32 @p2 $0x1082  }
0x22: {  	[simem:s7], [sflag:s8] =	dma.local @!p0 [hbm:s6], $0xF7A  }
0x23: {  	s9 =	sor.u32 $0xD0000000, s2;
	s6 =	simm.s32 $0x108;
	_ =	swait.ge @!p0 [sflag:s8], $0x0  }
0x24: {  	s3 =	sadd.s32 $0x88, s3;
	s6 =	simm.s32 @!p1 $0x1082;
	[sflag:s4] =	ssyncset.s32 $0xFFFFF086  }
0x25: {  	[simem:s6], [sflag:s4] =	dma.local [hbm:s3], $0xF7A  }
0x26: {  	[smem:$0x3F80] =	sst s1;
	(tag) =	ssettag s2;
	_ =	strace s9  }
0x27: {  	s1 =	sld [smem:$0x3F90]  }
0x28: {  	s2 =	sld [smem:$0x3F91]  }
0x29: {  	s4 =	sld [smem:$0x3F93]  }
0x2a: {  	p0 =	seq.s32 s5, $0x0;
	s5 =	sld [smem:$0x3F94]  }
0x2b: {  	s6 =	sld [smem:$0x3F95]  }
0x2c: {  	s7 =	sld [smem:$0x3F96]  }
0x2d: {  	s3 =	simm.s32 $0x108;
	s8 =	sld [smem:$0x3F97]  }
0x2e: {  	s3 =	simm.s32 @!p0 $0x1082;
	s9 =	sld [smem:$0x3F98]  }
0x2f: {  	lr =	sadd.s32 s0, s3;
	s0 =	sld [smem:$0x3F8F]  }
0x30: {  	s3 =	sld [smem:$0x3F92]  }
0x31: {  	[smem:$0x3F9B] =	sst s10  }
0x32: {  	s10 =	sld [smem:$0x3F99];
	_ =	sdelay $0x3  }
0x33: {  	p0 =	seq.s32 s10, $0x1;
	s10 =	sld [smem:$0x3F9B];
	_ =	sdelay $0x3  }
0x34: {  	[smem:$0x3F9B] =	sst s10  }
0x35: {  	s10 =	sld [smem:$0x3F9A];
	_ =	sdelay $0x3  }
0x36: {  	p1 =	seq.s32 s10, $0x1;
	s10 =	sld [smem:$0x3F9B];
	_ =	sdelay $0x3  }
0x37: {  	[smem:$0x3F9B] =	sst s10  }
0x38: {  	s10 =	sld [smem:$0x3F9C]  }
0x39: {  	_ = 	snop;
	(pc) =	sbr.ind lr, $3  }
0x3a: {  	_ = 	snop  }
0x3b: {  	_ = 	snop  }
0x3c: {  	p2 =	seq.s32 s10, $0x1;
	s10 =	sld [smem:$0x3F9B]  }
0x3d: {  	_ =	shalt  }
0x3e: {  	_ =	shalt  }
0x3f: {  	_ =	shalt  }
0x40: {  	_ =	shalt  }
0x41: {  	_ =	shalt  }
0x42: {  	_ =	shalt  }
0x43: {  	_ =	shalt  }
0x44: {  	_ =	shalt  }
0x45: {  	_ =	shalt  }
0x46: {  	_ =	shalt  }
0x47: {  	_ =	shalt  }
0x48: {  	_ =	shalt  }
0x49: {  	_ =	shalt  }
0x4a: {  	_ =	shalt  }
0x4b: {  	_ =	shalt  }
0x4c: {  	_ =	shalt  }
0x4d: {  	_ =	shalt  }
0x4e: {  	_ =	shalt  }
0x4f: {  	_ =	shalt  }
0x50: {  	_ =	shalt  }
0x51: {  	_ =	shalt  }
0x52: {  	_ =	shalt  }
0x53: {  	_ =	shalt  }
0x54: {  	_ =	shalt  }
0x55: {  	_ =	shalt  }
0x56: {  	_ =	shalt  }
0x57: {  	_ =	shalt  }
0x58: {  	_ =	shalt  }
0x59: {  	_ =	shalt  }
0x5a: {  	_ =	shalt  }
0x5b: {  	_ =	shalt  }
0x5c: {  	_ =	shalt  }
0x5d: {  	_ =	shalt  }
0x5e: {  	_ =	shalt  }
0x5f: {  	_ =	shalt  }
0x60: {  	_ =	shalt  }
0x61: {  	_ =	shalt  }
0x62: {  	_ =	shalt  }
0x63: {  	_ =	shalt  }
0x64: {  	_ =	shalt  }
0x65: {  	_ =	shalt  }
0x66: {  	_ =	shalt  }
0x67: {  	_ =	shalt  }
0x68: {  	_ =	shalt  }
0x69: {  	_ =	shalt  }
0x6a: {  	_ =	shalt  }
0x6b: {  	_ =	shalt  }
0x6c: {  	_ =	shalt  }
0x6d: {  	_ =	shalt  }
0x6e: {  	_ =	shalt  }
0x6f: {  	_ =	shalt  }
0x70: {  	_ =	shalt  }
0x71: {  	_ =	shalt  }
0x72: {  	_ =	shalt  }
0x73: {  	_ =	shalt  }
0x74: {  	_ =	shalt  }
0x75: {  	_ =	shalt  }
0x76: {  	_ =	shalt  }
0x77: {  	_ =	shalt  }
0x78: {  	_ =	shalt  }
0x79: {  	_ =	shalt  }
0x7a: {  	_ =	shalt  }
0x7b: {  	_ =	shalt  }
0x7c: {  	_ =	shalt  }
0x7d: {  	_ =	shalt  }
0x7e: {  	_ =	shalt  }
0x7f: {  	_ =	shalt  }
0x80: {  	_ =	shalt  }
0x81: {  	_ =	shalt  }
0x82: {  	_ =	shalt  }
0x83: {  	_ =	shalt  }
0x84: {  	_ =	shalt  }
0x85: {  	_ =	shalt  }
0x86: {  	_ =	shalt  }
0x87: {  	_ =	shalt  }
.Lfunc_end0:
.L_simem_size_0:
called_computation.4_lowered:
.L_overlay_start_0:
0x88: {  	s2 =	sld [smem:$0x3FD9]  }
0x89: {  	s3 =	sld [smem:$0x3FFE];
	_ =	sdelay $0x1  }
0x8a: {  	s1 =	srdreg.scid  }
0x8b: {  	s0 =	sand.u32 $0x1, s1  }
0x8c: {  	s16 =	sshll.u32 s0, $0xA;
	s2 =	sadd.s32 s3, s2  }
0x8d: {  	s2 =	sadd.s32 s2, s16  }
0x8e: {  	[smem:$0x3FA7] =	sst s2  }
0x8f: {  	_ = 	snop  }
0x90: {  	(tm) =	ssettm $0x1  }
0x91: {  	s17 =	sld [smem:$0x3FFB];
	_ =	sdelay $0x3  }
0x92: {  	_ =	strace s17  }
0x93: {  	s2 =	sld [smem:$0x3FFC];
	_ =	sdelay $0x3  }
0x94: {  	_ =	strace s2  }
0x95: {  	s2 =	sld [smem:$0x3FFD];
	_ =	sdelay $0x3  }
0x96: {  	_ =	strace s2  }
0x97: {  	_ =	strace $0x8FFFFFFF  }
0x98: {  	s18 =	sld [smem:$0x3FDB];
	_ =	sdelay $0x1  }
0x99: {  	s19 =	simm.s32 $_scs_section_size  }
0x9a: {  	s4 =	simm.s32 $_size__tile_overlayer_lowered;
	s5 =	simm.s32 $_tile_overlayer_lowered  }
0x9b: {  	s22 =	simm.s32 $0x1BFF;
	s21 =	sshll.u32 s5, $0x1;
	s2 =	sadd.s32 s19, s18  }
0x9c: {  	s6 =	simm.s32 $0x0;
	s20 =	sshll.u32 s4, $0x1;
	s4 =	sadd.s32 s21, s2  }
0x9d: {  	[timem:s6], [sflag:s22] =	dma.local [hbm:s4], s20  }
0x9e: {  	_ =	swait.ge [sflag:s22], s20  }
0x9f: {  	s3 =	ssub.s32 $0x0, s20;
	[sflag:s22] =	ssyncset.done $0x0  }
0xa0: {  	[sflag:s22] =	ssyncadd.s32 s3;
	_ =	sdelay $0x1  }
0xa1: {  	s23 =	simm.s32 $0x1B8B  }
0xa2: {  	_ =	swait.ge [sflag:s23], $0x1  }
0xa3: {  	[sflag:s23] =	ssyncset.done $0x0  }
0xa4: {  	s25 =	simm.s32 $0x1B8E;
	s24 =	sld [smem:$0x3FFE];
	[sflag:s23] =	ssyncadd.s32 $0xFFFFFFFF  }
0xa5: {  	s26 =	simm.s32 $execute0_lowered;
	[smem:$0x3FD2] =	sst s25  }
0xa6: {  	s4 =	sshll.u32 s26, $0x1;
	_ =	strace $0x80000052;
	[dreg:$0x1] =	wrdreg $0xFFFFFFFF  }
0xa7: {  	s28 =	simm.s32 $_size_execute0_lowered;
	s2 =	sadd.s32 s2, s4;
	[dreg:$0x0] =	wrdreg $0x0  }
0xa8: {  	s4 =	sshll.u32 s28, $0x1;
	[dreg:$0x2] =	wrdreg s2  }
0xa9: {  	[dreg:$0x3] =	wrdreg s4  }
0xaa: {  	[dreg:$0x4] =	wrdreg $0xC0  }
0xab: {  	_ =	task [dreg:s6], $0x5FFFF  }
0xac: {  	[dreg:$0x1] =	wrdreg $0xFFFFFFFF  }
0xad: {  	[dreg:$0x0] =	wrdreg $0x60  }
0xae: {  	[dreg:$0x2] =	wrdreg s24  }
0xaf: {  	[dreg:$0x3] =	wrdreg $0x4F100  }
0xb0: {  	[dreg:$0x4] =	wrdreg $0x9  }
0xb1: {  	_ =	task.clear_ibuf [dreg:s6], $0x5FFFF;
	_ =	strace $0x90000052  }
0xb2: {  	s29 =	simm.s32 $0x9;
	_ =	strace $0x80000054  }
0xb3: {  	_ =	swait.ge [sflag:s29], $0x1  }
0xb4: {  	[sflag:s29] =	ssyncadd.s32 $0xFFFFFFFF  }
0xb5: {  	_ =	strace $0x90000054  }
0xb6: {  	_ =	sfence  }
0xb7: {  	s30 =	sld [smem:$0x0];
	_ =	sdelay $0x2  }
0xb8: {  	s31 =	sshll.u32 s1, $0xD;
	s1 =	sshrl.u32 s1, $0x2  }
0xb9: {  	s3 =	sand.u32 $0x4000, s31;
	s1 =	sadd.s32 s1, s30  }
0xba: {  	s0 =	sor.u32 s3, s0;
	s1 =	sshll.u32 s1, $0x11  }
0xbb: {  	s0 =	sor.u32 s1, s0  }
0xbc: {  	s0 =	sadd.s32 $0x8F2B, s0  }
0xbd: {  	[sflag:s0] =	ssyncadd.remote.s32 $0x1  }
0xbe: {  	_ =	sfence.sel $0xFFFF  }
0xbf: {  	[dreg:$0x0] =	wrdreg $0xFFFFFFFF;
	(pc) =	sbr.abs _section_cstart, $3  }
0xc0: {  	[dreg:$0x1] =	wrdreg $0xFFFFFFFF  }
0xc1: {  	_ =	task.clear_ibuf [dreg:s6], $0x2FFFF;
	_ =	strace $0x9FFFFFFF  }
0xc2: {  	(tm) =	ssettm $0x7FFFFFFF  }
0xc3: {  	_ =	shalt  }
tec
execute0_lowered:
.L_overlay_start_1:
0x0: {  	(tag) =	ssettag $0x1  }
0x1: {  	s1 =	srdreg.scid;
	s6 =	rddreg [dreg:$0x0]  }
0x2: {  	s0 =	stileid.u32;
	s2 =	rddreg [dreg:$0x1];
	s3 =	simm.s32 $0x0  }
0x3: {  	s16 =	simm.s32 $0x26C0;
	s18 =	simm.s32 $0x0;
	s9 =	smul.u32 $0xFA00, s0  }
0x4: {  	s5 =	sand.u32 $0x1, s1;
	s1 =	rddreg [dreg:$0x2];
	s12 =	smul.u32 $0x3E800, s0  }
0x5: {  	s24 =	sshll.u32 s0, $0x1;
	[smem:$0x7FF] =	sst s3;
	s14 =	smul.u32 $0x4E20, s0  }
0x6: {  	s10 =	sadd.s32 $0xA8000, s6;
	p0 =	sgt.u32 s0, $0x9;
	s8 =	smul.u32 $0x9C400, s5  }
0x7: {  	s7 =	sor.u32 s5, s24;
	s13 =	ssub.s32 $0x2, s5;
	s15 =	smul.u32 $0x2710, s5  }
0x8: {  	_ =	strace $0x80000053;
	s4 =	smul.u32 $0x2710, s7;
	s25 =	sshrl.u32 s13, $0x1  }
0x9: {  	s26 =	sshrl.u32 s12, $0x2;
	s28 =	smul.u32 $0x13880, s7;
	s17 =	sadd.s32 s9, s2  }
0xa: {  	s8 =	sadd.s32 s9, s8;
	s13 =	ssub.s32 s13, s25;
	s12 =	sadd.s32 s26, s2  }
0xb: {  	s29 =	sadd.s32 s15, s14;
	s14 =	simm.s32 $0x1;
	s15 =	simm.s32 $0x50  }
0xc: {  	s17 =	sshrl.u32 @!p0 s17, $0x3;
	s4 =	sshrl.u32 s4, $0x3;
	s8 =	sshrl.u32 s8, $0x3  }
0xd: {  	s30 =	sshll.u32 s29, $0x3;
	s11 =	sadd.s32 s4, s6;
	s4 =	sadd.s32 $0x59800, s6  }
0xe: {  	s8 =	sadd.s32 s8, s6;
	s6 =	sadd.s32 s10, s28;
	s31 =	sadd.s32 s10, s30  }
0xf: {  	s10 =	sshll.u32 @!p0 s0, $0x6;
	s5 =	sadd.s32 $0x9E200, s11;
	s7 =	sadd.s32 $0x31400, s8  }
0x10: {  	s8 =	smax.u32 s13, $0x1;
	s9 =	sadd.s32 $0x280, s31;
	s10 =	sor.u32 @!p0 $0x1C02, s10  }
0x11: {  	s11 =	sshrl.u32 @!p0 s12, $0x3;
	s12 =	simm.s32 $0x2;
	s13 =	simm.s32 $0x2710  }
.LBB2_1:
0x12: {  	[spmem:s11], [sflag:s10] =	dma.local @!p0 [hbm:s4], $0x1F40  }
0x13: {  	s19 =	simm.s32 @!p0 $0x2  }
0x14: {  	_ =	swait.ge @!p0 [sflag:s19], $0x1F40  }
0x15: {  	[sflag:s19] =	ssyncset.done @!p0 $0x0  }
0x16: {  	s29 =	sand.u32 $0x1, s3;
	[sflag:s19] =	ssyncadd.s32 @!p0 $0xFFFFE0C0  }
0x17: {  	[tilespmem:s3], [sflag:$0x2] =	stream.linear.gather [hbm4b:s5+s3], $0x2710, $0x38;
	[tilespmem:$0xEB50] =	vst v63  }
0x18: {  	s20 =	sxor.u32 $0x1, s29;
	_ =	swait.ge [sflag:s12], $0x2710  }
0x19: {  	s20 =	smul.u32 $0x5000, s20;
	[sflag:s12] =	ssyncset.done $0x0  }
0x1a: {  	[sflag:s12] =	ssyncadd.s32 $0xFFFFD8F0  }
0x1b: {  	s20 =	sshrl.u32 s20, $0x2;
	[bflag:$0x0] =	sbarrier.arrive $0xFFFF  }
0x1c: {  	[tilespmem:s13], [sflag:$0x1] =	stream.linear.gather [hbm4b:s6+s3], $0x1400, $0x38;
	[tilespmem:$0xEB50] =	vst v63  }
0x1d: {  	s30 =	simm.s32 $0x1;
	s19 =	smul.u32 $0x5000, s29;
	s20 =	sadd.s32 $0x2710, s20  }
0x1e: {  	[tilespmem:s20], [sflag:$0x1] =	stream.linear.gather [hbm4b:s9+s3], $0x1400, $0x38;
	[tilespmem:$0xEB50] =	vst v63  }
0x1f: {  	s19 =	sshrl.u32 s19, $0x2;
	s20 =	sand.u32 $0x1, s30;
	_ =	swait.ge [sflag:s14], $0x1400  }
0x20: {  	s31 =	sxor.u32 $0x1, s20;
	s21 =	smul.u32 $0x5000, s20;
	[sflag:s14] =	ssyncset.done $0x0  }
0x21: {  	s19 =	sadd.s32 $0x2710, s19;
	s23 =	smul.u32 $0x5000, s31;
	[sflag:s14] =	ssyncadd.s32 $0xFFFFEC00  }
0x22: {  	[spmem:s2] =	stream.indirect.scatter.add.f32 [tilespmem:s19], [sflag:$0x2], $0x40, s3, s15, $0xb8;
	[tilespmem:$0xEB50] =	vst v63  }
0x23: {  	s22 =	simm.s32 $0x2;
	s20 =	sadd.s32 $0x280, s9;
	s19 =	simm.s32 $0x50  }
.LBB2_2:
0x24: {  	s23 =	sshrl.u32 s23, $0x2;
	s21 =	sshrl.u32 s21, $0x2  }
0x25: {  	_ =	swait.ge [sflag:s12], $0x1400;
	s24 =	smov.u32 s22;
	s25 =	smov.u32 s19  }
0x26: {  	s26 =	sadd.s32 $0x1, s22;
	s23 =	sadd.s32 $0x2710, s23;
	[sflag:s12] =	ssyncset.done $0x0  }
0x27: {  	p1 =	sne.s32 s22, $0x7B;
	[sflag:s12] =	ssyncadd.s32 $0xFFFFEC00  }
0x28: {  	[tilespmem:s23], [sflag:$0x1] =	stream.linear.gather [hbm4b:s20+s3], $0x1400, $0x38;
	[tilespmem:$0xEB50] =	vst v63  }
.Ltmp0:
0x29: {  	s19 =	sadd.s32 $0x50, s19;
	s20 =	sadd.s32 $0x280, s20;
	(pc) =	sbr.rel @p1 .LBB2_2-.Ltmp0, $4  }
0x2a: {  	s22 =	sand.u32 $0x1, s24;
	s24 =	sadd.s32 $0x2710, s21;
	_ =	swait.ge [sflag:s14], $0x1400  }
0x2b: {  	s21 =	smul.u32 $0x5000, s22;
	s23 =	sxor.u32 $0x1, s22;
	[sflag:s14] =	ssyncset.done $0x0  }
0x2c: {  	s22 =	smov.u32 s26;
	s23 =	smul.u32 $0x5000, s23;
	[sflag:s14] =	ssyncadd.s32 $0xFFFFEC00  }
0x2d: {  	[spmem:s2] =	stream.indirect.scatter.add.f32 [tilespmem:s24], [sflag:$0x2], $0x40, s25, s15, $0xb8;
	[tilespmem:$0xEB50] =	vst v63  }
0x2e: {  	_ =	swait.ge [sflag:s12], $0x1400  }
0x2f: {  	s22 =	sshrl.u32 s23, $0x2;
	[sflag:s12] =	ssyncset.done $0x0  }
0x30: {  	s22 =	sadd.s32 $0x2710, s22;
	[sflag:s12] =	ssyncadd.s32 $0xFFFFEC00  }
0x31: {  	[tilespmem:s22], [sflag:$0x1] =	stream.linear.gather [hbm4b:s20+s3], $0x1400, $0x38;
	[tilespmem:$0xEB50] =	vst v63  }
0x32: {  	_ =	swait.ge [sflag:s14], $0x1400  }
0x33: {  	s31 =	sshrl.u32 s21, $0x2;
	[sflag:s14] =	ssyncset.done $0x0  }
0x34: {  	s20 =	sadd.s32 $0x2710, s31;
	[sflag:s14] =	ssyncadd.s32 $0xFFFFEC00  }
0x35: {  	[spmem:s2] =	stream.indirect.scatter.add.f32 [tilespmem:s20], [sflag:$0x2], $0x40, s19, s15, $0xb8;
	[tilespmem:$0xEB50] =	vst v63  }
0x36: {  	_ =	swait.ge [sflag:s12], $0x1400  }
0x37: {  	[sflag:s12] =	ssyncset.done $0x0  }
0x38: {  	[sflag:s12] =	ssyncadd.s32 $0xFFFFEC00  }
0x39: {  	_ =	swait.ge [sflag:s14], $0x1400  }
0x3a: {  	[sflag:s14] =	ssyncset.done $0x0  }
0x3b: {  	[sflag:s14] =	ssyncadd.s32 $0xFFFFEC00  }
0x3c: {  	[spmem:s2] =	stream.indirect.scatter.add.f32 [tilespmem:s13], [sflag:$0x2], $0x40, s16, s15, $0xb8;
	[tilespmem:$0xEB50] =	vst v63  }
0x3d: {  	_ =	swait.ge [sflag:s12], $0x1400  }
0x3e: {  	s18 =	sadd.s32 $0x1, s18;
	[sflag:s12] =	ssyncset.done $0x0  }
0x3f: {  	p1 =	sne.s32 s18, s8;
	[sflag:s12] =	ssyncadd.s32 $0xFFFFEC00  }
.Ltmp1:
0x40: {  	s19 =	simm.s32 @!p0 $0x2;
	[bflag:$0x0] =	sbarrier.arrive $0xFFFF;
	(pc) =	sbr.rel @p1 .LBB2_1-.Ltmp1, $4  }
0x41: {  	[hbm:s7], [sflag:s10] =	dma.local @!p0 [spmem:s17], $0x1F40  }
0x42: {  	_ =	swait.ge @!p0 [sflag:s19], $0x1F40  }
0x43: {  	[sflag:s19] =	ssyncset.done @!p0 $0x0  }
0x44: {  	[sflag:s19] =	ssyncadd.s32 @!p0 $0xFFFFE0C0  }
0x45: {  	_ =	sfence.sel $0x180000  }
0x46: {  	[bflag:$0x0] =	sbarrier.arrive $0xFFFF  }
0x47: {  	p0 =	sne.s32 s0, $0x0;
	_ =	strace $0x90000053  }
0x48: {  	s0 =	sadd.s32 @!p0 $0x100000, s1;
	[bflag:$0x2] =	sbarrier.arrive $0xFFFF  }
0x49: {  	[sflag:s0] =	ssyncadd.tile.s32 @!p0 $0x1;
	_ =	shalt  }
.Lfunc_end2:
_tile_overlayer_lowered:
.L_overlay_start_2:
0x4a: {  	(tag) =	ssettag $0x2  }
0x4b: {  	s0 =	rddreg [dreg:$0x0];
	s2 =	stileid.u32  }
0x4c: {  	s1 =	rddreg [dreg:$0x1];
	p0 =	sne.s32 s2, $0x0  }
0x4d: {  	s3 =	rddreg [dreg:$0x2];
	[bflag:$0x3] =	sbarrier.arrive $0xFFFF;
	s2 =	simm.s32 @!p0 $0x1C02  }
0x4e: {  	[timem:s3], [sflag:s2] =	dma.local @!p0 [hbm:s0], s1  }
0x4f: {  	s0 =	simm.s32 @!p0 $0x2  }
0x50: {  	_ =	swait.ge @!p0 [sflag:s0], s1  }
0x51: {  	s1 =	ssub.s32 @!p0 $0x0, s1;
	[sflag:s0] =	ssyncset.done @!p0 $0x0  }
0x52: {  	[sflag:s0] =	ssyncadd.s32 @!p0 s1  }
0x53: {  	[bflag:$0x3] =	sbarrier.arrive $0xFFFF  }
0x54: {  	_ =	shalt  }

</sc_bundles>
